<compile_context>
chip_gen: v7x
topology: tpu7x:2x2x1
jax: 0.10.2.dev20260603
libtpu: 0.0.44.dev20260713+nightly
codegen_flags: <defaults>
</compile_context>

<pallas_src>
import dataclasses
import functools

import jax
import jax.numpy as jnp
from jax import lax
from jax.experimental import pallas as pl
from jax.experimental.pallas import tpu as pltpu
from jax.experimental.pallas import tpu_sc as plsc

TILE = 256
TOK_BLK = 1024
NW = 32
LANES = 16


def _sigmoid(x):
    return 1.0 / (1.0 + jnp.exp(-x))


def _sc_compiler_params():
    cp = pltpu.CompilerParams()
    if "needs_layout_passes" in pltpu.CompilerParams.__dataclass_fields__:
        cp = dataclasses.replace(cp, needs_layout_passes=False)
    return cp


def _router_body(x_ref, rw_ref, xs_ref, sc_ref, eid_ref, grk_ref, cnt_ref,
                 meta_ref, counts):
    i = pl.program_id(0)
    nblk = pl.num_programs(0)
    num_e = rw_ref.shape[1]

    @pl.when(i == 0)
    def _():
        counts[...] = jnp.zeros_like(counts)

    x = x_ref[...]
    logits = jnp.dot(x, rw_ref[...], preferred_element_type=jnp.float32)
    m = jnp.max(logits, axis=1, keepdims=True)
    iota_e = lax.broadcasted_iota(jnp.int32, logits.shape, 1)
    eid = jnp.min(jnp.where(logits == m, iota_e, num_e), axis=1,
                  keepdims=True)
    onehot = (iota_e == eid).astype(jnp.float32)
    s = _sigmoid(m)
    xs_ref[...] = (x * s).astype(xs_ref.dtype)

    sc_ref[...] = _sigmoid(jnp.where(onehot > 0, logits, -jnp.inf))

    ii = lax.broadcasted_iota(jnp.int32, (TOK_BLK, TOK_BLK), 0)
    jj = lax.broadcasted_iota(jnp.int32, (TOK_BLK, TOK_BLK), 1)
    tril = (ii > jj).astype(jnp.float32)

    prefix = jnp.dot(tril, onehot, preferred_element_type=jnp.float32)
    local = jnp.sum(prefix * onehot, axis=1, keepdims=True)
    carried = jnp.sum(onehot * counts[...], axis=1, keepdims=True)
    grank = local + carried
    counts[...] = counts[...] + jnp.sum(onehot, axis=0, keepdims=True)

    eid_ref[...] = eid.reshape(1, TOK_BLK, 1)
    grk_ref[...] = grank.astype(jnp.int32).reshape(1, TOK_BLK, 1)

    @pl.when(i == nblk - 1)
    def _():
        c16 = jnp.concatenate([counts[...], jnp.zeros_like(counts)], axis=1)
        cnt_ref[...] = c16.astype(jnp.int32).reshape(1, 1, 2 * num_e)

        pc16 = jnp.ceil(c16 * (1.0 / TILE)) * TILE
        u16i = lax.broadcasted_iota(jnp.int32, (16, 16), 0)
        u16j = lax.broadcasted_iota(jnp.int32, (16, 16), 1)
        u16 = (u16i <= u16j).astype(jnp.float32)
        incl = jnp.dot(jnp.broadcast_to(pc16, (8, 16)), u16,
                       preferred_element_type=jnp.float32)[0:1]
        total = jnp.max(incl, keepdims=True)
        last = total * (1.0 / TILE) - 1.0
        nt2 = meta_ref.shape[1]
        itile = lax.broadcasted_iota(jnp.int32, (nt2, 1), 0).astype(jnp.float32)
        ic_col = jnp.minimum(itile, last)
        start_col = ic_col * TILE
        cmp = (incl <= start_col).astype(jnp.float32)
        te_col = jnp.sum(cmp, axis=1, keepdims=True)
        ii2 = lax.broadcasted_iota(jnp.int32, (nt2, nt2), 0)
        jj2 = lax.broadcasted_iota(jnp.int32, (nt2, nt2), 1)
        ident2 = (ii2 == jj2).astype(jnp.float32)

        def dot_t2(a):
            return lax.dot_general(a, ident2, (((0,), (0,)), ((), ())),
                                   preferred_element_type=jnp.float32)

        meta = jnp.concatenate(
            [dot_t2(te_col), dot_t2(ic_col),
             jnp.zeros((meta_ref.shape[0] - 2, nt2), jnp.float32)], axis=0)
        meta_ref[...] = meta.astype(jnp.int32)


def _router(x, rw):
    t, d = x.shape
    nblk = t // TOK_BLK
    num_e = rw.shape[1]
    return pl.pallas_call(
        _router_body,
        grid=(nblk,),
        in_specs=[
            pl.BlockSpec((TOK_BLK, d), lambda i: (i, 0)),
            pl.BlockSpec((d, num_e), lambda i: (0, 0)),
        ],
        out_specs=[
            pl.BlockSpec((TOK_BLK, d), lambda i: (i, 0)),
            pl.BlockSpec((TOK_BLK, num_e), lambda i: (i, 0)),
            pl.BlockSpec((1, TOK_BLK, 1), lambda i: (i, 0, 0)),
            pl.BlockSpec((1, TOK_BLK, 1), lambda i: (i, 0, 0)),
            pl.BlockSpec((1, 1, 2 * num_e), lambda i: (0, 0, 0)),
            pl.BlockSpec((8, 2 * LANES), lambda i: (0, 0)),
        ],
        out_shape=[
            jax.ShapeDtypeStruct((t, d), jnp.float32),
            jax.ShapeDtypeStruct((t, num_e), jnp.float32),
            jax.ShapeDtypeStruct((nblk, TOK_BLK, 1), jnp.int32),
            jax.ShapeDtypeStruct((nblk, TOK_BLK, 1), jnp.int32),
            jax.ShapeDtypeStruct((1, 1, 2 * num_e), jnp.int32),
            jax.ShapeDtypeStruct((8, 2 * LANES), jnp.int32),
        ],
        scratch_shapes=[pltpu.VMEM((1, num_e), jnp.float32)],
    )(x, rw)


def _dispatch(xs, eid, grank, counts, nt):
    t, d = xs.shape
    bpw = t // NW
    num_e = 8
    mesh = plsc.VectorSubcoreMesh(core_axis_name="c", subcore_axis_name="s")

    @functools.partial(
        pl.kernel,
        mesh=mesh,
        compiler_params=_sc_compiler_params(),
        out_type=[
            jax.ShapeDtypeStruct((nt * TILE, d), jnp.float32),
            jax.ShapeDtypeStruct((t,), jnp.int32),
        ],
        scratch_types=[
            pltpu.VMEM((bpw,), jnp.int32),
            pltpu.VMEM((bpw,), jnp.int32),
            pltpu.VMEM((1, bpw), jnp.int32),
            pltpu.VMEM((LANES,), jnp.int32),
            pltpu.VMEM((LANES,), jnp.int32),
            pltpu.VMEM((bpw, d), jnp.float32),
        ],
    )
    def k(xs_hbm, eid_hbm, grk_hbm, cnt_hbm, y_hbm, pos_hbm,
          eid_v, grk_v, pos_v, cnt_v, off_v, rows_v):
        wid = lax.axis_index("s") * 2 + lax.axis_index("c")
        base = wid * bpw
        pltpu.sync_copy(eid_hbm.at[pl.ds(base, bpw)], eid_v)
        pltpu.sync_copy(grk_hbm.at[pl.ds(base, bpw)], grk_v)
        pltpu.sync_copy(cnt_hbm, cnt_v)
        c = cnt_v[...]
        pc = (c + (TILE - 1)) & (-TILE)
        incl = plsc.cumsum(pc)
        off_v[...] = incl - pc
        for j in range(bpw // LANES):
            ev = eid_v[pl.ds(LANES * j, LANES)]
            gv = grk_v[pl.ds(LANES * j, LANES)]
            ov = plsc.load_gather(off_v, [ev])
            pos_v[0, pl.ds(LANES * j, LANES)] = ov + gv
        pltpu.sync_copy(pos_v.at[0], pos_hbm.at[pl.ds(base, bpw)])
        pltpu.sync_copy(xs_hbm.at[pl.ds(base, bpw)], rows_v)
        pltpu.sync_copy(rows_v, y_hbm.at[pos_v.at[0]])

    return k(xs, eid, grank, counts)


def _grouped(meta, y, wg, wu, wdn, nt):
    _, d, f = wg.shape

    def body(meta_ref, y_ref, wg_ref, wu_ref, wdn_ref, o_ref):
        i = pl.program_id(0)

        @pl.when(i == meta_ref[1, i])
        def _():
            yb = y_ref[...]
            g = jnp.dot(yb, wg_ref[0], preferred_element_type=jnp.float32)
            u = jnp.dot(yb, wu_ref[0], preferred_element_type=jnp.float32)
            h = g * _sigmoid(g) * u
            o_ref[...] = jnp.dot(h, wdn_ref[0],
                                 preferred_element_type=jnp.float32)

    grid_spec = pltpu.PrefetchScalarGridSpec(
        num_scalar_prefetch=1,
        grid=(nt,),
        in_specs=[
            pl.BlockSpec((TILE, d), lambda i, m: (m[1, i], 0)),
            pl.BlockSpec((1, d, f), lambda i, m: (m[0, i], 0, 0)),
            pl.BlockSpec((1, d, f), lambda i, m: (m[0, i], 0, 0)),
            pl.BlockSpec((1, f, d), lambda i, m: (m[0, i], 0, 0)),
        ],
        out_specs=pl.BlockSpec((TILE, d), lambda i, m: (m[1, i], 0)),
    )
    return pl.pallas_call(
        body,
        grid_spec=grid_spec,
        out_shape=jax.ShapeDtypeStruct((nt * TILE, d), jnp.float32),
    )(meta, y, wg, wu, wdn)


def _combine_add(osort, pos, shared):
    t = pos.shape[0]
    d = osort.shape[1]
    bpw = t // NW
    half = bpw // 2
    mesh = plsc.VectorSubcoreMesh(core_axis_name="c", subcore_axis_name="s")

    @functools.partial(
        pl.kernel,
        mesh=mesh,
        compiler_params=_sc_compiler_params(),
        out_type=jax.ShapeDtypeStruct((t, d), jnp.float32),
        scratch_types=[
            pltpu.VMEM((bpw,), jnp.int32),
            pltpu.VMEM((half, d), jnp.float32),
            pltpu.VMEM((half, d), jnp.float32),
            pltpu.SemaphoreType.DMA,
        ],
    )
    def k(os_hbm, pos_hbm, sh_hbm, o_hbm, pos_v, rows_v, sh_v, sem):
        wid = lax.axis_index("s") * 2 + lax.axis_index("c")
        base = wid * bpw
        pltpu.sync_copy(pos_hbm.at[pl.ds(base, bpw)], pos_v)
        for hf in range(2):
            hb = base + hf * half
            pltpu.async_copy(os_hbm.at[pos_v.at[pl.ds(hf * half, half)]],
                             rows_v, sem).wait()
            pltpu.sync_copy(sh_hbm.at[pl.ds(hb, half)], sh_v)

            @pl.loop(0, half)
            def _(r):
                for j in range(d // LANES):
                    sl = (r, pl.ds(LANES * j, LANES))
                    rows_v[sl] = rows_v[sl] + sh_v[sl]

            pltpu.sync_copy(rows_v, o_hbm.at[pl.ds(hb, half)])

    return k(osort, pos, shared)


def _shared(x, wsg, wsu, wsdn):
    t, d = x.shape
    blk = 256

    def body(x_ref, g_ref, u_ref, dn_ref, o_ref):
        xb = x_ref[...]
        g = jnp.dot(xb, g_ref[...], preferred_element_type=jnp.float32)
        u = jnp.dot(xb, u_ref[...], preferred_element_type=jnp.float32)
        h = g * _sigmoid(g) * u
        o_ref[...] = jnp.dot(h, dn_ref[...], preferred_element_type=jnp.float32)

    return pl.pallas_call(
        body,
        grid=(t // blk,),
        in_specs=[
            pl.BlockSpec((blk, d), lambda i: (i, 0)),
            pl.BlockSpec(wsg.shape, lambda i: (0, 0)),
            pl.BlockSpec(wsu.shape, lambda i: (0, 0)),
            pl.BlockSpec(wsdn.shape, lambda i: (0, 0)),
        ],
        out_specs=pl.BlockSpec((blk, d), lambda i: (i, 0)),
        out_shape=jax.ShapeDtypeStruct((t, d), jnp.float32),
    )(x, wsg, wsu, wsdn)


def _add(a, b):
    t, d = a.shape
    blk = 512

    def body(a_ref, b_ref, o_ref):
        o_ref[...] = a_ref[...] + b_ref[...].astype(jnp.float32)

    return pl.pallas_call(
        body,
        grid=(t // blk,),
        in_specs=[
            pl.BlockSpec((blk, a.shape[1]), lambda i: (i, 0)),
            pl.BlockSpec((blk, a.shape[1]), lambda i: (i, 0)),
        ],
        out_specs=pl.BlockSpec((blk, d), lambda i: (i, 0)),
        out_shape=jax.ShapeDtypeStruct((t, d), jnp.float32),
    )(a, b)


def kernel(hidden_states, router_w, gate_proj, up_proj, down_proj,
           shared_gate, shared_up, shared_down):
    b, s, d = hidden_states.shape
    t = b * s
    num_e = router_w.shape[1]
    nt = t // TILE + num_e

    x = hidden_states.reshape(t, d)

    xs, scores_te, eid3, grk3, cnt3, meta = _router(x, router_w)
    eid = eid3.reshape(t)
    grk = grk3.reshape(t)
    cnt = cnt3.reshape(2 * num_e)

    y, pos = _dispatch(xs, eid, grk, cnt, nt)
    osort = _grouped(meta, y, gate_proj, up_proj, down_proj, nt)

    shared = _shared(x, shared_gate, shared_up, shared_down)
    out = _combine_add(osort, pos, shared)
    return out, scores_te.T

# --- scband reference (transcript-rebuilt; emitter-appended) ---
"""Pipeline reference for scband-sequential-llama4-text-moe-24696061952101 (READ-ONLY COPY).

The authoritative reference and input builder live on the scoring server;
editing this copy changes nothing except your own understanding.
"""

import jax, jax.numpy as jnp
import numpy as np

E = 8
TOP_K = 1
B = 1
S = 2048
D = 1024
F = 1024


def setup_inputs(seed: int = 0) -> dict:
    key = jax.random.key(seed)
    ks = jax.random.split(key, 8)
    sc = lambda d: 1.0 / np.sqrt(d)
    return {
        "hidden_states": jax.random.normal(ks[0], (B, S, D), dtype=jnp.float32),
        "router_w": jax.random.normal(ks[1], (D, E), dtype=jnp.float32) * sc(D),
        "gate_proj": jax.random.normal(ks[2], (E, D, F), dtype=jnp.float32) * sc(D),
        "up_proj": jax.random.normal(ks[3], (E, D, F), dtype=jnp.float32) * sc(D),
        "down_proj": jax.random.normal(ks[4], (E, F, D), dtype=jnp.float32) * sc(F),
        "shared_gate": jax.random.normal(ks[5], (D, F), dtype=jnp.float32) * sc(D),
        "shared_up": jax.random.normal(ks[6], (D, F), dtype=jnp.float32) * sc(D),
        "shared_down": jax.random.normal(ks[7], (F, D), dtype=jnp.float32) * sc(F),
    }


def reference(hidden_states, router_w, gate_proj, up_proj, down_proj, shared_gate, shared_up, shared_down):
    b, s, d = hidden_states.shape
    x = hidden_states.reshape(-1, d)  # [T, D]
    t = x.shape[0]
    # router: Linear(hidden, E, bias=False)
    router_logits = x @ router_w  # [T, E]
    # topk along experts, scatter back into -inf matrix, transpose -> [E, T]
    top_v, top_i = jax.lax.top_k(router_logits, TOP_K)
    neg = jnp.full((t, E), -jnp.inf, dtype=router_logits.dtype)
    rows = jnp.arange(t)[:, None]
    router_scores = neg.at[rows, top_i].set(top_v).T  # [E, T]
    router_scores = jax.nn.sigmoid(router_scores.astype(jnp.float32)).astype(x.dtype)
    # gather: every token replicated for every expert, scaled by its (possibly 0) score
    routed_in = jnp.broadcast_to(x[None, :, :], (E, t, d)) * router_scores[:, :, None]  # [E, T, D]
    # per-expert Llama4TextMLP: down(silu(gate(x)) * up(x))
    g = jax.nn.silu(jnp.einsum('etd,edf->etf', routed_in, gate_proj))
    u = jnp.einsum('etd,edf->etf', routed_in, up_proj)
    routed_out = jnp.einsum('etf,efd->etd', g * u, down_proj)  # [E, T, D]
    # shared expert on all tokens
    shared = (jax.nn.silu(x @ shared_gate) * (x @ shared_up)) @ shared_down  # [T, D]
    # scatter_add of routed_out at indices arange(T) per expert == sum over experts
    out = shared + routed_out.sum(axis=0)
    return out, router_scores

if __name__ == "__main__":
    import jax
    _d = setup_inputs()
    print(jax.jit(kernel)(*tuple(_d.values())))

</pallas_src>

<mosaic_0001>
#map = affine_map<(d0, d1) -> (0, 0)>
#map1 = affine_map<(d0, d1) -> (0)>
module attributes {stable_mosaic.version = 14 : i64} {
  func.func @k(%arg0: i32, %arg1: i32, %arg2: memref<4096x1024xf32, #tpu.memory_space<hbm>>, %arg3: memref<2048xi32, #tpu.memory_space<hbm>>, %arg4: memref<2048x1024xf32, #tpu.memory_space<hbm>>, %arg5: memref<2048x1024xf32, #tpu.memory_space<hbm>>, %arg6: memref<64xi32, #tpu.memory_space<vmem>>, %arg7: memref<32x1024xf32, #tpu.memory_space<vmem>>, %arg8: memref<32x1024xf32, #tpu.memory_space<vmem>>, %arg9: memref<!tpu.dma_semaphore, #tpu.memory_space<semaphore_mem>>) attributes {dimension_semantics = [#tpu.dimension_semantics<core_parallel>, #tpu.dimension_semantics<subcore_parallel>], iteration_bounds = array<i64: 2, 16>, scalar_prefetch = 0 : i64, scratch_operands = 4 : i64, tpu.core_type = #tpu.core_type<sc_vector_subcore>, window_params = [{transform_indices = #map}, {transform_indices = #map1}, {transform_indices = #map}, {transform_indices = #map}]} {
    %mul3A = arith.constant 2 : i32
    %mul3A_0 = arith.muli %arg1, %mul3A : i32
    %add3A = arith.addi %mul3A_0, %arg0 : i32
    %mul3A_1 = arith.constant 64 : i32
    %mul3A_2 = arith.muli %add3A, %mul3A_1 : i32
    "tpu.region"() ({
      %run_scoped3A = tpu.sem_alloc : memref<!tpu.dma_semaphore, #tpu.memory_space<semaphore_mem>>
      %dma_start3A_34 = tpu.memref_slice %arg3[%mul3A_2] : memref<2048xi32, #tpu.memory_space<hbm>> -> memref<64xi32, #tpu.memory_space<hbm>>
      %dma_start3A_35 = tpu.memref_slice %arg3[%mul3A_2] : memref<2048xi32, #tpu.memory_space<hbm>> -> memref<64xi32, #tpu.memory_space<hbm>>
      tpu.enqueue_dma source(%dma_start3A_35 : memref<64xi32, #tpu.memory_space<hbm>>) target(%arg6 : memref<64xi32, #tpu.memory_space<vmem>>) target_semaphore(%run_scoped3A : memref<!tpu.dma_semaphore, #tpu.memory_space<semaphore_mem>>)
      %dma_wait3A_36 = tpu.memref_slice %arg3[%mul3A_2] : memref<2048xi32, #tpu.memory_space<hbm>> -> memref<64xi32, #tpu.memory_space<hbm>>
      %dma_wait3A_37 = tpu.memref_slice %arg3[%mul3A_2] : memref<2048xi32, #tpu.memory_space<hbm>> -> memref<64xi32, #tpu.memory_space<hbm>>
      tpu.wait_dma2 semaphore(%run_scoped3A : memref<!tpu.dma_semaphore, #tpu.memory_space<semaphore_mem>>) src(%dma_wait3A_37 : memref<64xi32, #tpu.memory_space<hbm>>) dst(%arg6 : memref<64xi32, #tpu.memory_space<vmem>>)
      tpu.yield
    }) : () -> ()
    %add3A_3 = arith.constant 0 : i32
    %add3A_4 = arith.addi %mul3A_2, %add3A_3 : i32
    %dma_start3A = arith.constant 0 : i32
    %dma_start3A_5 = tpu.memref_slice %arg6[%dma_start3A] : memref<64xi32, #tpu.memory_space<vmem>> -> memref<32xi32, #tpu.memory_space<vmem>>
    %dma_start3A_6 = arith.constant 0 : i32
    %dma_start3A_7 = arith.constant 0 : i32
    %dma_start3A_8 = tpu.memref_slice %arg2[%dma_start3A_6, %dma_start3A_7] : memref<4096x1024xf32, #tpu.memory_space<hbm>> -> memref<4096x1024xf32, #tpu.memory_space<hbm>>
    tpu.enqueue_indirect_dma source(%dma_start3A_8 : memref<4096x1024xf32, #tpu.memory_space<hbm>>) target(%arg7 : memref<32x1024xf32, #tpu.memory_space<vmem>>) offsets(%dma_start3A_5 : memref<32xi32, #tpu.memory_space<vmem>>) semaphore(%arg9 : memref<!tpu.dma_semaphore, #tpu.memory_space<semaphore_mem>>)
    %dma_wait3A = arith.constant 0 : i32
    %dma_wait3A_9 = tpu.memref_slice %arg6[%dma_wait3A] : memref<64xi32, #tpu.memory_space<vmem>> -> memref<32xi32, #tpu.memory_space<vmem>>
    %dma_wait3A_10 = arith.constant 0 : i32
    %dma_wait3A_11 = arith.constant 0 : i32
    %dma_wait3A_12 = tpu.memref_slice %arg2[%dma_wait3A_10, %dma_wait3A_11] : memref<4096x1024xf32, #tpu.memory_space<hbm>> -> memref<4096x1024xf32, #tpu.memory_space<hbm>>
    tpu.wait_indirect_dma semaphore(%arg9 : memref<!tpu.dma_semaphore, #tpu.memory_space<semaphore_mem>>) src(%dma_wait3A_12 : memref<4096x1024xf32, #tpu.memory_space<hbm>>) dst(%arg7 : memref<32x1024xf32, #tpu.memory_space<vmem>>)
    "tpu.region"() ({
      %run_scoped3A = tpu.sem_alloc : memref<!tpu.dma_semaphore, #tpu.memory_space<semaphore_mem>>
      %dma_start3A_34 = arith.constant 0 : i32
      %dma_start3A_35 = tpu.memref_slice %arg4[%add3A_4, %dma_start3A_34] : memref<2048x1024xf32, #tpu.memory_space<hbm>> -> memref<32x1024xf32, #tpu.memory_space<hbm>>
      %dma_start3A_36 = arith.constant 0 : i32
      %dma_start3A_37 = tpu.memref_slice %arg4[%add3A_4, %dma_start3A_36] : memref<2048x1024xf32, #tpu.memory_space<hbm>> -> memref<32x1024xf32, #tpu.memory_space<hbm>>
      tpu.enqueue_dma source(%dma_start3A_37 : memref<32x1024xf32, #tpu.memory_space<hbm>>) target(%arg8 : memref<32x1024xf32, #tpu.memory_space<vmem>>) target_semaphore(%run_scoped3A : memref<!tpu.dma_semaphore, #tpu.memory_space<semaphore_mem>>)
      %dma_wait3A_38 = arith.constant 0 : i32
      %dma_wait3A_39 = tpu.memref_slice %arg4[%add3A_4, %dma_wait3A_38] : memref<2048x1024xf32, #tpu.memory_space<hbm>> -> memref<32x1024xf32, #tpu.memory_space<hbm>>
      %dma_wait3A_40 = arith.constant 0 : i32
      %dma_wait3A_41 = tpu.memref_slice %arg4[%add3A_4, %dma_wait3A_40] : memref<2048x1024xf32, #tpu.memory_space<hbm>> -> memref<32x1024xf32, #tpu.memory_space<hbm>>
      tpu.wait_dma2 semaphore(%run_scoped3A : memref<!tpu.dma_semaphore, #tpu.memory_space<semaphore_mem>>) src(%dma_wait3A_41 : memref<32x1024xf32, #tpu.memory_space<hbm>>) dst(%arg8 : memref<32x1024xf32, #tpu.memory_space<vmem>>)
      tpu.yield
    }) : () -> ()
    %scan3A = arith.constant 0 : i32
    %scan3A_13 = arith.constant 32 : i32
    %scan3A_14 = arith.addi %scan3A, %scan3A_13 : i32
    %scan3A_15 = arith.constant 1 : i32
    scf.for %scan3A_34 = %scan3A to %scan3A_14 step %scan3A_15  : i32 {
      %mul3A_35 = arith.constant 1 : i32
      %mul3A_36 = arith.muli %scan3A_34, %mul3A_35 : i32
      %add3A_37 = arith.constant 0 : i32
      %add3A_38 = arith.addi %add3A_37, %mul3A_36 : i32
      %get3A = arith.index_cast %add3A_38 : i32 to index
      %get3A_39 = arith.constant 0 : index
      %get3A_40 = tpu.vector_load %arg7[%get3A, %get3A_39] {strides = array<i32>} : memref<32x1024xf32, #tpu.memory_space<vmem>>, vector<16xf32>,
      %get3A_41 = arith.index_cast %add3A_38 : i32 to index
      %get3A_42 = arith.constant 0 : index
      %get3A_43 = tpu.vector_load %arg8[%get3A_41, %get3A_42] {strides = array<i32>} : memref<32x1024xf32, #tpu.memory_space<vmem>>, vector<16xf32>,
      %add3A_44 = arith.addf %get3A_40, %get3A_43 : vector<16xf32>
      %swap3A = arith.index_cast %add3A_38 : i32 to index
      %swap3A_45 = arith.constant 0 : index
      %swap3A_46 = tpu.vector_load %arg7[%swap3A, %swap3A_45] {strides = array<i32>} : memref<32x1024xf32, #tpu.memory_space<vmem>>, vector<16xf32>,
      tpu.vector_store %arg7[%swap3A, %swap3A_45], %add3A_44 {strides = array<i32>} : memref<32x1024xf32, #tpu.memory_space<vmem>>, vector<16xf32>,
      %get3A_47 = arith.index_cast %add3A_38 : i32 to index
      %get3A_48 = arith.constant 16 : index
      %get3A_49 = tpu.vector_load %arg7[%get3A_47, %get3A_48] {strides = array<i32>} : memref<32x1024xf32, #tpu.memory_space<vmem>>, vector<16xf32>,
      %get3A_50 = arith.index_cast %add3A_38 : i32 to index
      %get3A_51 = arith.constant 16 : index
      %get3A_52 = tpu.vector_load %arg8[%get3A_50, %get3A_51] {strides = array<i32>} : memref<32x1024xf32, #tpu.memory_space<vmem>>, vector<16xf32>,
      %add3A_53 = arith.addf %get3A_49, %get3A_52 : vector<16xf32>
      %swap3A_54 = arith.index_cast %add3A_38 : i32 to index
      %swap3A_55 = arith.constant 16 : index
      %swap3A_56 = tpu.vector_load %arg7[%swap3A_54, %swap3A_55] {strides = array<i32>} : memref<32x1024xf32, #tpu.memory_space<vmem>>, vector<16xf32>,
      tpu.vector_store %arg7[%swap3A_54, %swap3A_55], %add3A_53 {strides = array<i32>} : memref<32x1024xf32, #tpu.memory_space<vmem>>, vector<16xf32>,
      %get3A_57 = arith.index_cast %add3A_38 : i32 to index
      %get3A_58 = arith.constant 32 : index
      %get3A_59 = tpu.vector_load %arg7[%get3A_57, %get3A_58] {strides = array<i32>} : memref<32x1024xf32, #tpu.memory_space<vmem>>, vector<16xf32>,
      %get3A_60 = arith.index_cast %add3A_38 : i32 to index
      %get3A_61 = arith.constant 32 : index
      %get3A_62 = tpu.vector_load %arg8[%get3A_60, %get3A_61] {strides = array<i32>} : memref<32x1024xf32, #tpu.memory_space<vmem>>, vector<16xf32>,
      %add3A_63 = arith.addf %get3A_59, %get3A_62 : vector<16xf32>
      %swap3A_64 = arith.index_cast %add3A_38 : i32 to index
      %swap3A_65 = arith.constant 32 : index
      %swap3A_66 = tpu.vector_load %arg7[%swap3A_64, %swap3A_65] {strides = array<i32>} : memref<32x1024xf32, #tpu.memory_space<vmem>>, vector<16xf32>,
      tpu.vector_store %arg7[%swap3A_64, %swap3A_65], %add3A_63 {strides = array<i32>} : memref<32x1024xf32, #tpu.memory_space<vmem>>, vector<16xf32>,
      %get3A_67 = arith.index_cast %add3A_38 : i32 to index
      %get3A_68 = arith.constant 48 : index
      %get3A_69 = tpu.vector_load %arg7[%get3A_67, %get3A_68] {strides = array<i32>} : memref<32x1024xf32, #tpu.memory_space<vmem>>, vector<16xf32>,
      %get3A_70 = arith.index_cast %add3A_38 : i32 to index
      %get3A_71 = arith.constant 48 : index
      %get3A_72 = tpu.vector_load %arg8[%get3A_70, %get3A_71] {strides = array<i32>} : memref<32x1024xf32, #tpu.memory_space<vmem>>, vector<16xf32>,
      %add3A_73 = arith.addf %get3A_69, %get3A_72 : vector<16xf32>
      %swap3A_74 = arith.index_cast %add3A_38 : i32 to index
      %swap3A_75 = arith.constant 48 : index
      %swap3A_76 = tpu.vector_load %arg7[%swap3A_74, %swap3A_75] {strides = array<i32>} : memref<32x1024xf32, #tpu.memory_space<vmem>>, vector<16xf32>,
      tpu.vector_store %arg7[%swap3A_74, %swap3A_75], %add3A_73 {strides = array<i32>} : memref<32x1024xf32, #tpu.memory_space<vmem>>, vector<16xf32>,
      %get3A_77 = arith.index_cast %add3A_38 : i32 to index
      %get3A_78 = arith.constant 64 : index
      %get3A_79 = tpu.vector_load %arg7[%get3A_77, %get3A_78] {strides = array<i32>} : memref<32x1024xf32, #tpu.memory_space<vmem>>, vector<16xf32>,
      %get3A_80 = arith.index_cast %add3A_38 : i32 to index
      %get3A_81 = arith.constant 64 : index
      %get3A_82 = tpu.vector_load %arg8[%get3A_80, %get3A_81] {strides = array<i32>} : memref<32x1024xf32, #tpu.memory_space<vmem>>, vector<16xf32>,
      %add3A_83 = arith.addf %get3A_79, %get3A_82 : vector<16xf32>
      %swap3A_84 = arith.index_cast %add3A_38 : i32 to index
      %swap3A_85 = arith.constant 64 : index
      %swap3A_86 = tpu.vector_load %arg7[%swap3A_84, %swap3A_85] {strides = array<i32>} : memref<32x1024xf32, #tpu.memory_space<vmem>>, vector<16xf32>,
      tpu.vector_store %arg7[%swap3A_84, %swap3A_85], %add3A_83 {strides = array<i32>} : memref<32x1024xf32, #tpu.memory_space<vmem>>, vector<16xf32>,
      %get3A_87 = arith.index_cast %add3A_38 : i32 to index
      %get3A_88 = arith.constant 80 : index
      %get3A_89 = tpu.vector_load %arg7[%get3A_87, %get3A_88] {strides = array<i32>} : memref<32x1024xf32, #tpu.memory_space<vmem>>, vector<16xf32>,
      %get3A_90 = arith.index_cast %add3A_38 : i32 to index
      %get3A_91 = arith.constant 80 : index
      %get3A_92 = tpu.vector_load %arg8[%get3A_90, %get3A_91] {strides = array<i32>} : memref<32x1024xf32, #tpu.memory_space<vmem>>, vector<16xf32>,
      %add3A_93 = arith.addf %get3A_89, %get3A_92 : vector<16xf32>
      %swap3A_94 = arith.index_cast %add3A_38 : i32 to index
      %swap3A_95 = arith.constant 80 : index
      %swap3A_96 = tpu.vector_load %arg7[%swap3A_94, %swap3A_95] {strides = array<i32>} : memref<32x1024xf32, #tpu.memory_space<vmem>>, vector<16xf32>,
      tpu.vector_store %arg7[%swap3A_94, %swap3A_95], %add3A_93 {strides = array<i32>} : memref<32x1024xf32, #tpu.memory_space<vmem>>, vector<16xf32>,
      %get3A_97 = arith.index_cast %add3A_38 : i32 to index
      %get3A_98 = arith.constant 96 : index
      %get3A_99 = tpu.vector_load %arg7[%get3A_97, %get3A_98] {strides = array<i32>} : memref<32x1024xf32, #tpu.memory_space<vmem>>, vector<16xf32>,
      %get3A_100 = arith.index_cast %add3A_38 : i32 to index
      %get3A_101 = arith.constant 96 : index
      %get3A_102 = tpu.vector_load %arg8[%get3A_100, %get3A_101] {strides = array<i32>} : memref<32x1024xf32, #tpu.memory_space<vmem>>, vector<16xf32>,
      %add3A_103 = arith.addf %get3A_99, %get3A_102 : vector<16xf32>
      %swap3A_104 = arith.index_cast %add3A_38 : i32 to index
      %swap3A_105 = arith.constant 96 : index
      %swap3A_106 = tpu.vector_load %arg7[%swap3A_104, %swap3A_105] {strides = array<i32>} : memref<32x1024xf32, #tpu.memory_space<vmem>>, vector<16xf32>,
      tpu.vector_store %arg7[%swap3A_104, %swap3A_105], %add3A_103 {strides = array<i32>} : memref<32x1024xf32, #tpu.memory_space<vmem>>, vector<16xf32>,
      %get3A_107 = arith.index_cast %add3A_38 : i32 to index
      %get3A_108 = arith.constant 112 : index
      %get3A_109 = tpu.vector_load %arg7[%get3A_107, %get3A_108] {strides = array<i32>} : memref<32x1024xf32, #tpu.memory_space<vmem>>, vector<16xf32>,
      %get3A_110 = arith.index_cast %add3A_38 : i32 to index
      %get3A_111 = arith.constant 112 : index
      %get3A_112 = tpu.vector_load %arg8[%get3A_110, %get3A_111] {strides = array<i32>} : memref<32x1024xf32, #tpu.memory_space<vmem>>, vector<16xf32>,
      %add3A_113 = arith.addf %get3A_109, %get3A_112 : vector<16xf32>
      %swap3A_114 = arith.index_cast %add3A_38 : i32 to index
      %swap3A_115 = arith.constant 112 : index
      %swap3A_116 = tpu.vector_load %arg7[%swap3A_114, %swap3A_115] {strides = array<i32>} : memref<32x1024xf32, #tpu.memory_space<vmem>>, vector<16xf32>,
      tpu.vector_store %arg7[%swap3A_114, %swap3A_115], %add3A_113 {strides = array<i32>} : memref<32x1024xf32, #tpu.memory_space<vmem>>, vector<16xf32>,
      %get3A_117 = arith.index_cast %add3A_38 : i32 to index
      %get3A_118 = arith.constant 128 : index
      %get3A_119 = tpu.vector_load %arg7[%get3A_117, %get3A_118] {strides = array<i32>} : memref<32x1024xf32, #tpu.memory_space<vmem>>, vector<16xf32>,
      %get3A_120 = arith.index_cast %add3A_38 : i32 to index
      %get3A_121 = arith.constant 128 : index
      %get3A_122 = tpu.vector_load %arg8[%get3A_120, %get3A_121] {strides = array<i32>} : memref<32x1024xf32, #tpu.memory_space<vmem>>, vector<16xf32>,
      %add3A_123 = arith.addf %get3A_119, %get3A_122 : vector<16xf32>
      %swap3A_124 = arith.index_cast %add3A_38 : i32 to index
      %swap3A_125 = arith.constant 128 : index
      %swap3A_126 = tpu.vector_load %arg7[%swap3A_124, %swap3A_125] {strides = array<i32>} : memref<32x1024xf32, #tpu.memory_space<vmem>>, vector<16xf32>,
      tpu.vector_store %arg7[%swap3A_124, %swap3A_125], %add3A_123 {strides = array<i32>} : memref<32x1024xf32, #tpu.memory_space<vmem>>, vector<16xf32>,
      %get3A_127 = arith.index_cast %add3A_38 : i32 to index
      %get3A_128 = arith.constant 144 : index
      %get3A_129 = tpu.vector_load %arg7[%get3A_127, %get3A_128] {strides = array<i32>} : memref<32x1024xf32, #tpu.memory_space<vmem>>, vector<16xf32>,
      %get3A_130 = arith.index_cast %add3A_38 : i32 to index
      %get3A_131 = arith.constant 144 : index
      %get3A_132 = tpu.vector_load %arg8[%get3A_130, %get3A_131] {strides = array<i32>} : memref<32x1024xf32, #tpu.memory_space<vmem>>, vector<16xf32>,
      %add3A_133 = arith.addf %get3A_129, %get3A_132 : vector<16xf32>
      %swap3A_134 = arith.index_cast %add3A_38 : i32 to index
      %swap3A_135 = arith.constant 144 : index
      %swap3A_136 = tpu.vector_load %arg7[%swap3A_134, %swap3A_135] {strides = array<i32>} : memref<32x1024xf32, #tpu.memory_space<vmem>>, vector<16xf32>,
      tpu.vector_store %arg7[%swap3A_134, %swap3A_135], %add3A_133 {strides = array<i32>} : memref<32x1024xf32, #tpu.memory_space<vmem>>, vector<16xf32>,
      %get3A_137 = arith.index_cast %add3A_38 : i32 to index
      %get3A_138 = arith.constant 160 : index
      %get3A_139 = tpu.vector_load %arg7[%get3A_137, %get3A_138] {strides = array<i32>} : memref<32x1024xf32, #tpu.memory_space<vmem>>, vector<16xf32>,
      %get3A_140 = arith.index_cast %add3A_38 : i32 to index
      %get3A_141 = arith.constant 160 : index
      %get3A_142 = tpu.vector_load %arg8[%get3A_140, %get3A_141] {strides = array<i32>} : memref<32x1024xf32, #tpu.memory_space<vmem>>, vector<16xf32>,
      %add3A_143 = arith.addf %get3A_139, %get3A_142 : vector<16xf32>
      %swap3A_144 = arith.index_cast %add3A_38 : i32 to index
      %swap3A_145 = arith.constant 160 : index
      %swap3A_146 = tpu.vector_load %arg7[%swap3A_144, %swap3A_145] {strides = array<i32>} : memref<32x1024xf32, #tpu.memory_space<vmem>>, vector<16xf32>,
      tpu.vector_store %arg7[%swap3A_144, %swap3A_145], %add3A_143 {strides = array<i32>} : memref<32x1024xf32, #tpu.memory_space<vmem>>, vector<16xf32>,
      %get3A_147 = arith.index_cast %add3A_38 : i32 to index
      %get3A_148 = arith.constant 176 : index
      %get3A_149 = tpu.vector_load %arg7[%get3A_147, %get3A_148] {strides = array<i32>} : memref<32x1024xf32, #tpu.memory_space<vmem>>, vector<16xf32>,
      %get3A_150 = arith.index_cast %add3A_38 : i32 to index
      %get3A_151 = arith.constant 176 : index
      %get3A_152 = tpu.vector_load %arg8[%get3A_150, %get3A_151] {strides = array<i32>} : memref<32x1024xf32, #tpu.memory_space<vmem>>, vector<16xf32>,
      %add3A_153 = arith.addf %get3A_149, %get3A_152 : vector<16xf32>
      %swap3A_154 = arith.index_cast %add3A_38 : i32 to index
      %swap3A_155 = arith.constant 176 : index
      %swap3A_156 = tpu.vector_load %arg7[%swap3A_154, %swap3A_155] {strides = array<i32>} : memref<32x1024xf32, #tpu.memory_space<vmem>>, vector<16xf32>,
      tpu.vector_store %arg7[%swap3A_154, %swap3A_155], %add3A_153 {strides = array<i32>} : memref<32x1024xf32, #tpu.memory_space<vmem>>, vector<16xf32>,
      %get3A_157 = arith.index_cast %add3A_38 : i32 to index
      %get3A_158 = arith.constant 192 : index
      %get3A_159 = tpu.vector_load %arg7[%get3A_157, %get3A_158] {strides = array<i32>} : memref<32x1024xf32, #tpu.memory_space<vmem>>, vector<16xf32>,
      %get3A_160 = arith.index_cast %add3A_38 : i32 to index
      %get3A_161 = arith.constant 192 : index
      %get3A_162 = tpu.vector_load %arg8[%get3A_160, %get3A_161] {strides = array<i32>} : memref<32x1024xf32, #tpu.memory_space<vmem>>, vector<16xf32>,
      %add3A_163 = arith.addf %get3A_159, %get3A_162 : vector<16xf32>
      %swap3A_164 = arith.index_cast %add3A_38 : i32 to index
      %swap3A_165 = arith.constant 192 : index
      %swap3A_166 = tpu.vector_load %arg7[%swap3A_164, %swap3A_165] {strides = array<i32>} : memref<32x1024xf32, #tpu.memory_space<vmem>>, vector<16xf32>,
      tpu.vector_store %arg7[%swap3A_164, %swap3A_165], %add3A_163 {strides = array<i32>} : memref<32x1024xf32, #tpu.memory_space<vmem>>, vector<16xf32>,
      %get3A_167 = arith.index_cast %add3A_38 : i32 to index
      %get3A_168 = arith.constant 208 : index
      %get3A_169 = tpu.vector_load %arg7[%get3A_167, %get3A_168] {strides = array<i32>} : memref<32x1024xf32, #tpu.memory_space<vmem>>, vector<16xf32>,
      %get3A_170 = arith.index_cast %add3A_38 : i32 to index
      %get3A_171 = arith.constant 208 : index
      %get3A_172 = tpu.vector_load %arg8[%get3A_170, %get3A_171] {strides = array<i32>} : memref<32x1024xf32, #tpu.memory_space<vmem>>, vector<16xf32>,
      %add3A_173 = arith.addf %get3A_169, %get3A_172 : vector<16xf32>
      %swap3A_174 = arith.index_cast %add3A_38 : i32 to index
      %swap3A_175 = arith.constant 208 : index
      %swap3A_176 = tpu.vector_load %arg7[%swap3A_174, %swap3A_175] {strides = array<i32>} : memref<32x1024xf32, #tpu.memory_space<vmem>>, vector<16xf32>,
      tpu.vector_store %arg7[%swap3A_174, %swap3A_175], %add3A_173 {strides = array<i32>} : memref<32x1024xf32, #tpu.memory_space<vmem>>, vector<16xf32>,
      %get3A_177 = arith.index_cast %add3A_38 : i32 to index
      %get3A_178 = arith.constant 224 : index
      %get3A_179 = tpu.vector_load %arg7[%get3A_177, %get3A_178] {strides = array<i32>} : memref<32x1024xf32, #tpu.memory_space<vmem>>, vector<16xf32>,
      %get3A_180 = arith.index_cast %add3A_38 : i32 to index
      %get3A_181 = arith.constant 224 : index
      %get3A_182 = tpu.vector_load %arg8[%get3A_180, %get3A_181] {strides = array<i32>} : memref<32x1024xf32, #tpu.memory_space<vmem>>, vector<16xf32>,
      %add3A_183 = arith.addf %get3A_179, %get3A_182 : vector<16xf32>
      %swap3A_184 = arith.index_cast %add3A_38 : i32 to index
      %swap3A_185 = arith.constant 224 : index
      %swap3A_186 = tpu.vector_load %arg7[%swap3A_184, %swap3A_185] {strides = array<i32>} : memref<32x1024xf32, #tpu.memory_space<vmem>>, vector<16xf32>,
      tpu.vector_store %arg7[%swap3A_184, %swap3A_185], %add3A_183 {strides = array<i32>} : memref<32x1024xf32, #tpu.memory_space<vmem>>, vector<16xf32>,
      %get3A_187 = arith.index_cast %add3A_38 : i32 to index
      %get3A_188 = arith.constant 240 : index
      %get3A_189 = tpu.vector_load %arg7[%get3A_187, %get3A_188] {strides = array<i32>} : memref<32x1024xf32, #tpu.memory_space<vmem>>, vector<16xf32>,
      %get3A_190 = arith.index_cast %add3A_38 : i32 to index
      %get3A_191 = arith.constant 240 : index
      %get3A_192 = tpu.vector_load %arg8[%get3A_190, %get3A_191] {strides = array<i32>} : memref<32x1024xf32, #tpu.memory_space<vmem>>, vector<16xf32>,
      %add3A_193 = arith.addf %get3A_189, %get3A_192 : vector<16xf32>
      %swap3A_194 = arith.index_cast %add3A_38 : i32 to index
      %swap3A_195 = arith.constant 240 : index
      %swap3A_196 = tpu.vector_load %arg7[%swap3A_194, %swap3A_195] {strides = array<i32>} : memref<32x1024xf32, #tpu.memory_space<vmem>>, vector<16xf32>,
      tpu.vector_store %arg7[%swap3A_194, %swap3A_195], %add3A_193 {strides = array<i32>} : memref<32x1024xf32, #tpu.memory_space<vmem>>, vector<16xf32>,
      %get3A_197 = arith.index_cast %add3A_38 : i32 to index
      %get3A_198 = arith.constant 256 : index
      %get3A_199 = tpu.vector_load %arg7[%get3A_197, %get3A_198] {strides = array<i32>} : memref<32x1024xf32, #tpu.memory_space<vmem>>, vector<16xf32>,
      %get3A_200 = arith.index_cast %add3A_38 : i32 to index
      %get3A_201 = arith.constant 256 : index
      %get3A_202 = tpu.vector_load %arg8[%get3A_200, %get3A_201] {strides = array<i32>} : memref<32x1024xf32, #tpu.memory_space<vmem>>, vector<16xf32>,
      %add3A_203 = arith.addf %get3A_199, %get3A_202 : vector<16xf32>
      %swap3A_204 = arith.index_cast %add3A_38 : i32 to index
      %swap3A_205 = arith.constant 256 : index
      %swap3A_206 = tpu.vector_load %arg7[%swap3A_204, %swap3A_205] {strides = array<i32>} : memref<32x1024xf32, #tpu.memory_space<vmem>>, vector<16xf32>,
      tpu.vector_store %arg7[%swap3A_204, %swap3A_205], %add3A_203 {strides = array<i32>} : memref<32x1024xf32, #tpu.memory_space<vmem>>, vector<16xf32>,
      %get3A_207 = arith.index_cast %add3A_38 : i32 to index
      %get3A_208 = arith.constant 272 : index
      %get3A_209 = tpu.vector_load %arg7[%get3A_207, %get3A_208] {strides = array<i32>} : memref<32x1024xf32, #tpu.memory_space<vmem>>, vector<16xf32>,
      %get3A_210 = arith.index_cast %add3A_38 : i32 to index
      %get3A_211 = arith.constant 272 : index
      %get3A_212 = tpu.vector_load %arg8[%get3A_210, %get3A_211] {strides = array<i32>} : memref<32x1024xf32, #tpu.memory_space<vmem>>, vector<16xf32>,
      %add3A_213 = arith.addf %get3A_209, %get3A_212 : vector<16xf32>
      %swap3A_214 = arith.index_cast %add3A_38 : i32 to index
      %swap3A_215 = arith.constant 272 : index
      %swap3A_216 = tpu.vector_load %arg7[%swap3A_214, %swap3A_215] {strides = array<i32>} : memref<32x1024xf32, #tpu.memory_space<vmem>>, vector<16xf32>,
      tpu.vector_store %arg7[%swap3A_214, %swap3A_215], %add3A_213 {strides = array<i32>} : memref<32x1024xf32, #tpu.memory_space<vmem>>, vector<16xf32>,
      %get3A_217 = arith.index_cast %add3A_38 : i32 to index
      %get3A_218 = arith.constant 288 : index
      %get3A_219 = tpu.vector_load %arg7[%get3A_217, %get3A_218] {strides = array<i32>} : memref<32x1024xf32, #tpu.memory_space<vmem>>, vector<16xf32>,
      %get3A_220 = arith.index_cast %add3A_38 : i32 to index
      %get3A_221 = arith.constant 288 : index
      %get3A_222 = tpu.vector_load %arg8[%get3A_220, %get3A_221] {strides = array<i32>} : memref<32x1024xf32, #tpu.memory_space<vmem>>, vector<16xf32>,
      %add3A_223 = arith.addf %get3A_219, %get3A_222 : vector<16xf32>
      %swap3A_224 = arith.index_cast %add3A_38 : i32 to index
      %swap3A_225 = arith.constant 288 : index
      %swap3A_226 = tpu.vector_load %arg7[%swap3A_224, %swap3A_225] {strides = array<i32>} : memref<32x1024xf32, #tpu.memory_space<vmem>>, vector<16xf32>,
      tpu.vector_store %arg7[%swap3A_224, %swap3A_225], %add3A_223 {strides = array<i32>} : memref<32x1024xf32, #tpu.memory_space<vmem>>, vector<16xf32>,
      %get3A_227 = arith.index_cast %add3A_38 : i32 to index
      %get3A_228 = arith.constant 304 : index
      %get3A_229 = tpu.vector_load %arg7[%get3A_227, %get3A_228] {strides = array<i32>} : memref<32x1024xf32, #tpu.memory_space<vmem>>, vector<16xf32>,
      %get3A_230 = arith.index_cast %add3A_38 : i32 to index
      %get3A_231 = arith.constant 304 : index
      %get3A_232 = tpu.vector_load %arg8[%get3A_230, %get3A_231] {strides = array<i32>} : memref<32x1024xf32, #tpu.memory_space<vmem>>, vector<16xf32>,
      %add3A_233 = arith.addf %get3A_229, %get3A_232 : vector<16xf32>
      %swap3A_234 = arith.index_cast %add3A_38 : i32 to index
      %swap3A_235 = arith.constant 304 : index
      %swap3A_236 = tpu.vector_load %arg7[%swap3A_234, %swap3A_235] {strides = array<i32>} : memref<32x1024xf32, #tpu.memory_space<vmem>>, vector<16xf32>,
      tpu.vector_store %arg7[%swap3A_234, %swap3A_235], %add3A_233 {strides = array<i32>} : memref<32x1024xf32, #tpu.memory_space<vmem>>, vector<16xf32>,
      %get3A_237 = arith.index_cast %add3A_38 : i32 to index
      %get3A_238 = arith.constant 320 : index
      %get3A_239 = tpu.vector_load %arg7[%get3A_237, %get3A_238] {strides = array<i32>} : memref<32x1024xf32, #tpu.memory_space<vmem>>, vector<16xf32>,
      %get3A_240 = arith.index_cast %add3A_38 : i32 to index
      %get3A_241 = arith.constant 320 : index
      %get3A_242 = tpu.vector_load %arg8[%get3A_240, %get3A_241] {strides = array<i32>} : memref<32x1024xf32, #tpu.memory_space<vmem>>, vector<16xf32>,
      %add3A_243 = arith.addf %get3A_239, %get3A_242 : vector<16xf32>
      %swap3A_244 = arith.index_cast %add3A_38 : i32 to index
      %swap3A_245 = arith.constant 320 : index
      %swap3A_246 = tpu.vector_load %arg7[%swap3A_244, %swap3A_245] {strides = array<i32>} : memref<32x1024xf32, #tpu.memory_space<vmem>>, vector<16xf32>,
      tpu.vector_store %arg7[%swap3A_244, %swap3A_245], %add3A_243 {strides = array<i32>} : memref<32x1024xf32, #tpu.memory_space<vmem>>, vector<16xf32>,
      %get3A_247 = arith.index_cast %add3A_38 : i32 to index
      %get3A_248 = arith.constant 336 : index
      %get3A_249 = tpu.vector_load %arg7[%get3A_247, %get3A_248] {strides = array<i32>} : memref<32x1024xf32, #tpu.memory_space<vmem>>, vector<16xf32>,
      %get3A_250 = arith.index_cast %add3A_38 : i32 to index
      %get3A_251 = arith.constant 336 : index
      %get3A_252 = tpu.vector_load %arg8[%get3A_250, %get3A_251] {strides = array<i32>} : memref<32x1024xf32, #tpu.memory_space<vmem>>, vector<16xf32>,
      %add3A_253 = arith.addf %get3A_249, %get3A_252 : vector<16xf32>
      %swap3A_254 = arith.index_cast %add3A_38 : i32 to index
      %swap3A_255 = arith.constant 336 : index
      %swap3A_256 = tpu.vector_load %arg7[%swap3A_254, %swap3A_255] {strides = array<i32>} : memref<32x1024xf32, #tpu.memory_space<vmem>>, vector<16xf32>,
      tpu.vector_store %arg7[%swap3A_254, %swap3A_255], %add3A_253 {strides = array<i32>} : memref<32x1024xf32, #tpu.memory_space<vmem>>, vector<16xf32>,
      %get3A_257 = arith.index_cast %add3A_38 : i32 to index
      %get3A_258 = arith.constant 352 : index
      %get3A_259 = tpu.vector_load %arg7[%get3A_257, %get3A_258] {strides = array<i32>} : memref<32x1024xf32, #tpu.memory_space<vmem>>, vector<16xf32>,
      %get3A_260 = arith.index_cast %add3A_38 : i32 to index
      %get3A_261 = arith.constant 352 : index
      %get3A_262 = tpu.vector_load %arg8[%get3A_260, %get3A_261] {strides = array<i32>} : memref<32x1024xf32, #tpu.memory_space<vmem>>, vector<16xf32>,
      %add3A_263 = arith.addf %get3A_259, %get3A_262 : vector<16xf32>
      %swap3A_264 = arith.index_cast %add3A_38 : i32 to index
      %swap3A_265 = arith.constant 352 : index
      %swap3A_266 = tpu.vector_load %arg7[%swap3A_264, %swap3A_265] {strides = array<i32>} : memref<32x1024xf32, #tpu.memory_space<vmem>>, vector<16xf32>,
      tpu.vector_store %arg7[%swap3A_264, %swap3A_265], %add3A_263 {strides = array<i32>} : memref<32x1024xf32, #tpu.memory_space<vmem>>, vector<16xf32>,
      %get3A_267 = arith.index_cast %add3A_38 : i32 to index
      %get3A_268 = arith.constant 368 : index
      %get3A_269 = tpu.vector_load %arg7[%get3A_267, %get3A_268] {strides = array<i32>} : memref<32x1024xf32, #tpu.memory_space<vmem>>, vector<16xf32>,
      %get3A_270 = arith.index_cast %add3A_38 : i32 to index
      %get3A_271 = arith.constant 368 : index
      %get3A_272 = tpu.vector_load %arg8[%get3A_270, %get3A_271] {strides = array<i32>} : memref<32x1024xf32, #tpu.memory_space<vmem>>, vector<16xf32>,
      %add3A_273 = arith.addf %get3A_269, %get3A_272 : vector<16xf32>
      %swap3A_274 = arith.index_cast %add3A_38 : i32 to index
      %swap3A_275 = arith.constant 368 : index
      %swap3A_276 = tpu.vector_load %arg7[%swap3A_274, %swap3A_275] {strides = array<i32>} : memref<32x1024xf32, #tpu.memory_space<vmem>>, vector<16xf32>,
      tpu.vector_store %arg7[%swap3A_274, %swap3A_275], %add3A_273 {strides = array<i32>} : memref<32x1024xf32, #tpu.memory_space<vmem>>, vector<16xf32>,
      %get3A_277 = arith.index_cast %add3A_38 : i32 to index
      %get3A_278 = arith.constant 384 : index
      %get3A_279 = tpu.vector_load %arg7[%get3A_277, %get3A_278] {strides = array<i32>} : memref<32x1024xf32, #tpu.memory_space<vmem>>, vector<16xf32>,
      %get3A_280 = arith.index_cast %add3A_38 : i32 to index
      %get3A_281 = arith.constant 384 : index
      %get3A_282 = tpu.vector_load %arg8[%get3A_280, %get3A_281] {strides = array<i32>} : memref<32x1024xf32, #tpu.memory_space<vmem>>, vector<16xf32>,
      %add3A_283 = arith.addf %get3A_279, %get3A_282 : vector<16xf32>
      %swap3A_284 = arith.index_cast %add3A_38 : i32 to index
      %swap3A_285 = arith.constant 384 : index
      %swap3A_286 = tpu.vector_load %arg7[%swap3A_284, %swap3A_285] {strides = array<i32>} : memref<32x1024xf32, #tpu.memory_space<vmem>>, vector<16xf32>,
      tpu.vector_store %arg7[%swap3A_284, %swap3A_285], %add3A_283 {strides = array<i32>} : memref<32x1024xf32, #tpu.memory_space<vmem>>, vector<16xf32>,
      %get3A_287 = arith.index_cast %add3A_38 : i32 to index
      %get3A_288 = arith.constant 400 : index
      %get3A_289 = tpu.vector_load %arg7[%get3A_287, %get3A_288] {strides = array<i32>} : memref<32x1024xf32, #tpu.memory_space<vmem>>, vector<16xf32>,
      %get3A_290 = arith.index_cast %add3A_38 : i32 to index
      %get3A_291 = arith.constant 400 : index
      %get3A_292 = tpu.vector_load %arg8[%get3A_290, %get3A_291] {strides = array<i32>} : memref<32x1024xf32, #tpu.memory_space<vmem>>, vector<16xf32>,
      %add3A_293 = arith.addf %get3A_289, %get3A_292 : vector<16xf32>
      %swap3A_294 = arith.index_cast %add3A_38 : i32 to index
      %swap3A_295 = arith.constant 400 : index
      %swap3A_296 = tpu.vector_load %arg7[%swap3A_294, %swap3A_295] {strides = array<i32>} : memref<32x1024xf32, #tpu.memory_space<vmem>>, vector<16xf32>,
      tpu.vector_store %arg7[%swap3A_294, %swap3A_295], %add3A_293 {strides = array<i32>} : memref<32x1024xf32, #tpu.memory_space<vmem>>, vector<16xf32>,
      %get3A_297 = arith.index_cast %add3A_38 : i32 to index
      %get3A_298 = arith.constant 416 : index
      %get3A_299 = tpu.vector_load %arg7[%get3A_297, %get3A_298] {strides = array<i32>} : memref<32x1024xf32, #tpu.memory_space<vmem>>, vector<16xf32>,
      %get3A_300 = arith.index_cast %add3A_38 : i32 to index
      %get3A_301 = arith.constant 416 : index
      %get3A_302 = tpu.vector_load %arg8[%get3A_300, %get3A_301] {strides = array<i32>} : memref<32x1024xf32, #tpu.memory_space<vmem>>, vector<16xf32>,
      %add3A_303 = arith.addf %get3A_299, %get3A_302 : vector<16xf32>
      %swap3A_304 = arith.index_cast %add3A_38 : i32 to index
      %swap3A_305 = arith.constant 416 : index
      %swap3A_306 = tpu.vector_load %arg7[%swap3A_304, %swap3A_305] {strides = array<i32>} : memref<32x1024xf32, #tpu.memory_space<vmem>>, vector<16xf32>,
      tpu.vector_store %arg7[%swap3A_304, %swap3A_305], %add3A_303 {strides = array<i32>} : memref<32x1024xf32, #tpu.memory_space<vmem>>, vector<16xf32>,
      %get3A_307 = arith.index_cast %add3A_38 : i32 to index
      %get3A_308 = arith.constant 432 : index
      %get3A_309 = tpu.vector_load %arg7[%get3A_307, %get3A_308] {strides = array<i32>} : memref<32x1024xf32, #tpu.memory_space<vmem>>, vector<16xf32>,
      %get3A_310 = arith.index_cast %add3A_38 : i32 to index
      %get3A_311 = arith.constant 432 : index
      %get3A_312 = tpu.vector_load %arg8[%get3A_310, %get3A_311] {strides = array<i32>} : memref<32x1024xf32, #tpu.memory_space<vmem>>, vector<16xf32>,
      %add3A_313 = arith.addf %get3A_309, %get3A_312 : vector<16xf32>
      %swap3A_314 = arith.index_cast %add3A_38 : i32 to index
      %swap3A_315 = arith.constant 432 : index
      %swap3A_316 = tpu.vector_load %arg7[%swap3A_314, %swap3A_315] {strides = array<i32>} : memref<32x1024xf32, #tpu.memory_space<vmem>>, vector<16xf32>,
      tpu.vector_store %arg7[%swap3A_314, %swap3A_315], %add3A_313 {strides = array<i32>} : memref<32x1024xf32, #tpu.memory_space<vmem>>, vector<16xf32>,
      %get3A_317 = arith.index_cast %add3A_38 : i32 to index
      %get3A_318 = arith.constant 448 : index
      %get3A_319 = tpu.vector_load %arg7[%get3A_317, %get3A_318] {strides = array<i32>} : memref<32x1024xf32, #tpu.memory_space<vmem>>, vector<16xf32>,
      %get3A_320 = arith.index_cast %add3A_38 : i32 to index
      %get3A_321 = arith.constant 448 : index
      %get3A_322 = tpu.vector_load %arg8[%get3A_320, %get3A_321] {strides = array<i32>} : memref<32x1024xf32, #tpu.memory_space<vmem>>, vector<16xf32>,
      %add3A_323 = arith.addf %get3A_319, %get3A_322 : vector<16xf32>
      %swap3A_324 = arith.index_cast %add3A_38 : i32 to index
      %swap3A_325 = arith.constant 448 : index
      %swap3A_326 = tpu.vector_load %arg7[%swap3A_324, %swap3A_325] {strides = array<i32>} : memref<32x1024xf32, #tpu.memory_space<vmem>>, vector<16xf32>,
      tpu.vector_store %arg7[%swap3A_324, %swap3A_325], %add3A_323 {strides = array<i32>} : memref<32x1024xf32, #tpu.memory_space<vmem>>, vector<16xf32>,
      %get3A_327 = arith.index_cast %add3A_38 : i32 to index
      %get3A_328 = arith.constant 464 : index
      %get3A_329 = tpu.vector_load %arg7[%get3A_327, %get3A_328] {strides = array<i32>} : memref<32x1024xf32, #tpu.memory_space<vmem>>, vector<16xf32>,
      %get3A_330 = arith.index_cast %add3A_38 : i32 to index
      %get3A_331 = arith.constant 464 : index
      %get3A_332 = tpu.vector_load %arg8[%get3A_330, %get3A_331] {strides = array<i32>} : memref<32x1024xf32, #tpu.memory_space<vmem>>, vector<16xf32>,
      %add3A_333 = arith.addf %get3A_329, %get3A_332 : vector<16xf32>
      %swap3A_334 = arith.index_cast %add3A_38 : i32 to index
      %swap3A_335 = arith.constant 464 : index
      %swap3A_336 = tpu.vector_load %arg7[%swap3A_334, %swap3A_335] {strides = array<i32>} : memref<32x1024xf32, #tpu.memory_space<vmem>>, vector<16xf32>,
      tpu.vector_store %arg7[%swap3A_334, %swap3A_335], %add3A_333 {strides = array<i32>} : memref<32x1024xf32, #tpu.memory_space<vmem>>, vector<16xf32>,
      %get3A_337 = arith.index_cast %add3A_38 : i32 to index
      %get3A_338 = arith.constant 480 : index
      %get3A_339 = tpu.vector_load %arg7[%get3A_337, %get3A_338] {strides = array<i32>} : memref<32x1024xf32, #tpu.memory_space<vmem>>, vector<16xf32>,
      %get3A_340 = arith.index_cast %add3A_38 : i32 to index
      %get3A_341 = arith.constant 480 : index
      %get3A_342 = tpu.vector_load %arg8[%get3A_340, %get3A_341] {strides = array<i32>} : memref<32x1024xf32, #tpu.memory_space<vmem>>, vector<16xf32>,
      %add3A_343 = arith.addf %get3A_339, %get3A_342 : vector<16xf32>
      %swap3A_344 = arith.index_cast %add3A_38 : i32 to index
      %swap3A_345 = arith.constant 480 : index
      %swap3A_346 = tpu.vector_load %arg7[%swap3A_344, %swap3A_345] {strides = array<i32>} : memref<32x1024xf32, #tpu.memory_space<vmem>>, vector<16xf32>,
      tpu.vector_store %arg7[%swap3A_344, %swap3A_345], %add3A_343 {strides = array<i32>} : memref<32x1024xf32, #tpu.memory_space<vmem>>, vector<16xf32>,
      %get3A_347 = arith.index_cast %add3A_38 : i32 to index
      %get3A_348 = arith.constant 496 : index
      %get3A_349 = tpu.vector_load %arg7[%get3A_347, %get3A_348] {strides = array<i32>} : memref<32x1024xf32, #tpu.memory_space<vmem>>, vector<16xf32>,
      %get3A_350 = arith.index_cast %add3A_38 : i32 to index
      %get3A_351 = arith.constant 496 : index
      %get3A_352 = tpu.vector_load %arg8[%get3A_350, %get3A_351] {strides = array<i32>} : memref<32x1024xf32, #tpu.memory_space<vmem>>, vector<16xf32>,
      %add3A_353 = arith.addf %get3A_349, %get3A_352 : vector<16xf32>
      %swap3A_354 = arith.index_cast %add3A_38 : i32 to index
      %swap3A_355 = arith.constant 496 : index
      %swap3A_356 = tpu.vector_load %arg7[%swap3A_354, %swap3A_355] {strides = array<i32>} : memref<32x1024xf32, #tpu.memory_space<vmem>>, vector<16xf32>,
      tpu.vector_store %arg7[%swap3A_354, %swap3A_355], %add3A_353 {strides = array<i32>} : memref<32x1024xf32, #tpu.memory_space<vmem>>, vector<16xf32>,
      %get3A_357 = arith.index_cast %add3A_38 : i32 to index
      %get3A_358 = arith.constant 512 : index
      %get3A_359 = tpu.vector_load %arg7[%get3A_357, %get3A_358] {strides = array<i32>} : memref<32x1024xf32, #tpu.memory_space<vmem>>, vector<16xf32>,
      %get3A_360 = arith.index_cast %add3A_38 : i32 to index
      %get3A_361 = arith.constant 512 : index
      %get3A_362 = tpu.vector_load %arg8[%get3A_360, %get3A_361] {strides = array<i32>} : memref<32x1024xf32, #tpu.memory_space<vmem>>, vector<16xf32>,
      %add3A_363 = arith.addf %get3A_359, %get3A_362 : vector<16xf32>
      %swap3A_364 = arith.index_cast %add3A_38 : i32 to index
      %swap3A_365 = arith.constant 512 : index
      %swap3A_366 = tpu.vector_load %arg7[%swap3A_364, %swap3A_365] {strides = array<i32>} : memref<32x1024xf32, #tpu.memory_space<vmem>>, vector<16xf32>,
      tpu.vector_store %arg7[%swap3A_364, %swap3A_365], %add3A_363 {strides = array<i32>} : memref<32x1024xf32, #tpu.memory_space<vmem>>, vector<16xf32>,
      %get3A_367 = arith.index_cast %add3A_38 : i32 to index
      %get3A_368 = arith.constant 528 : index
      %get3A_369 = tpu.vector_load %arg7[%get3A_367, %get3A_368] {strides = array<i32>} : memref<32x1024xf32, #tpu.memory_space<vmem>>, vector<16xf32>,
      %get3A_370 = arith.index_cast %add3A_38 : i32 to index
      %get3A_371 = arith.constant 528 : index
      %get3A_372 = tpu.vector_load %arg8[%get3A_370, %get3A_371] {strides = array<i32>} : memref<32x1024xf32, #tpu.memory_space<vmem>>, vector<16xf32>,
      %add3A_373 = arith.addf %get3A_369, %get3A_372 : vector<16xf32>
      %swap3A_374 = arith.index_cast %add3A_38 : i32 to index
      %swap3A_375 = arith.constant 528 : index
      %swap3A_376 = tpu.vector_load %arg7[%swap3A_374, %swap3A_375] {strides = array<i32>} : memref<32x1024xf32, #tpu.memory_space<vmem>>, vector<16xf32>,
      tpu.vector_store %arg7[%swap3A_374, %swap3A_375], %add3A_373 {strides = array<i32>} : memref<32x1024xf32, #tpu.memory_space<vmem>>, vector<16xf32>,
      %get3A_377 = arith.index_cast %add3A_38 : i32 to index
      %get3A_378 = arith.constant 544 : index
      %get3A_379 = tpu.vector_load %arg7[%get3A_377, %get3A_378] {strides = array<i32>} : memref<32x1024xf32, #tpu.memory_space<vmem>>, vector<16xf32>,
      %get3A_380 = arith.index_cast %add3A_38 : i32 to index
      %get3A_381 = arith.constant 544 : index
      %get3A_382 = tpu.vector_load %arg8[%get3A_380, %get3A_381] {strides = array<i32>} : memref<32x1024xf32, #tpu.memory_space<vmem>>, vector<16xf32>,
      %add3A_383 = arith.addf %get3A_379, %get3A_382 : vector<16xf32>
      %swap3A_384 = arith.index_cast %add3A_38 : i32 to index
      %swap3A_385 = arith.constant 544 : index
      %swap3A_386 = tpu.vector_load %arg7[%swap3A_384, %swap3A_385] {strides = array<i32>} : memref<32x1024xf32, #tpu.memory_space<vmem>>, vector<16xf32>,
      tpu.vector_store %arg7[%swap3A_384, %swap3A_385], %add3A_383 {strides = array<i32>} : memref<32x1024xf32, #tpu.memory_space<vmem>>, vector<16xf32>,
      %get3A_387 = arith.index_cast %add3A_38 : i32 to index
      %get3A_388 = arith.constant 560 : index
      %get3A_389 = tpu.vector_load %arg7[%get3A_387, %get3A_388] {strides = array<i32>} : memref<32x1024xf32, #tpu.memory_space<vmem>>, vector<16xf32>,
      %get3A_390 = arith.index_cast %add3A_38 : i32 to index
      %get3A_391 = arith.constant 560 : index
      %get3A_392 = tpu.vector_load %arg8[%get3A_390, %get3A_391] {strides = array<i32>} : memref<32x1024xf32, #tpu.memory_space<vmem>>, vector<16xf32>,
      %add3A_393 = arith.addf %get3A_389, %get3A_392 : vector<16xf32>
      %swap3A_394 = arith.index_cast %add3A_38 : i32 to index
      %swap3A_395 = arith.constant 560 : index
      %swap3A_396 = tpu.vector_load %arg7[%swap3A_394, %swap3A_395] {strides = array<i32>} : memref<32x1024xf32, #tpu.memory_space<vmem>>, vector<16xf32>,
      tpu.vector_store %arg7[%swap3A_394, %swap3A_395], %add3A_393 {strides = array<i32>} : memref<32x1024xf32, #tpu.memory_space<vmem>>, vector<16xf32>,
      %get3A_397 = arith.index_cast %add3A_38 : i32 to index
      %get3A_398 = arith.constant 576 : index
      %get3A_399 = tpu.vector_load %arg7[%get3A_397, %get3A_398] {strides = array<i32>} : memref<32x1024xf32, #tpu.memory_space<vmem>>, vector<16xf32>,
      %get3A_400 = arith.index_cast %add3A_38 : i32 to index
      %get3A_401 = arith.constant 576 : index
      %get3A_402 = tpu.vector_load %arg8[%get3A_400, %get3A_401] {strides = array<i32>} : memref<32x1024xf32, #tpu.memory_space<vmem>>, vector<16xf32>,
      %add3A_403 = arith.addf %get3A_399, %get3A_402 : vector<16xf32>
      %swap3A_404 = arith.index_cast %add3A_38 : i32 to index
      %swap3A_405 = arith.constant 576 : index
      %swap3A_406 = tpu.vector_load %arg7[%swap3A_404, %swap3A_405] {strides = array<i32>} : memref<32x1024xf32, #tpu.memory_space<vmem>>, vector<16xf32>,
      tpu.vector_store %arg7[%swap3A_404, %swap3A_405], %add3A_403 {strides = array<i32>} : memref<32x1024xf32, #tpu.memory_space<vmem>>, vector<16xf32>,
      %get3A_407 = arith.index_cast %add3A_38 : i32 to index
      %get3A_408 = arith.constant 592 : index
      %get3A_409 = tpu.vector_load %arg7[%get3A_407, %get3A_408] {strides = array<i32>} : memref<32x1024xf32, #tpu.memory_space<vmem>>, vector<16xf32>,
      %get3A_410 = arith.index_cast %add3A_38 : i32 to index
      %get3A_411 = arith.constant 592 : index
      %get3A_412 = tpu.vector_load %arg8[%get3A_410, %get3A_411] {strides = array<i32>} : memref<32x1024xf32, #tpu.memory_space<vmem>>, vector<16xf32>,
      %add3A_413 = arith.addf %get3A_409, %get3A_412 : vector<16xf32>
      %swap3A_414 = arith.index_cast %add3A_38 : i32 to index
      %swap3A_415 = arith.constant 592 : index
      %swap3A_416 = tpu.vector_load %arg7[%swap3A_414, %swap3A_415] {strides = array<i32>} : memref<32x1024xf32, #tpu.memory_space<vmem>>, vector<16xf32>,
      tpu.vector_store %arg7[%swap3A_414, %swap3A_415], %add3A_413 {strides = array<i32>} : memref<32x1024xf32, #tpu.memory_space<vmem>>, vector<16xf32>,
      %get3A_417 = arith.index_cast %add3A_38 : i32 to index
      %get3A_418 = arith.constant 608 : index
      %get3A_419 = tpu.vector_load %arg7[%get3A_417, %get3A_418] {strides = array<i32>} : memref<32x1024xf32, #tpu.memory_space<vmem>>, vector<16xf32>,
      %get3A_420 = arith.index_cast %add3A_38 : i32 to index
      %get3A_421 = arith.constant 608 : index
      %get3A_422 = tpu.vector_load %arg8[%get3A_420, %get3A_421] {strides = array<i32>} : memref<32x1024xf32, #tpu.memory_space<vmem>>, vector<16xf32>,
      %add3A_423 = arith.addf %get3A_419, %get3A_422 : vector<16xf32>
      %swap3A_424 = arith.index_cast %add3A_38 : i32 to index
      %swap3A_425 = arith.constant 608 : index
      %swap3A_426 = tpu.vector_load %arg7[%swap3A_424, %swap3A_425] {strides = array<i32>} : memref<32x1024xf32, #tpu.memory_space<vmem>>, vector<16xf32>,
      tpu.vector_store %arg7[%swap3A_424, %swap3A_425], %add3A_423 {strides = array<i32>} : memref<32x1024xf32, #tpu.memory_space<vmem>>, vector<16xf32>,
      %get3A_427 = arith.index_cast %add3A_38 : i32 to index
      %get3A_428 = arith.constant 624 : index
      %get3A_429 = tpu.vector_load %arg7[%get3A_427, %get3A_428] {strides = array<i32>} : memref<32x1024xf32, #tpu.memory_space<vmem>>, vector<16xf32>,
      %get3A_430 = arith.index_cast %add3A_38 : i32 to index
      %get3A_431 = arith.constant 624 : index
      %get3A_432 = tpu.vector_load %arg8[%get3A_430, %get3A_431] {strides = array<i32>} : memref<32x1024xf32, #tpu.memory_space<vmem>>, vector<16xf32>,
      %add3A_433 = arith.addf %get3A_429, %get3A_432 : vector<16xf32>
      %swap3A_434 = arith.index_cast %add3A_38 : i32 to index
      %swap3A_435 = arith.constant 624 : index
      %swap3A_436 = tpu.vector_load %arg7[%swap3A_434, %swap3A_435] {strides = array<i32>} : memref<32x1024xf32, #tpu.memory_space<vmem>>, vector<16xf32>,
      tpu.vector_store %arg7[%swap3A_434, %swap3A_435], %add3A_433 {strides = array<i32>} : memref<32x1024xf32, #tpu.memory_space<vmem>>, vector<16xf32>,
      %get3A_437 = arith.index_cast %add3A_38 : i32 to index
      %get3A_438 = arith.constant 640 : index
      %get3A_439 = tpu.vector_load %arg7[%get3A_437, %get3A_438] {strides = array<i32>} : memref<32x1024xf32, #tpu.memory_space<vmem>>, vector<16xf32>,
      %get3A_440 = arith.index_cast %add3A_38 : i32 to index
      %get3A_441 = arith.constant 640 : index
      %get3A_442 = tpu.vector_load %arg8[%get3A_440, %get3A_441] {strides = array<i32>} : memref<32x1024xf32, #tpu.memory_space<vmem>>, vector<16xf32>,
      %add3A_443 = arith.addf %get3A_439, %get3A_442 : vector<16xf32>
      %swap3A_444 = arith.index_cast %add3A_38 : i32 to index
      %swap3A_445 = arith.constant 640 : index
      %swap3A_446 = tpu.vector_load %arg7[%swap3A_444, %swap3A_445] {strides = array<i32>} : memref<32x1024xf32, #tpu.memory_space<vmem>>, vector<16xf32>,
      tpu.vector_store %arg7[%swap3A_444, %swap3A_445], %add3A_443 {strides = array<i32>} : memref<32x1024xf32, #tpu.memory_space<vmem>>, vector<16xf32>,
      %get3A_447 = arith.index_cast %add3A_38 : i32 to index
      %get3A_448 = arith.constant 656 : index
      %get3A_449 = tpu.vector_load %arg7[%get3A_447, %get3A_448] {strides = array<i32>} : memref<32x1024xf32, #tpu.memory_space<vmem>>, vector<16xf32>,
      %get3A_450 = arith.index_cast %add3A_38 : i32 to index
      %get3A_451 = arith.constant 656 : index
      %get3A_452 = tpu.vector_load %arg8[%get3A_450, %get3A_451] {strides = array<i32>} : memref<32x1024xf32, #tpu.memory_space<vmem>>, vector<16xf32>,
      %add3A_453 = arith.addf %get3A_449, %get3A_452 : vector<16xf32>
      %swap3A_454 = arith.index_cast %add3A_38 : i32 to index
      %swap3A_455 = arith.constant 656 : index
      %swap3A_456 = tpu.vector_load %arg7[%swap3A_454, %swap3A_455] {strides = array<i32>} : memref<32x1024xf32, #tpu.memory_space<vmem>>, vector<16xf32>,
      tpu.vector_store %arg7[%swap3A_454, %swap3A_455], %add3A_453 {strides = array<i32>} : memref<32x1024xf32, #tpu.memory_space<vmem>>, vector<16xf32>,
      %get3A_457 = arith.index_cast %add3A_38 : i32 to index
      %get3A_458 = arith.constant 672 : index
      %get3A_459 = tpu.vector_load %arg7[%get3A_457, %get3A_458] {strides = array<i32>} : memref<32x1024xf32, #tpu.memory_space<vmem>>, vector<16xf32>,
      %get3A_460 = arith.index_cast %add3A_38 : i32 to index
      %get3A_461 = arith.constant 672 : index
      %get3A_462 = tpu.vector_load %arg8[%get3A_460, %get3A_461] {strides = array<i32>} : memref<32x1024xf32, #tpu.memory_space<vmem>>, vector<16xf32>,
      %add3A_463 = arith.addf %get3A_459, %get3A_462 : vector<16xf32>
      %swap3A_464 = arith.index_cast %add3A_38 : i32 to index
      %swap3A_465 = arith.constant 672 : index
      %swap3A_466 = tpu.vector_load %arg7[%swap3A_464, %swap3A_465] {strides = array<i32>} : memref<32x1024xf32, #tpu.memory_space<vmem>>, vector<16xf32>,
      tpu.vector_store %arg7[%swap3A_464, %swap3A_465], %add3A_463 {strides = array<i32>} : memref<32x1024xf32, #tpu.memory_space<vmem>>, vector<16xf32>,
      %get3A_467 = arith.index_cast %add3A_38 : i32 to index
      %get3A_468 = arith.constant 688 : index
      %get3A_469 = tpu.vector_load %arg7[%get3A_467, %get3A_468] {strides = array<i32>} : memref<32x1024xf32, #tpu.memory_space<vmem>>, vector<16xf32>,
      %get3A_470 = arith.index_cast %add3A_38 : i32 to index
      %get3A_471 = arith.constant 688 : index
      %get3A_472 = tpu.vector_load %arg8[%get3A_470, %get3A_471] {strides = array<i32>} : memref<32x1024xf32, #tpu.memory_space<vmem>>, vector<16xf32>,
      %add3A_473 = arith.addf %get3A_469, %get3A_472 : vector<16xf32>
      %swap3A_474 = arith.index_cast %add3A_38 : i32 to index
      %swap3A_475 = arith.constant 688 : index
      %swap3A_476 = tpu.vector_load %arg7[%swap3A_474, %swap3A_475] {strides = array<i32>} : memref<32x1024xf32, #tpu.memory_space<vmem>>, vector<16xf32>,
      tpu.vector_store %arg7[%swap3A_474, %swap3A_475], %add3A_473 {strides = array<i32>} : memref<32x1024xf32, #tpu.memory_space<vmem>>, vector<16xf32>,
      %get3A_477 = arith.index_cast %add3A_38 : i32 to index
      %get3A_478 = arith.constant 704 : index
      %get3A_479 = tpu.vector_load %arg7[%get3A_477, %get3A_478] {strides = array<i32>} : memref<32x1024xf32, #tpu.memory_space<vmem>>, vector<16xf32>,
      %get3A_480 = arith.index_cast %add3A_38 : i32 to index
      %get3A_481 = arith.constant 704 : index
      %get3A_482 = tpu.vector_load %arg8[%get3A_480, %get3A_481] {strides = array<i32>} : memref<32x1024xf32, #tpu.memory_space<vmem>>, vector<16xf32>,
      %add3A_483 = arith.addf %get3A_479, %get3A_482 : vector<16xf32>
      %swap3A_484 = arith.index_cast %add3A_38 : i32 to index
      %swap3A_485 = arith.constant 704 : index
      %swap3A_486 = tpu.vector_load %arg7[%swap3A_484, %swap3A_485] {strides = array<i32>} : memref<32x1024xf32, #tpu.memory_space<vmem>>, vector<16xf32>,
      tpu.vector_store %arg7[%swap3A_484, %swap3A_485], %add3A_483 {strides = array<i32>} : memref<32x1024xf32, #tpu.memory_space<vmem>>, vector<16xf32>,
      %get3A_487 = arith.index_cast %add3A_38 : i32 to index
      %get3A_488 = arith.constant 720 : index
      %get3A_489 = tpu.vector_load %arg7[%get3A_487, %get3A_488] {strides = array<i32>} : memref<32x1024xf32, #tpu.memory_space<vmem>>, vector<16xf32>,
      %get3A_490 = arith.index_cast %add3A_38 : i32 to index
      %get3A_491 = arith.constant 720 : index
      %get3A_492 = tpu.vector_load %arg8[%get3A_490, %get3A_491] {strides = array<i32>} : memref<32x1024xf32, #tpu.memory_space<vmem>>, vector<16xf32>,
      %add3A_493 = arith.addf %get3A_489, %get3A_492 : vector<16xf32>
      %swap3A_494 = arith.index_cast %add3A_38 : i32 to index
      %swap3A_495 = arith.constant 720 : index
      %swap3A_496 = tpu.vector_load %arg7[%swap3A_494, %swap3A_495] {strides = array<i32>} : memref<32x1024xf32, #tpu.memory_space<vmem>>, vector<16xf32>,
      tpu.vector_store %arg7[%swap3A_494, %swap3A_495], %add3A_493 {strides = array<i32>} : memref<32x1024xf32, #tpu.memory_space<vmem>>, vector<16xf32>,
      %get3A_497 = arith.index_cast %add3A_38 : i32 to index
      %get3A_498 = arith.constant 736 : index
      %get3A_499 = tpu.vector_load %arg7[%get3A_497, %get3A_498] {strides = array<i32>} : memref<32x1024xf32, #tpu.memory_space<vmem>>, vector<16xf32>,
      %get3A_500 = arith.index_cast %add3A_38 : i32 to index
      %get3A_501 = arith.constant 736 : index
      %get3A_502 = tpu.vector_load %arg8[%get3A_500, %get3A_501] {strides = array<i32>} : memref<32x1024xf32, #tpu.memory_space<vmem>>, vector<16xf32>,
      %add3A_503 = arith.addf %get3A_499, %get3A_502 : vector<16xf32>
      %swap3A_504 = arith.index_cast %add3A_38 : i32 to index
      %swap3A_505 = arith.constant 736 : index
      %swap3A_506 = tpu.vector_load %arg7[%swap3A_504, %swap3A_505] {strides = array<i32>} : memref<32x1024xf32, #tpu.memory_space<vmem>>, vector<16xf32>,
      tpu.vector_store %arg7[%swap3A_504, %swap3A_505], %add3A_503 {strides = array<i32>} : memref<32x1024xf32, #tpu.memory_space<vmem>>, vector<16xf32>,
      %get3A_507 = arith.index_cast %add3A_38 : i32 to index
      %get3A_508 = arith.constant 752 : index
      %get3A_509 = tpu.vector_load %arg7[%get3A_507, %get3A_508] {strides = array<i32>} : memref<32x1024xf32, #tpu.memory_space<vmem>>, vector<16xf32>,
      %get3A_510 = arith.index_cast %add3A_38 : i32 to index
      %get3A_511 = arith.constant 752 : index
      %get3A_512 = tpu.vector_load %arg8[%get3A_510, %get3A_511] {strides = array<i32>} : memref<32x1024xf32, #tpu.memory_space<vmem>>, vector<16xf32>,
      %add3A_513 = arith.addf %get3A_509, %get3A_512 : vector<16xf32>
      %swap3A_514 = arith.index_cast %add3A_38 : i32 to index
      %swap3A_515 = arith.constant 752 : index
      %swap3A_516 = tpu.vector_load %arg7[%swap3A_514, %swap3A_515] {strides = array<i32>} : memref<32x1024xf32, #tpu.memory_space<vmem>>, vector<16xf32>,
      tpu.vector_store %arg7[%swap3A_514, %swap3A_515], %add3A_513 {strides = array<i32>} : memref<32x1024xf32, #tpu.memory_space<vmem>>, vector<16xf32>,
      %get3A_517 = arith.index_cast %add3A_38 : i32 to index
      %get3A_518 = arith.constant 768 : index
      %get3A_519 = tpu.vector_load %arg7[%get3A_517, %get3A_518] {strides = array<i32>} : memref<32x1024xf32, #tpu.memory_space<vmem>>, vector<16xf32>,
      %get3A_520 = arith.index_cast %add3A_38 : i32 to index
      %get3A_521 = arith.constant 768 : index
      %get3A_522 = tpu.vector_load %arg8[%get3A_520, %get3A_521] {strides = array<i32>} : memref<32x1024xf32, #tpu.memory_space<vmem>>, vector<16xf32>,
      %add3A_523 = arith.addf %get3A_519, %get3A_522 : vector<16xf32>
      %swap3A_524 = arith.index_cast %add3A_38 : i32 to index
      %swap3A_525 = arith.constant 768 : index
      %swap3A_526 = tpu.vector_load %arg7[%swap3A_524, %swap3A_525] {strides = array<i32>} : memref<32x1024xf32, #tpu.memory_space<vmem>>, vector<16xf32>,
      tpu.vector_store %arg7[%swap3A_524, %swap3A_525], %add3A_523 {strides = array<i32>} : memref<32x1024xf32, #tpu.memory_space<vmem>>, vector<16xf32>,
      %get3A_527 = arith.index_cast %add3A_38 : i32 to index
      %get3A_528 = arith.constant 784 : index
      %get3A_529 = tpu.vector_load %arg7[%get3A_527, %get3A_528] {strides = array<i32>} : memref<32x1024xf32, #tpu.memory_space<vmem>>, vector<16xf32>,
      %get3A_530 = arith.index_cast %add3A_38 : i32 to index
      %get3A_531 = arith.constant 784 : index
      %get3A_532 = tpu.vector_load %arg8[%get3A_530, %get3A_531] {strides = array<i32>} : memref<32x1024xf32, #tpu.memory_space<vmem>>, vector<16xf32>,
      %add3A_533 = arith.addf %get3A_529, %get3A_532 : vector<16xf32>
      %swap3A_534 = arith.index_cast %add3A_38 : i32 to index
      %swap3A_535 = arith.constant 784 : index
      %swap3A_536 = tpu.vector_load %arg7[%swap3A_534, %swap3A_535] {strides = array<i32>} : memref<32x1024xf32, #tpu.memory_space<vmem>>, vector<16xf32>,
      tpu.vector_store %arg7[%swap3A_534, %swap3A_535], %add3A_533 {strides = array<i32>} : memref<32x1024xf32, #tpu.memory_space<vmem>>, vector<16xf32>,
      %get3A_537 = arith.index_cast %add3A_38 : i32 to index
      %get3A_538 = arith.constant 800 : index
      %get3A_539 = tpu.vector_load %arg7[%get3A_537, %get3A_538] {strides = array<i32>} : memref<32x1024xf32, #tpu.memory_space<vmem>>, vector<16xf32>,
      %get3A_540 = arith.index_cast %add3A_38 : i32 to index
      %get3A_541 = arith.constant 800 : index
      %get3A_542 = tpu.vector_load %arg8[%get3A_540, %get3A_541] {strides = array<i32>} : memref<32x1024xf32, #tpu.memory_space<vmem>>, vector<16xf32>,
      %add3A_543 = arith.addf %get3A_539, %get3A_542 : vector<16xf32>
      %swap3A_544 = arith.index_cast %add3A_38 : i32 to index
      %swap3A_545 = arith.constant 800 : index
      %swap3A_546 = tpu.vector_load %arg7[%swap3A_544, %swap3A_545] {strides = array<i32>} : memref<32x1024xf32, #tpu.memory_space<vmem>>, vector<16xf32>,
      tpu.vector_store %arg7[%swap3A_544, %swap3A_545], %add3A_543 {strides = array<i32>} : memref<32x1024xf32, #tpu.memory_space<vmem>>, vector<16xf32>,
      %get3A_547 = arith.index_cast %add3A_38 : i32 to index
      %get3A_548 = arith.constant 816 : index
      %get3A_549 = tpu.vector_load %arg7[%get3A_547, %get3A_548] {strides = array<i32>} : memref<32x1024xf32, #tpu.memory_space<vmem>>, vector<16xf32>,
      %get3A_550 = arith.index_cast %add3A_38 : i32 to index
      %get3A_551 = arith.constant 816 : index
      %get3A_552 = tpu.vector_load %arg8[%get3A_550, %get3A_551] {strides = array<i32>} : memref<32x1024xf32, #tpu.memory_space<vmem>>, vector<16xf32>,
      %add3A_553 = arith.addf %get3A_549, %get3A_552 : vector<16xf32>
      %swap3A_554 = arith.index_cast %add3A_38 : i32 to index
      %swap3A_555 = arith.constant 816 : index
      %swap3A_556 = tpu.vector_load %arg7[%swap3A_554, %swap3A_555] {strides = array<i32>} : memref<32x1024xf32, #tpu.memory_space<vmem>>, vector<16xf32>,
      tpu.vector_store %arg7[%swap3A_554, %swap3A_555], %add3A_553 {strides = array<i32>} : memref<32x1024xf32, #tpu.memory_space<vmem>>, vector<16xf32>,
      %get3A_557 = arith.index_cast %add3A_38 : i32 to index
      %get3A_558 = arith.constant 832 : index
      %get3A_559 = tpu.vector_load %arg7[%get3A_557, %get3A_558] {strides = array<i32>} : memref<32x1024xf32, #tpu.memory_space<vmem>>, vector<16xf32>,
      %get3A_560 = arith.index_cast %add3A_38 : i32 to index
      %get3A_561 = arith.constant 832 : index
      %get3A_562 = tpu.vector_load %arg8[%get3A_560, %get3A_561] {strides = array<i32>} : memref<32x1024xf32, #tpu.memory_space<vmem>>, vector<16xf32>,
      %add3A_563 = arith.addf %get3A_559, %get3A_562 : vector<16xf32>
      %swap3A_564 = arith.index_cast %add3A_38 : i32 to index
      %swap3A_565 = arith.constant 832 : index
      %swap3A_566 = tpu.vector_load %arg7[%swap3A_564, %swap3A_565] {strides = array<i32>} : memref<32x1024xf32, #tpu.memory_space<vmem>>, vector<16xf32>,
      tpu.vector_store %arg7[%swap3A_564, %swap3A_565], %add3A_563 {strides = array<i32>} : memref<32x1024xf32, #tpu.memory_space<vmem>>, vector<16xf32>,
      %get3A_567 = arith.index_cast %add3A_38 : i32 to index
      %get3A_568 = arith.constant 848 : index
      %get3A_569 = tpu.vector_load %arg7[%get3A_567, %get3A_568] {strides = array<i32>} : memref<32x1024xf32, #tpu.memory_space<vmem>>, vector<16xf32>,
      %get3A_570 = arith.index_cast %add3A_38 : i32 to index
      %get3A_571 = arith.constant 848 : index
      %get3A_572 = tpu.vector_load %arg8[%get3A_570, %get3A_571] {strides = array<i32>} : memref<32x1024xf32, #tpu.memory_space<vmem>>, vector<16xf32>,
      %add3A_573 = arith.addf %get3A_569, %get3A_572 : vector<16xf32>
      %swap3A_574 = arith.index_cast %add3A_38 : i32 to index
      %swap3A_575 = arith.constant 848 : index
      %swap3A_576 = tpu.vector_load %arg7[%swap3A_574, %swap3A_575] {strides = array<i32>} : memref<32x1024xf32, #tpu.memory_space<vmem>>, vector<16xf32>,
      tpu.vector_store %arg7[%swap3A_574, %swap3A_575], %add3A_573 {strides = array<i32>} : memref<32x1024xf32, #tpu.memory_space<vmem>>, vector<16xf32>,
      %get3A_577 = arith.index_cast %add3A_38 : i32 to index
      %get3A_578 = arith.constant 864 : index
      %get3A_579 = tpu.vector_load %arg7[%get3A_577, %get3A_578] {strides = array<i32>} : memref<32x1024xf32, #tpu.memory_space<vmem>>, vector<16xf32>,
      %get3A_580 = arith.index_cast %add3A_38 : i32 to index
      %get3A_581 = arith.constant 864 : index
      %get3A_582 = tpu.vector_load %arg8[%get3A_580, %get3A_581] {strides = array<i32>} : memref<32x1024xf32, #tpu.memory_space<vmem>>, vector<16xf32>,
      %add3A_583 = arith.addf %get3A_579, %get3A_582 : vector<16xf32>
      %swap3A_584 = arith.index_cast %add3A_38 : i32 to index
      %swap3A_585 = arith.constant 864 : index
      %swap3A_586 = tpu.vector_load %arg7[%swap3A_584, %swap3A_585] {strides = array<i32>} : memref<32x1024xf32, #tpu.memory_space<vmem>>, vector<16xf32>,
      tpu.vector_store %arg7[%swap3A_584, %swap3A_585], %add3A_583 {strides = array<i32>} : memref<32x1024xf32, #tpu.memory_space<vmem>>, vector<16xf32>,
      %get3A_587 = arith.index_cast %add3A_38 : i32 to index
      %get3A_588 = arith.constant 880 : index
      %get3A_589 = tpu.vector_load %arg7[%get3A_587, %get3A_588] {strides = array<i32>} : memref<32x1024xf32, #tpu.memory_space<vmem>>, vector<16xf32>,
      %get3A_590 = arith.index_cast %add3A_38 : i32 to index
      %get3A_591 = arith.constant 880 : index
      %get3A_592 = tpu.vector_load %arg8[%get3A_590, %get3A_591] {strides = array<i32>} : memref<32x1024xf32, #tpu.memory_space<vmem>>, vector<16xf32>,
      %add3A_593 = arith.addf %get3A_589, %get3A_592 : vector<16xf32>
      %swap3A_594 = arith.index_cast %add3A_38 : i32 to index
      %swap3A_595 = arith.constant 880 : index
      %swap3A_596 = tpu.vector_load %arg7[%swap3A_594, %swap3A_595] {strides = array<i32>} : memref<32x1024xf32, #tpu.memory_space<vmem>>, vector<16xf32>,
      tpu.vector_store %arg7[%swap3A_594, %swap3A_595], %add3A_593 {strides = array<i32>} : memref<32x1024xf32, #tpu.memory_space<vmem>>, vector<16xf32>,
      %get3A_597 = arith.index_cast %add3A_38 : i32 to index
      %get3A_598 = arith.constant 896 : index
      %get3A_599 = tpu.vector_load %arg7[%get3A_597, %get3A_598] {strides = array<i32>} : memref<32x1024xf32, #tpu.memory_space<vmem>>, vector<16xf32>,
      %get3A_600 = arith.index_cast %add3A_38 : i32 to index
      %get3A_601 = arith.constant 896 : index
      %get3A_602 = tpu.vector_load %arg8[%get3A_600, %get3A_601] {strides = array<i32>} : memref<32x1024xf32, #tpu.memory_space<vmem>>, vector<16xf32>,
      %add3A_603 = arith.addf %get3A_599, %get3A_602 : vector<16xf32>
      %swap3A_604 = arith.index_cast %add3A_38 : i32 to index
      %swap3A_605 = arith.constant 896 : index
      %swap3A_606 = tpu.vector_load %arg7[%swap3A_604, %swap3A_605] {strides = array<i32>} : memref<32x1024xf32, #tpu.memory_space<vmem>>, vector<16xf32>,
      tpu.vector_store %arg7[%swap3A_604, %swap3A_605], %add3A_603 {strides = array<i32>} : memref<32x1024xf32, #tpu.memory_space<vmem>>, vector<16xf32>,
      %get3A_607 = arith.index_cast %add3A_38 : i32 to index
      %get3A_608 = arith.constant 912 : index
      %get3A_609 = tpu.vector_load %arg7[%get3A_607, %get3A_608] {strides = array<i32>} : memref<32x1024xf32, #tpu.memory_space<vmem>>, vector<16xf32>,
      %get3A_610 = arith.index_cast %add3A_38 : i32 to index
      %get3A_611 = arith.constant 912 : index
      %get3A_612 = tpu.vector_load %arg8[%get3A_610, %get3A_611] {strides = array<i32>} : memref<32x1024xf32, #tpu.memory_space<vmem>>, vector<16xf32>,
      %add3A_613 = arith.addf %get3A_609, %get3A_612 : vector<16xf32>
      %swap3A_614 = arith.index_cast %add3A_38 : i32 to index
      %swap3A_615 = arith.constant 912 : index
      %swap3A_616 = tpu.vector_load %arg7[%swap3A_614, %swap3A_615] {strides = array<i32>} : memref<32x1024xf32, #tpu.memory_space<vmem>>, vector<16xf32>,
      tpu.vector_store %arg7[%swap3A_614, %swap3A_615], %add3A_613 {strides = array<i32>} : memref<32x1024xf32, #tpu.memory_space<vmem>>, vector<16xf32>,
      %get3A_617 = arith.index_cast %add3A_38 : i32 to index
      %get3A_618 = arith.constant 928 : index
      %get3A_619 = tpu.vector_load %arg7[%get3A_617, %get3A_618] {strides = array<i32>} : memref<32x1024xf32, #tpu.memory_space<vmem>>, vector<16xf32>,
      %get3A_620 = arith.index_cast %add3A_38 : i32 to index
      %get3A_621 = arith.constant 928 : index
      %get3A_622 = tpu.vector_load %arg8[%get3A_620, %get3A_621] {strides = array<i32>} : memref<32x1024xf32, #tpu.memory_space<vmem>>, vector<16xf32>,
      %add3A_623 = arith.addf %get3A_619, %get3A_622 : vector<16xf32>
      %swap3A_624 = arith.index_cast %add3A_38 : i32 to index
      %swap3A_625 = arith.constant 928 : index
      %swap3A_626 = tpu.vector_load %arg7[%swap3A_624, %swap3A_625] {strides = array<i32>} : memref<32x1024xf32, #tpu.memory_space<vmem>>, vector<16xf32>,
      tpu.vector_store %arg7[%swap3A_624, %swap3A_625], %add3A_623 {strides = array<i32>} : memref<32x1024xf32, #tpu.memory_space<vmem>>, vector<16xf32>,
      %get3A_627 = arith.index_cast %add3A_38 : i32 to index
      %get3A_628 = arith.constant 944 : index
      %get3A_629 = tpu.vector_load %arg7[%get3A_627, %get3A_628] {strides = array<i32>} : memref<32x1024xf32, #tpu.memory_space<vmem>>, vector<16xf32>,
      %get3A_630 = arith.index_cast %add3A_38 : i32 to index
      %get3A_631 = arith.constant 944 : index
      %get3A_632 = tpu.vector_load %arg8[%get3A_630, %get3A_631] {strides = array<i32>} : memref<32x1024xf32, #tpu.memory_space<vmem>>, vector<16xf32>,
      %add3A_633 = arith.addf %get3A_629, %get3A_632 : vector<16xf32>
      %swap3A_634 = arith.index_cast %add3A_38 : i32 to index
      %swap3A_635 = arith.constant 944 : index
      %swap3A_636 = tpu.vector_load %arg7[%swap3A_634, %swap3A_635] {strides = array<i32>} : memref<32x1024xf32, #tpu.memory_space<vmem>>, vector<16xf32>,
      tpu.vector_store %arg7[%swap3A_634, %swap3A_635], %add3A_633 {strides = array<i32>} : memref<32x1024xf32, #tpu.memory_space<vmem>>, vector<16xf32>,
      %get3A_637 = arith.index_cast %add3A_38 : i32 to index
      %get3A_638 = arith.constant 960 : index
      %get3A_639 = tpu.vector_load %arg7[%get3A_637, %get3A_638] {strides = array<i32>} : memref<32x1024xf32, #tpu.memory_space<vmem>>, vector<16xf32>,
      %get3A_640 = arith.index_cast %add3A_38 : i32 to index
      %get3A_641 = arith.constant 960 : index
      %get3A_642 = tpu.vector_load %arg8[%get3A_640, %get3A_641] {strides = array<i32>} : memref<32x1024xf32, #tpu.memory_space<vmem>>, vector<16xf32>,
      %add3A_643 = arith.addf %get3A_639, %get3A_642 : vector<16xf32>
      %swap3A_644 = arith.index_cast %add3A_38 : i32 to index
      %swap3A_645 = arith.constant 960 : index
      %swap3A_646 = tpu.vector_load %arg7[%swap3A_644, %swap3A_645] {strides = array<i32>} : memref<32x1024xf32, #tpu.memory_space<vmem>>, vector<16xf32>,
      tpu.vector_store %arg7[%swap3A_644, %swap3A_645], %add3A_643 {strides = array<i32>} : memref<32x1024xf32, #tpu.memory_space<vmem>>, vector<16xf32>,
      %get3A_647 = arith.index_cast %add3A_38 : i32 to index
      %get3A_648 = arith.constant 976 : index
      %get3A_649 = tpu.vector_load %arg7[%get3A_647, %get3A_648] {strides = array<i32>} : memref<32x1024xf32, #tpu.memory_space<vmem>>, vector<16xf32>,
      %get3A_650 = arith.index_cast %add3A_38 : i32 to index
      %get3A_651 = arith.constant 976 : index
      %get3A_652 = tpu.vector_load %arg8[%get3A_650, %get3A_651] {strides = array<i32>} : memref<32x1024xf32, #tpu.memory_space<vmem>>, vector<16xf32>,
      %add3A_653 = arith.addf %get3A_649, %get3A_652 : vector<16xf32>
      %swap3A_654 = arith.index_cast %add3A_38 : i32 to index
      %swap3A_655 = arith.constant 976 : index
      %swap3A_656 = tpu.vector_load %arg7[%swap3A_654, %swap3A_655] {strides = array<i32>} : memref<32x1024xf32, #tpu.memory_space<vmem>>, vector<16xf32>,
      tpu.vector_store %arg7[%swap3A_654, %swap3A_655], %add3A_653 {strides = array<i32>} : memref<32x1024xf32, #tpu.memory_space<vmem>>, vector<16xf32>,
      %get3A_657 = arith.index_cast %add3A_38 : i32 to index
      %get3A_658 = arith.constant 992 : index
      %get3A_659 = tpu.vector_load %arg7[%get3A_657, %get3A_658] {strides = array<i32>} : memref<32x1024xf32, #tpu.memory_space<vmem>>, vector<16xf32>,
      %get3A_660 = arith.index_cast %add3A_38 : i32 to index
      %get3A_661 = arith.constant 992 : index
      %get3A_662 = tpu.vector_load %arg8[%get3A_660, %get3A_661] {strides = array<i32>} : memref<32x1024xf32, #tpu.memory_space<vmem>>, vector<16xf32>,
      %add3A_663 = arith.addf %get3A_659, %get3A_662 : vector<16xf32>
      %swap3A_664 = arith.index_cast %add3A_38 : i32 to index
      %swap3A_665 = arith.constant 992 : index
      %swap3A_666 = tpu.vector_load %arg7[%swap3A_664, %swap3A_665] {strides = array<i32>} : memref<32x1024xf32, #tpu.memory_space<vmem>>, vector<16xf32>,
      tpu.vector_store %arg7[%swap3A_664, %swap3A_665], %add3A_663 {strides = array<i32>} : memref<32x1024xf32, #tpu.memory_space<vmem>>, vector<16xf32>,
      %get3A_667 = arith.index_cast %add3A_38 : i32 to index
      %get3A_668 = arith.constant 1008 : index
      %get3A_669 = tpu.vector_load %arg7[%get3A_667, %get3A_668] {strides = array<i32>} : memref<32x1024xf32, #tpu.memory_space<vmem>>, vector<16xf32>,
      %get3A_670 = arith.index_cast %add3A_38 : i32 to index
      %get3A_671 = arith.constant 1008 : index
      %get3A_672 = tpu.vector_load %arg8[%get3A_670, %get3A_671] {strides = array<i32>} : memref<32x1024xf32, #tpu.memory_space<vmem>>, vector<16xf32>,
      %add3A_673 = arith.addf %get3A_669, %get3A_672 : vector<16xf32>
      %swap3A_674 = arith.index_cast %add3A_38 : i32 to index
      %swap3A_675 = arith.constant 1008 : index
      %swap3A_676 = tpu.vector_load %arg7[%swap3A_674, %swap3A_675] {strides = array<i32>} : memref<32x1024xf32, #tpu.memory_space<vmem>>, vector<16xf32>,
      tpu.vector_store %arg7[%swap3A_674, %swap3A_675], %add3A_673 {strides = array<i32>} : memref<32x1024xf32, #tpu.memory_space<vmem>>, vector<16xf32>,
    }
    %scan3A_16 = arith.constant 32 : i32
    "tpu.region"() ({
      %run_scoped3A = tpu.sem_alloc : memref<!tpu.dma_semaphore, #tpu.memory_space<semaphore_mem>>
      %dma_start3A_34 = arith.constant 0 : i32
      %dma_start3A_35 = tpu.memref_slice %arg5[%add3A_4, %dma_start3A_34] : memref<2048x1024xf32, #tpu.memory_space<hbm>> -> memref<32x1024xf32, #tpu.memory_space<hbm>>
      %dma_start3A_36 = arith.constant 0 : i32
      %dma_start3A_37 = tpu.memref_slice %arg5[%add3A_4, %dma_start3A_36] : memref<2048x1024xf32, #tpu.memory_space<hbm>> -> memref<32x1024xf32, #tpu.memory_space<hbm>>
      tpu.enqueue_dma source(%arg7 : memref<32x1024xf32, #tpu.memory_space<vmem>>) target(%dma_start3A_37 : memref<32x1024xf32, #tpu.memory_space<hbm>>) target_semaphore(%run_scoped3A : memref<!tpu.dma_semaphore, #tpu.memory_space<semaphore_mem>>)
      %dma_wait3A_38 = arith.constant 0 : i32
      %dma_wait3A_39 = tpu.memref_slice %arg5[%add3A_4, %dma_wait3A_38] : memref<2048x1024xf32, #tpu.memory_space<hbm>> -> memref<32x1024xf32, #tpu.memory_space<hbm>>
      %dma_wait3A_40 = arith.constant 0 : i32
      %dma_wait3A_41 = tpu.memref_slice %arg5[%add3A_4, %dma_wait3A_40] : memref<2048x1024xf32, #tpu.memory_space<hbm>> -> memref<32x1024xf32, #tpu.memory_space<hbm>>
      tpu.wait_dma2 semaphore(%run_scoped3A : memref<!tpu.dma_semaphore, #tpu.memory_space<semaphore_mem>>) src(%arg7 : memref<32x1024xf32, #tpu.memory_space<vmem>>) dst(%dma_wait3A_41 : memref<32x1024xf32, #tpu.memory_space<hbm>>)
      tpu.yield
    }) : () -> ()
    %add3A_17 = arith.constant 32 : i32
    %add3A_18 = arith.addi %mul3A_2, %add3A_17 : i32
    %dma_start3A_19 = arith.constant 32 : i32
    %dma_start3A_20 = tpu.memref_slice %arg6[%dma_start3A_19] : memref<64xi32, #tpu.memory_space<vmem>> -> memref<32xi32, #tpu.memory_space<vmem>>
    %dma_start3A_21 = arith.constant 0 : i32
    %dma_start3A_22 = arith.constant 0 : i32
    %dma_start3A_23 = tpu.memref_slice %arg2[%dma_start3A_21, %dma_start3A_22] : memref<4096x1024xf32, #tpu.memory_space<hbm>> -> memref<4096x1024xf32, #tpu.memory_space<hbm>>
    tpu.enqueue_indirect_dma source(%dma_start3A_23 : memref<4096x1024xf32, #tpu.memory_space<hbm>>) target(%arg7 : memref<32x1024xf32, #tpu.memory_space<vmem>>) offsets(%dma_start3A_20 : memref<32xi32, #tpu.memory_space<vmem>>) semaphore(%arg9 : memref<!tpu.dma_semaphore, #tpu.memory_space<semaphore_mem>>)
    %dma_wait3A_24 = arith.constant 32 : i32
    %dma_wait3A_25 = tpu.memref_slice %arg6[%dma_wait3A_24] : memref<64xi32, #tpu.memory_space<vmem>> -> memref<32xi32, #tpu.memory_space<vmem>>
    %dma_wait3A_26 = arith.constant 0 : i32
    %dma_wait3A_27 = arith.constant 0 : i32
    %dma_wait3A_28 = tpu.memref_slice %arg2[%dma_wait3A_26, %dma_wait3A_27] : memref<4096x1024xf32, #tpu.memory_space<hbm>> -> memref<4096x1024xf32, #tpu.memory_space<hbm>>
    tpu.wait_indirect_dma semaphore(%arg9 : memref<!tpu.dma_semaphore, #tpu.memory_space<semaphore_mem>>) src(%dma_wait3A_28 : memref<4096x1024xf32, #tpu.memory_space<hbm>>) dst(%arg7 : memref<32x1024xf32, #tpu.memory_space<vmem>>)
    "tpu.region"() ({
      %run_scoped3A = tpu.sem_alloc : memref<!tpu.dma_semaphore, #tpu.memory_space<semaphore_mem>>
      %dma_start3A_34 = arith.constant 0 : i32
      %dma_start3A_35 = tpu.memref_slice %arg4[%add3A_18, %dma_start3A_34] : memref<2048x1024xf32, #tpu.memory_space<hbm>> -> memref<32x1024xf32, #tpu.memory_space<hbm>>
      %dma_start3A_36 = arith.constant 0 : i32
      %dma_start3A_37 = tpu.memref_slice %arg4[%add3A_18, %dma_start3A_36] : memref<2048x1024xf32, #tpu.memory_space<hbm>> -> memref<32x1024xf32, #tpu.memory_space<hbm>>
      tpu.enqueue_dma source(%dma_start3A_37 : memref<32x1024xf32, #tpu.memory_space<hbm>>) target(%arg8 : memref<32x1024xf32, #tpu.memory_space<vmem>>) target_semaphore(%run_scoped3A : memref<!tpu.dma_semaphore, #tpu.memory_space<semaphore_mem>>)
      %dma_wait3A_38 = arith.constant 0 : i32
      %dma_wait3A_39 = tpu.memref_slice %arg4[%add3A_18, %dma_wait3A_38] : memref<2048x1024xf32, #tpu.memory_space<hbm>> -> memref<32x1024xf32, #tpu.memory_space<hbm>>
      %dma_wait3A_40 = arith.constant 0 : i32
      %dma_wait3A_41 = tpu.memref_slice %arg4[%add3A_18, %dma_wait3A_40] : memref<2048x1024xf32, #tpu.memory_space<hbm>> -> memref<32x1024xf32, #tpu.memory_space<hbm>>
      tpu.wait_dma2 semaphore(%run_scoped3A : memref<!tpu.dma_semaphore, #tpu.memory_space<semaphore_mem>>) src(%dma_wait3A_41 : memref<32x1024xf32, #tpu.memory_space<hbm>>) dst(%arg8 : memref<32x1024xf32, #tpu.memory_space<vmem>>)
      tpu.yield
    }) : () -> ()
    %scan3A_29 = arith.constant 0 : i32
    %scan3A_30 = arith.constant 32 : i32
    %scan3A_31 = arith.addi %scan3A_29, %scan3A_30 : i32
    %scan3A_32 = arith.constant 1 : i32
    scf.for %scan3A_34 = %scan3A_29 to %scan3A_31 step %scan3A_32  : i32 {
      %mul3A_35 = arith.constant 1 : i32
      %mul3A_36 = arith.muli %scan3A_34, %mul3A_35 : i32
      %add3A_37 = arith.constant 0 : i32
      %add3A_38 = arith.addi %add3A_37, %mul3A_36 : i32
      %get3A = arith.index_cast %add3A_38 : i32 to index
      %get3A_39 = arith.constant 0 : index
      %get3A_40 = tpu.vector_load %arg7[%get3A, %get3A_39] {strides = array<i32>} : memref<32x1024xf32, #tpu.memory_space<vmem>>, vector<16xf32>,
      %get3A_41 = arith.index_cast %add3A_38 : i32 to index
      %get3A_42 = arith.constant 0 : index
      %get3A_43 = tpu.vector_load %arg8[%get3A_41, %get3A_42] {strides = array<i32>} : memref<32x1024xf32, #tpu.memory_space<vmem>>, vector<16xf32>,
      %add3A_44 = arith.addf %get3A_40, %get3A_43 : vector<16xf32>
      %swap3A = arith.index_cast %add3A_38 : i32 to index
      %swap3A_45 = arith.constant 0 : index
      %swap3A_46 = tpu.vector_load %arg7[%swap3A, %swap3A_45] {strides = array<i32>} : memref<32x1024xf32, #tpu.memory_space<vmem>>, vector<16xf32>,
      tpu.vector_store %arg7[%swap3A, %swap3A_45], %add3A_44 {strides = array<i32>} : memref<32x1024xf32, #tpu.memory_space<vmem>>, vector<16xf32>,
      %get3A_47 = arith.index_cast %add3A_38 : i32 to index
      %get3A_48 = arith.constant 16 : index
      %get3A_49 = tpu.vector_load %arg7[%get3A_47, %get3A_48] {strides = array<i32>} : memref<32x1024xf32, #tpu.memory_space<vmem>>, vector<16xf32>,
      %get3A_50 = arith.index_cast %add3A_38 : i32 to index
      %get3A_51 = arith.constant 16 : index
      %get3A_52 = tpu.vector_load %arg8[%get3A_50, %get3A_51] {strides = array<i32>} : memref<32x1024xf32, #tpu.memory_space<vmem>>, vector<16xf32>,
      %add3A_53 = arith.addf %get3A_49, %get3A_52 : vector<16xf32>
      %swap3A_54 = arith.index_cast %add3A_38 : i32 to index
      %swap3A_55 = arith.constant 16 : index
      %swap3A_56 = tpu.vector_load %arg7[%swap3A_54, %swap3A_55] {strides = array<i32>} : memref<32x1024xf32, #tpu.memory_space<vmem>>, vector<16xf32>,
      tpu.vector_store %arg7[%swap3A_54, %swap3A_55], %add3A_53 {strides = array<i32>} : memref<32x1024xf32, #tpu.memory_space<vmem>>, vector<16xf32>,
      %get3A_57 = arith.index_cast %add3A_38 : i32 to index
      %get3A_58 = arith.constant 32 : index
      %get3A_59 = tpu.vector_load %arg7[%get3A_57, %get3A_58] {strides = array<i32>} : memref<32x1024xf32, #tpu.memory_space<vmem>>, vector<16xf32>,
      %get3A_60 = arith.index_cast %add3A_38 : i32 to index
      %get3A_61 = arith.constant 32 : index
      %get3A_62 = tpu.vector_load %arg8[%get3A_60, %get3A_61] {strides = array<i32>} : memref<32x1024xf32, #tpu.memory_space<vmem>>, vector<16xf32>,
      %add3A_63 = arith.addf %get3A_59, %get3A_62 : vector<16xf32>
      %swap3A_64 = arith.index_cast %add3A_38 : i32 to index
      %swap3A_65 = arith.constant 32 : index
      %swap3A_66 = tpu.vector_load %arg7[%swap3A_64, %swap3A_65] {strides = array<i32>} : memref<32x1024xf32, #tpu.memory_space<vmem>>, vector<16xf32>,
      tpu.vector_store %arg7[%swap3A_64, %swap3A_65], %add3A_63 {strides = array<i32>} : memref<32x1024xf32, #tpu.memory_space<vmem>>, vector<16xf32>,
      %get3A_67 = arith.index_cast %add3A_38 : i32 to index
      %get3A_68 = arith.constant 48 : index
      %get3A_69 = tpu.vector_load %arg7[%get3A_67, %get3A_68] {strides = array<i32>} : memref<32x1024xf32, #tpu.memory_space<vmem>>, vector<16xf32>,
      %get3A_70 = arith.index_cast %add3A_38 : i32 to index
      %get3A_71 = arith.constant 48 : index
      %get3A_72 = tpu.vector_load %arg8[%get3A_70, %get3A_71] {strides = array<i32>} : memref<32x1024xf32, #tpu.memory_space<vmem>>, vector<16xf32>,
      %add3A_73 = arith.addf %get3A_69, %get3A_72 : vector<16xf32>
      %swap3A_74 = arith.index_cast %add3A_38 : i32 to index
      %swap3A_75 = arith.constant 48 : index
      %swap3A_76 = tpu.vector_load %arg7[%swap3A_74, %swap3A_75] {strides = array<i32>} : memref<32x1024xf32, #tpu.memory_space<vmem>>, vector<16xf32>,
      tpu.vector_store %arg7[%swap3A_74, %swap3A_75], %add3A_73 {strides = array<i32>} : memref<32x1024xf32, #tpu.memory_space<vmem>>, vector<16xf32>,
      %get3A_77 = arith.index_cast %add3A_38 : i32 to index
      %get3A_78 = arith.constant 64 : index
      %get3A_79 = tpu.vector_load %arg7[%get3A_77, %get3A_78] {strides = array<i32>} : memref<32x1024xf32, #tpu.memory_space<vmem>>, vector<16xf32>,
      %get3A_80 = arith.index_cast %add3A_38 : i32 to index
      %get3A_81 = arith.constant 64 : index
      %get3A_82 = tpu.vector_load %arg8[%get3A_80, %get3A_81] {strides = array<i32>} : memref<32x1024xf32, #tpu.memory_space<vmem>>, vector<16xf32>,
      %add3A_83 = arith.addf %get3A_79, %get3A_82 : vector<16xf32>
      %swap3A_84 = arith.index_cast %add3A_38 : i32 to index
      %swap3A_85 = arith.constant 64 : index
      %swap3A_86 = tpu.vector_load %arg7[%swap3A_84, %swap3A_85] {strides = array<i32>} : memref<32x1024xf32, #tpu.memory_space<vmem>>, vector<16xf32>,
      tpu.vector_store %arg7[%swap3A_84, %swap3A_85], %add3A_83 {strides = array<i32>} : memref<32x1024xf32, #tpu.memory_space<vmem>>, vector<16xf32>,
      %get3A_87 = arith.index_cast %add3A_38 : i32 to index
      %get3A_88 = arith.constant 80 : index
      %get3A_89 = tpu.vector_load %arg7[%get3A_87, %get3A_88] {strides = array<i32>} : memref<32x1024xf32, #tpu.memory_space<vmem>>, vector<16xf32>,
      %get3A_90 = arith.index_cast %add3A_38 : i32 to index
      %get3A_91 = arith.constant 80 : index
      %get3A_92 = tpu.vector_load %arg8[%get3A_90, %get3A_91] {strides = array<i32>} : memref<32x1024xf32, #tpu.memory_space<vmem>>, vector<16xf32>,
      %add3A_93 = arith.addf %get3A_89, %get3A_92 : vector<16xf32>
      %swap3A_94 = arith.index_cast %add3A_38 : i32 to index
      %swap3A_95 = arith.constant 80 : index
      %swap3A_96 = tpu.vector_load %arg7[%swap3A_94, %swap3A_95] {strides = array<i32>} : memref<32x1024xf32, #tpu.memory_space<vmem>>, vector<16xf32>,
      tpu.vector_store %arg7[%swap3A_94, %swap3A_95], %add3A_93 {strides = array<i32>} : memref<32x1024xf32, #tpu.memory_space<vmem>>, vector<16xf32>,
      %get3A_97 = arith.index_cast %add3A_38 : i32 to index
      %get3A_98 = arith.constant 96 : index
      %get3A_99 = tpu.vector_load %arg7[%get3A_97, %get3A_98] {strides = array<i32>} : memref<32x1024xf32, #tpu.memory_space<vmem>>, vector<16xf32>,
      %get3A_100 = arith.index_cast %add3A_38 : i32 to index
      %get3A_101 = arith.constant 96 : index
      %get3A_102 = tpu.vector_load %arg8[%get3A_100, %get3A_101] {strides = array<i32>} : memref<32x1024xf32, #tpu.memory_space<vmem>>, vector<16xf32>,
      %add3A_103 = arith.addf %get3A_99, %get3A_102 : vector<16xf32>
      %swap3A_104 = arith.index_cast %add3A_38 : i32 to index
      %swap3A_105 = arith.constant 96 : index
      %swap3A_106 = tpu.vector_load %arg7[%swap3A_104, %swap3A_105] {strides = array<i32>} : memref<32x1024xf32, #tpu.memory_space<vmem>>, vector<16xf32>,
      tpu.vector_store %arg7[%swap3A_104, %swap3A_105], %add3A_103 {strides = array<i32>} : memref<32x1024xf32, #tpu.memory_space<vmem>>, vector<16xf32>,
      %get3A_107 = arith.index_cast %add3A_38 : i32 to index
      %get3A_108 = arith.constant 112 : index
      %get3A_109 = tpu.vector_load %arg7[%get3A_107, %get3A_108] {strides = array<i32>} : memref<32x1024xf32, #tpu.memory_space<vmem>>, vector<16xf32>,
      %get3A_110 = arith.index_cast %add3A_38 : i32 to index
      %get3A_111 = arith.constant 112 : index
      %get3A_112 = tpu.vector_load %arg8[%get3A_110, %get3A_111] {strides = array<i32>} : memref<32x1024xf32, #tpu.memory_space<vmem>>, vector<16xf32>,
      %add3A_113 = arith.addf %get3A_109, %get3A_112 : vector<16xf32>
      %swap3A_114 = arith.index_cast %add3A_38 : i32 to index
      %swap3A_115 = arith.constant 112 : index
      %swap3A_116 = tpu.vector_load %arg7[%swap3A_114, %swap3A_115] {strides = array<i32>} : memref<32x1024xf32, #tpu.memory_space<vmem>>, vector<16xf32>,
      tpu.vector_store %arg7[%swap3A_114, %swap3A_115], %add3A_113 {strides = array<i32>} : memref<32x1024xf32, #tpu.memory_space<vmem>>, vector<16xf32>,
      %get3A_117 = arith.index_cast %add3A_38 : i32 to index
      %get3A_118 = arith.constant 128 : index
      %get3A_119 = tpu.vector_load %arg7[%get3A_117, %get3A_118] {strides = array<i32>} : memref<32x1024xf32, #tpu.memory_space<vmem>>, vector<16xf32>,
      %get3A_120 = arith.index_cast %add3A_38 : i32 to index
      %get3A_121 = arith.constant 128 : index
      %get3A_122 = tpu.vector_load %arg8[%get3A_120, %get3A_121] {strides = array<i32>} : memref<32x1024xf32, #tpu.memory_space<vmem>>, vector<16xf32>,
      %add3A_123 = arith.addf %get3A_119, %get3A_122 : vector<16xf32>
      %swap3A_124 = arith.index_cast %add3A_38 : i32 to index
      %swap3A_125 = arith.constant 128 : index
      %swap3A_126 = tpu.vector_load %arg7[%swap3A_124, %swap3A_125] {strides = array<i32>} : memref<32x1024xf32, #tpu.memory_space<vmem>>, vector<16xf32>,
      tpu.vector_store %arg7[%swap3A_124, %swap3A_125], %add3A_123 {strides = array<i32>} : memref<32x1024xf32, #tpu.memory_space<vmem>>, vector<16xf32>,
      %get3A_127 = arith.index_cast %add3A_38 : i32 to index
      %get3A_128 = arith.constant 144 : index
      %get3A_129 = tpu.vector_load %arg7[%get3A_127, %get3A_128] {strides = array<i32>} : memref<32x1024xf32, #tpu.memory_space<vmem>>, vector<16xf32>,
      %get3A_130 = arith.index_cast %add3A_38 : i32 to index
      %get3A_131 = arith.constant 144 : index
      %get3A_132 = tpu.vector_load %arg8[%get3A_130, %get3A_131] {strides = array<i32>} : memref<32x1024xf32, #tpu.memory_space<vmem>>, vector<16xf32>,
      %add3A_133 = arith.addf %get3A_129, %get3A_132 : vector<16xf32>
      %swap3A_134 = arith.index_cast %add3A_38 : i32 to index
      %swap3A_135 = arith.constant 144 : index
      %swap3A_136 = tpu.vector_load %arg7[%swap3A_134, %swap3A_135] {strides = array<i32>} : memref<32x1024xf32, #tpu.memory_space<vmem>>, vector<16xf32>,
      tpu.vector_store %arg7[%swap3A_134, %swap3A_135], %add3A_133 {strides = array<i32>} : memref<32x1024xf32, #tpu.memory_space<vmem>>, vector<16xf32>,
      %get3A_137 = arith.index_cast %add3A_38 : i32 to index
      %get3A_138 = arith.constant 160 : index
      %get3A_139 = tpu.vector_load %arg7[%get3A_137, %get3A_138] {strides = array<i32>} : memref<32x1024xf32, #tpu.memory_space<vmem>>, vector<16xf32>,
      %get3A_140 = arith.index_cast %add3A_38 : i32 to index
      %get3A_141 = arith.constant 160 : index
      %get3A_142 = tpu.vector_load %arg8[%get3A_140, %get3A_141] {strides = array<i32>} : memref<32x1024xf32, #tpu.memory_space<vmem>>, vector<16xf32>,
      %add3A_143 = arith.addf %get3A_139, %get3A_142 : vector<16xf32>
      %swap3A_144 = arith.index_cast %add3A_38 : i32 to index
      %swap3A_145 = arith.constant 160 : index
      %swap3A_146 = tpu.vector_load %arg7[%swap3A_144, %swap3A_145] {strides = array<i32>} : memref<32x1024xf32, #tpu.memory_space<vmem>>, vector<16xf32>,
      tpu.vector_store %arg7[%swap3A_144, %swap3A_145], %add3A_143 {strides = array<i32>} : memref<32x1024xf32, #tpu.memory_space<vmem>>, vector<16xf32>,
      %get3A_147 = arith.index_cast %add3A_38 : i32 to index
      %get3A_148 = arith.constant 176 : index
      %get3A_149 = tpu.vector_load %arg7[%get3A_147, %get3A_148] {strides = array<i32>} : memref<32x1024xf32, #tpu.memory_space<vmem>>, vector<16xf32>,
      %get3A_150 = arith.index_cast %add3A_38 : i32 to index
      %get3A_151 = arith.constant 176 : index
      %get3A_152 = tpu.vector_load %arg8[%get3A_150, %get3A_151] {strides = array<i32>} : memref<32x1024xf32, #tpu.memory_space<vmem>>, vector<16xf32>,
      %add3A_153 = arith.addf %get3A_149, %get3A_152 : vector<16xf32>
      %swap3A_154 = arith.index_cast %add3A_38 : i32 to index
      %swap3A_155 = arith.constant 176 : index
      %swap3A_156 = tpu.vector_load %arg7[%swap3A_154, %swap3A_155] {strides = array<i32>} : memref<32x1024xf32, #tpu.memory_space<vmem>>, vector<16xf32>,
      tpu.vector_store %arg7[%swap3A_154, %swap3A_155], %add3A_153 {strides = array<i32>} : memref<32x1024xf32, #tpu.memory_space<vmem>>, vector<16xf32>,
      %get3A_157 = arith.index_cast %add3A_38 : i32 to index
      %get3A_158 = arith.constant 192 : index
      %get3A_159 = tpu.vector_load %arg7[%get3A_157, %get3A_158] {strides = array<i32>} : memref<32x1024xf32, #tpu.memory_space<vmem>>, vector<16xf32>,
      %get3A_160 = arith.index_cast %add3A_38 : i32 to index
      %get3A_161 = arith.constant 192 : index
      %get3A_162 = tpu.vector_load %arg8[%get3A_160, %get3A_161] {strides = array<i32>} : memref<32x1024xf32, #tpu.memory_space<vmem>>, vector<16xf32>,
      %add3A_163 = arith.addf %get3A_159, %get3A_162 : vector<16xf32>
      %swap3A_164 = arith.index_cast %add3A_38 : i32 to index
      %swap3A_165 = arith.constant 192 : index
      %swap3A_166 = tpu.vector_load %arg7[%swap3A_164, %swap3A_165] {strides = array<i32>} : memref<32x1024xf32, #tpu.memory_space<vmem>>, vector<16xf32>,
      tpu.vector_store %arg7[%swap3A_164, %swap3A_165], %add3A_163 {strides = array<i32>} : memref<32x1024xf32, #tpu.memory_space<vmem>>, vector<16xf32>,
      %get3A_167 = arith.index_cast %add3A_38 : i32 to index
      %get3A_168 = arith.constant 208 : index
      %get3A_169 = tpu.vector_load %arg7[%get3A_167, %get3A_168] {strides = array<i32>} : memref<32x1024xf32, #tpu.memory_space<vmem>>, vector<16xf32>,
      %get3A_170 = arith.index_cast %add3A_38 : i32 to index
      %get3A_171 = arith.constant 208 : index
      %get3A_172 = tpu.vector_load %arg8[%get3A_170, %get3A_171] {strides = array<i32>} : memref<32x1024xf32, #tpu.memory_space<vmem>>, vector<16xf32>,
      %add3A_173 = arith.addf %get3A_169, %get3A_172 : vector<16xf32>
      %swap3A_174 = arith.index_cast %add3A_38 : i32 to index
      %swap3A_175 = arith.constant 208 : index
      %swap3A_176 = tpu.vector_load %arg7[%swap3A_174, %swap3A_175] {strides = array<i32>} : memref<32x1024xf32, #tpu.memory_space<vmem>>, vector<16xf32>,
      tpu.vector_store %arg7[%swap3A_174, %swap3A_175], %add3A_173 {strides = array<i32>} : memref<32x1024xf32, #tpu.memory_space<vmem>>, vector<16xf32>,
      %get3A_177 = arith.index_cast %add3A_38 : i32 to index
      %get3A_178 = arith.constant 224 : index
      %get3A_179 = tpu.vector_load %arg7[%get3A_177, %get3A_178] {strides = array<i32>} : memref<32x1024xf32, #tpu.memory_space<vmem>>, vector<16xf32>,
      %get3A_180 = arith.index_cast %add3A_38 : i32 to index
      %get3A_181 = arith.constant 224 : index
      %get3A_182 = tpu.vector_load %arg8[%get3A_180, %get3A_181] {strides = array<i32>} : memref<32x1024xf32, #tpu.memory_space<vmem>>, vector<16xf32>,
      %add3A_183 = arith.addf %get3A_179, %get3A_182 : vector<16xf32>
      %swap3A_184 = arith.index_cast %add3A_38 : i32 to index
      %swap3A_185 = arith.constant 224 : index
      %swap3A_186 = tpu.vector_load %arg7[%swap3A_184, %swap3A_185] {strides = array<i32>} : memref<32x1024xf32, #tpu.memory_space<vmem>>, vector<16xf32>,
      tpu.vector_store %arg7[%swap3A_184, %swap3A_185], %add3A_183 {strides = array<i32>} : memref<32x1024xf32, #tpu.memory_space<vmem>>, vector<16xf32>,
      %get3A_187 = arith.index_cast %add3A_38 : i32 to index
      %get3A_188 = arith.constant 240 : index
      %get3A_189 = tpu.vector_load %arg7[%get3A_187, %get3A_188] {strides = array<i32>} : memref<32x1024xf32, #tpu.memory_space<vmem>>, vector<16xf32>,
      %get3A_190 = arith.index_cast %add3A_38 : i32 to index
      %get3A_191 = arith.constant 240 : index
      %get3A_192 = tpu.vector_load %arg8[%get3A_190, %get3A_191] {strides = array<i32>} : memref<32x1024xf32, #tpu.memory_space<vmem>>, vector<16xf32>,
      %add3A_193 = arith.addf %get3A_189, %get3A_192 : vector<16xf32>
      %swap3A_194 = arith.index_cast %add3A_38 : i32 to index
      %swap3A_195 = arith.constant 240 : index
      %swap3A_196 = tpu.vector_load %arg7[%swap3A_194, %swap3A_195] {strides = array<i32>} : memref<32x1024xf32, #tpu.memory_space<vmem>>, vector<16xf32>,
      tpu.vector_store %arg7[%swap3A_194, %swap3A_195], %add3A_193 {strides = array<i32>} : memref<32x1024xf32, #tpu.memory_space<vmem>>, vector<16xf32>,
      %get3A_197 = arith.index_cast %add3A_38 : i32 to index
      %get3A_198 = arith.constant 256 : index
      %get3A_199 = tpu.vector_load %arg7[%get3A_197, %get3A_198] {strides = array<i32>} : memref<32x1024xf32, #tpu.memory_space<vmem>>, vector<16xf32>,
      %get3A_200 = arith.index_cast %add3A_38 : i32 to index
      %get3A_201 = arith.constant 256 : index
      %get3A_202 = tpu.vector_load %arg8[%get3A_200, %get3A_201] {strides = array<i32>} : memref<32x1024xf32, #tpu.memory_space<vmem>>, vector<16xf32>,
      %add3A_203 = arith.addf %get3A_199, %get3A_202 : vector<16xf32>
      %swap3A_204 = arith.index_cast %add3A_38 : i32 to index
      %swap3A_205 = arith.constant 256 : index
      %swap3A_206 = tpu.vector_load %arg7[%swap3A_204, %swap3A_205] {strides = array<i32>} : memref<32x1024xf32, #tpu.memory_space<vmem>>, vector<16xf32>,
      tpu.vector_store %arg7[%swap3A_204, %swap3A_205], %add3A_203 {strides = array<i32>} : memref<32x1024xf32, #tpu.memory_space<vmem>>, vector<16xf32>,
      %get3A_207 = arith.index_cast %add3A_38 : i32 to index
      %get3A_208 = arith.constant 272 : index
      %get3A_209 = tpu.vector_load %arg7[%get3A_207, %get3A_208] {strides = array<i32>} : memref<32x1024xf32, #tpu.memory_space<vmem>>, vector<16xf32>,
      %get3A_210 = arith.index_cast %add3A_38 : i32 to index
      %get3A_211 = arith.constant 272 : index
      %get3A_212 = tpu.vector_load %arg8[%get3A_210, %get3A_211] {strides = array<i32>} : memref<32x1024xf32, #tpu.memory_space<vmem>>, vector<16xf32>,
      %add3A_213 = arith.addf %get3A_209, %get3A_212 : vector<16xf32>
      %swap3A_214 = arith.index_cast %add3A_38 : i32 to index
      %swap3A_215 = arith.constant 272 : index
      %swap3A_216 = tpu.vector_load %arg7[%swap3A_214, %swap3A_215] {strides = array<i32>} : memref<32x1024xf32, #tpu.memory_space<vmem>>, vector<16xf32>,
      tpu.vector_store %arg7[%swap3A_214, %swap3A_215], %add3A_213 {strides = array<i32>} : memref<32x1024xf32, #tpu.memory_space<vmem>>, vector<16xf32>,
      %get3A_217 = arith.index_cast %add3A_38 : i32 to index
      %get3A_218 = arith.constant 288 : index
      %get3A_219 = tpu.vector_load %arg7[%get3A_217, %get3A_218] {strides = array<i32>} : memref<32x1024xf32, #tpu.memory_space<vmem>>, vector<16xf32>,
      %get3A_220 = arith.index_cast %add3A_38 : i32 to index
      %get3A_221 = arith.constant 288 : index
      %get3A_222 = tpu.vector_load %arg8[%get3A_220, %get3A_221] {strides = array<i32>} : memref<32x1024xf32, #tpu.memory_space<vmem>>, vector<16xf32>,
      %add3A_223 = arith.addf %get3A_219, %get3A_222 : vector<16xf32>
      %swap3A_224 = arith.index_cast %add3A_38 : i32 to index
      %swap3A_225 = arith.constant 288 : index
      %swap3A_226 = tpu.vector_load %arg7[%swap3A_224, %swap3A_225] {strides = array<i32>} : memref<32x1024xf32, #tpu.memory_space<vmem>>, vector<16xf32>,
      tpu.vector_store %arg7[%swap3A_224, %swap3A_225], %add3A_223 {strides = array<i32>} : memref<32x1024xf32, #tpu.memory_space<vmem>>, vector<16xf32>,
      %get3A_227 = arith.index_cast %add3A_38 : i32 to index
      %get3A_228 = arith.constant 304 : index
      %get3A_229 = tpu.vector_load %arg7[%get3A_227, %get3A_228] {strides = array<i32>} : memref<32x1024xf32, #tpu.memory_space<vmem>>, vector<16xf32>,
      %get3A_230 = arith.index_cast %add3A_38 : i32 to index
      %get3A_231 = arith.constant 304 : index
      %get3A_232 = tpu.vector_load %arg8[%get3A_230, %get3A_231] {strides = array<i32>} : memref<32x1024xf32, #tpu.memory_space<vmem>>, vector<16xf32>,
      %add3A_233 = arith.addf %get3A_229, %get3A_232 : vector<16xf32>
      %swap3A_234 = arith.index_cast %add3A_38 : i32 to index
      %swap3A_235 = arith.constant 304 : index
      %swap3A_236 = tpu.vector_load %arg7[%swap3A_234, %swap3A_235] {strides = array<i32>} : memref<32x1024xf32, #tpu.memory_space<vmem>>, vector<16xf32>,
      tpu.vector_store %arg7[%swap3A_234, %swap3A_235], %add3A_233 {strides = array<i32>} : memref<32x1024xf32, #tpu.memory_space<vmem>>, vector<16xf32>,
      %get3A_237 = arith.index_cast %add3A_38 : i32 to index
      %get3A_238 = arith.constant 320 : index
      %get3A_239 = tpu.vector_load %arg7[%get3A_237, %get3A_238] {strides = array<i32>} : memref<32x1024xf32, #tpu.memory_space<vmem>>, vector<16xf32>,
      %get3A_240 = arith.index_cast %add3A_38 : i32 to index
      %get3A_241 = arith.constant 320 : index
      %get3A_242 = tpu.vector_load %arg8[%get3A_240, %get3A_241] {strides = array<i32>} : memref<32x1024xf32, #tpu.memory_space<vmem>>, vector<16xf32>,
      %add3A_243 = arith.addf %get3A_239, %get3A_242 : vector<16xf32>
      %swap3A_244 = arith.index_cast %add3A_38 : i32 to index
      %swap3A_245 = arith.constant 320 : index
      %swap3A_246 = tpu.vector_load %arg7[%swap3A_244, %swap3A_245] {strides = array<i32>} : memref<32x1024xf32, #tpu.memory_space<vmem>>, vector<16xf32>,
      tpu.vector_store %arg7[%swap3A_244, %swap3A_245], %add3A_243 {strides = array<i32>} : memref<32x1024xf32, #tpu.memory_space<vmem>>, vector<16xf32>,
      %get3A_247 = arith.index_cast %add3A_38 : i32 to index
      %get3A_248 = arith.constant 336 : index
      %get3A_249 = tpu.vector_load %arg7[%get3A_247, %get3A_248] {strides = array<i32>} : memref<32x1024xf32, #tpu.memory_space<vmem>>, vector<16xf32>,
      %get3A_250 = arith.index_cast %add3A_38 : i32 to index
      %get3A_251 = arith.constant 336 : index
      %get3A_252 = tpu.vector_load %arg8[%get3A_250, %get3A_251] {strides = array<i32>} : memref<32x1024xf32, #tpu.memory_space<vmem>>, vector<16xf32>,
      %add3A_253 = arith.addf %get3A_249, %get3A_252 : vector<16xf32>
      %swap3A_254 = arith.index_cast %add3A_38 : i32 to index
      %swap3A_255 = arith.constant 336 : index
      %swap3A_256 = tpu.vector_load %arg7[%swap3A_254, %swap3A_255] {strides = array<i32>} : memref<32x1024xf32, #tpu.memory_space<vmem>>, vector<16xf32>,
      tpu.vector_store %arg7[%swap3A_254, %swap3A_255], %add3A_253 {strides = array<i32>} : memref<32x1024xf32, #tpu.memory_space<vmem>>, vector<16xf32>,
      %get3A_257 = arith.index_cast %add3A_38 : i32 to index
      %get3A_258 = arith.constant 352 : index
      %get3A_259 = tpu.vector_load %arg7[%get3A_257, %get3A_258] {strides = array<i32>} : memref<32x1024xf32, #tpu.memory_space<vmem>>, vector<16xf32>,
      %get3A_260 = arith.index_cast %add3A_38 : i32 to index
      %get3A_261 = arith.constant 352 : index
      %get3A_262 = tpu.vector_load %arg8[%get3A_260, %get3A_261] {strides = array<i32>} : memref<32x1024xf32, #tpu.memory_space<vmem>>, vector<16xf32>,
      %add3A_263 = arith.addf %get3A_259, %get3A_262 : vector<16xf32>
      %swap3A_264 = arith.index_cast %add3A_38 : i32 to index
      %swap3A_265 = arith.constant 352 : index
      %swap3A_266 = tpu.vector_load %arg7[%swap3A_264, %swap3A_265] {strides = array<i32>} : memref<32x1024xf32, #tpu.memory_space<vmem>>, vector<16xf32>,
      tpu.vector_store %arg7[%swap3A_264, %swap3A_265], %add3A_263 {strides = array<i32>} : memref<32x1024xf32, #tpu.memory_space<vmem>>, vector<16xf32>,
      %get3A_267 = arith.index_cast %add3A_38 : i32 to index
      %get3A_268 = arith.constant 368 : index
      %get3A_269 = tpu.vector_load %arg7[%get3A_267, %get3A_268] {strides = array<i32>} : memref<32x1024xf32, #tpu.memory_space<vmem>>, vector<16xf32>,
      %get3A_270 = arith.index_cast %add3A_38 : i32 to index
      %get3A_271 = arith.constant 368 : index
      %get3A_272 = tpu.vector_load %arg8[%get3A_270, %get3A_271] {strides = array<i32>} : memref<32x1024xf32, #tpu.memory_space<vmem>>, vector<16xf32>,
      %add3A_273 = arith.addf %get3A_269, %get3A_272 : vector<16xf32>
      %swap3A_274 = arith.index_cast %add3A_38 : i32 to index
      %swap3A_275 = arith.constant 368 : index
      %swap3A_276 = tpu.vector_load %arg7[%swap3A_274, %swap3A_275] {strides = array<i32>} : memref<32x1024xf32, #tpu.memory_space<vmem>>, vector<16xf32>,
      tpu.vector_store %arg7[%swap3A_274, %swap3A_275], %add3A_273 {strides = array<i32>} : memref<32x1024xf32, #tpu.memory_space<vmem>>, vector<16xf32>,
      %get3A_277 = arith.index_cast %add3A_38 : i32 to index
      %get3A_278 = arith.constant 384 : index
      %get3A_279 = tpu.vector_load %arg7[%get3A_277, %get3A_278] {strides = array<i32>} : memref<32x1024xf32, #tpu.memory_space<vmem>>, vector<16xf32>,
      %get3A_280 = arith.index_cast %add3A_38 : i32 to index
      %get3A_281 = arith.constant 384 : index
      %get3A_282 = tpu.vector_load %arg8[%get3A_280, %get3A_281] {strides = array<i32>} : memref<32x1024xf32, #tpu.memory_space<vmem>>, vector<16xf32>,
      %add3A_283 = arith.addf %get3A_279, %get3A_282 : vector<16xf32>
      %swap3A_284 = arith.index_cast %add3A_38 : i32 to index
      %swap3A_285 = arith.constant 384 : index
      %swap3A_286 = tpu.vector_load %arg7[%swap3A_284, %swap3A_285] {strides = array<i32>} : memref<32x1024xf32, #tpu.memory_space<vmem>>, vector<16xf32>,
      tpu.vector_store %arg7[%swap3A_284, %swap3A_285], %add3A_283 {strides = array<i32>} : memref<32x1024xf32, #tpu.memory_space<vmem>>, vector<16xf32>,
      %get3A_287 = arith.index_cast %add3A_38 : i32 to index
      %get3A_288 = arith.constant 400 : index
      %get3A_289 = tpu.vector_load %arg7[%get3A_287, %get3A_288] {strides = array<i32>} : memref<32x1024xf32, #tpu.memory_space<vmem>>, vector<16xf32>,
      %get3A_290 = arith.index_cast %add3A_38 : i32 to index
      %get3A_291 = arith.constant 400 : index
      %get3A_292 = tpu.vector_load %arg8[%get3A_290, %get3A_291] {strides = array<i32>} : memref<32x1024xf32, #tpu.memory_space<vmem>>, vector<16xf32>,
      %add3A_293 = arith.addf %get3A_289, %get3A_292 : vector<16xf32>
      %swap3A_294 = arith.index_cast %add3A_38 : i32 to index
      %swap3A_295 = arith.constant 400 : index
      %swap3A_296 = tpu.vector_load %arg7[%swap3A_294, %swap3A_295] {strides = array<i32>} : memref<32x1024xf32, #tpu.memory_space<vmem>>, vector<16xf32>,
      tpu.vector_store %arg7[%swap3A_294, %swap3A_295], %add3A_293 {strides = array<i32>} : memref<32x1024xf32, #tpu.memory_space<vmem>>, vector<16xf32>,
      %get3A_297 = arith.index_cast %add3A_38 : i32 to index
      %get3A_298 = arith.constant 416 : index
      %get3A_299 = tpu.vector_load %arg7[%get3A_297, %get3A_298] {strides = array<i32>} : memref<32x1024xf32, #tpu.memory_space<vmem>>, vector<16xf32>,
      %get3A_300 = arith.index_cast %add3A_38 : i32 to index
      %get3A_301 = arith.constant 416 : index
      %get3A_302 = tpu.vector_load %arg8[%get3A_300, %get3A_301] {strides = array<i32>} : memref<32x1024xf32, #tpu.memory_space<vmem>>, vector<16xf32>,
      %add3A_303 = arith.addf %get3A_299, %get3A_302 : vector<16xf32>
      %swap3A_304 = arith.index_cast %add3A_38 : i32 to index
      %swap3A_305 = arith.constant 416 : index
      %swap3A_306 = tpu.vector_load %arg7[%swap3A_304, %swap3A_305] {strides = array<i32>} : memref<32x1024xf32, #tpu.memory_space<vmem>>, vector<16xf32>,
      tpu.vector_store %arg7[%swap3A_304, %swap3A_305], %add3A_303 {strides = array<i32>} : memref<32x1024xf32, #tpu.memory_space<vmem>>, vector<16xf32>,
      %get3A_307 = arith.index_cast %add3A_38 : i32 to index
      %get3A_308 = arith.constant 432 : index
      %get3A_309 = tpu.vector_load %arg7[%get3A_307, %get3A_308] {strides = array<i32>} : memref<32x1024xf32, #tpu.memory_space<vmem>>, vector<16xf32>,
      %get3A_310 = arith.index_cast %add3A_38 : i32 to index
      %get3A_311 = arith.constant 432 : index
      %get3A_312 = tpu.vector_load %arg8[%get3A_310, %get3A_311] {strides = array<i32>} : memref<32x1024xf32, #tpu.memory_space<vmem>>, vector<16xf32>,
      %add3A_313 = arith.addf %get3A_309, %get3A_312 : vector<16xf32>
      %swap3A_314 = arith.index_cast %add3A_38 : i32 to index
      %swap3A_315 = arith.constant 432 : index
      %swap3A_316 = tpu.vector_load %arg7[%swap3A_314, %swap3A_315] {strides = array<i32>} : memref<32x1024xf32, #tpu.memory_space<vmem>>, vector<16xf32>,
      tpu.vector_store %arg7[%swap3A_314, %swap3A_315], %add3A_313 {strides = array<i32>} : memref<32x1024xf32, #tpu.memory_space<vmem>>, vector<16xf32>,
      %get3A_317 = arith.index_cast %add3A_38 : i32 to index
      %get3A_318 = arith.constant 448 : index
      %get3A_319 = tpu.vector_load %arg7[%get3A_317, %get3A_318] {strides = array<i32>} : memref<32x1024xf32, #tpu.memory_space<vmem>>, vector<16xf32>,
      %get3A_320 = arith.index_cast %add3A_38 : i32 to index
      %get3A_321 = arith.constant 448 : index
      %get3A_322 = tpu.vector_load %arg8[%get3A_320, %get3A_321] {strides = array<i32>} : memref<32x1024xf32, #tpu.memory_space<vmem>>, vector<16xf32>,
      %add3A_323 = arith.addf %get3A_319, %get3A_322 : vector<16xf32>
      %swap3A_324 = arith.index_cast %add3A_38 : i32 to index
      %swap3A_325 = arith.constant 448 : index
      %swap3A_326 = tpu.vector_load %arg7[%swap3A_324, %swap3A_325] {strides = array<i32>} : memref<32x1024xf32, #tpu.memory_space<vmem>>, vector<16xf32>,
      tpu.vector_store %arg7[%swap3A_324, %swap3A_325], %add3A_323 {strides = array<i32>} : memref<32x1024xf32, #tpu.memory_space<vmem>>, vector<16xf32>,
      %get3A_327 = arith.index_cast %add3A_38 : i32 to index
      %get3A_328 = arith.constant 464 : index
      %get3A_329 = tpu.vector_load %arg7[%get3A_327, %get3A_328] {strides = array<i32>} : memref<32x1024xf32, #tpu.memory_space<vmem>>, vector<16xf32>,
      %get3A_330 = arith.index_cast %add3A_38 : i32 to index
      %get3A_331 = arith.constant 464 : index
      %get3A_332 = tpu.vector_load %arg8[%get3A_330, %get3A_331] {strides = array<i32>} : memref<32x1024xf32, #tpu.memory_space<vmem>>, vector<16xf32>,
      %add3A_333 = arith.addf %get3A_329, %get3A_332 : vector<16xf32>
      %swap3A_334 = arith.index_cast %add3A_38 : i32 to index
      %swap3A_335 = arith.constant 464 : index
      %swap3A_336 = tpu.vector_load %arg7[%swap3A_334, %swap3A_335] {strides = array<i32>} : memref<32x1024xf32, #tpu.memory_space<vmem>>, vector<16xf32>,
      tpu.vector_store %arg7[%swap3A_334, %swap3A_335], %add3A_333 {strides = array<i32>} : memref<32x1024xf32, #tpu.memory_space<vmem>>, vector<16xf32>,
      %get3A_337 = arith.index_cast %add3A_38 : i32 to index
      %get3A_338 = arith.constant 480 : index
      %get3A_339 = tpu.vector_load %arg7[%get3A_337, %get3A_338] {strides = array<i32>} : memref<32x1024xf32, #tpu.memory_space<vmem>>, vector<16xf32>,
      %get3A_340 = arith.index_cast %add3A_38 : i32 to index
      %get3A_341 = arith.constant 480 : index
      %get3A_342 = tpu.vector_load %arg8[%get3A_340, %get3A_341] {strides = array<i32>} : memref<32x1024xf32, #tpu.memory_space<vmem>>, vector<16xf32>,
      %add3A_343 = arith.addf %get3A_339, %get3A_342 : vector<16xf32>
      %swap3A_344 = arith.index_cast %add3A_38 : i32 to index
      %swap3A_345 = arith.constant 480 : index
      %swap3A_346 = tpu.vector_load %arg7[%swap3A_344, %swap3A_345] {strides = array<i32>} : memref<32x1024xf32, #tpu.memory_space<vmem>>, vector<16xf32>,
      tpu.vector_store %arg7[%swap3A_344, %swap3A_345], %add3A_343 {strides = array<i32>} : memref<32x1024xf32, #tpu.memory_space<vmem>>, vector<16xf32>,
      %get3A_347 = arith.index_cast %add3A_38 : i32 to index
      %get3A_348 = arith.constant 496 : index
      %get3A_349 = tpu.vector_load %arg7[%get3A_347, %get3A_348] {strides = array<i32>} : memref<32x1024xf32, #tpu.memory_space<vmem>>, vector<16xf32>,
      %get3A_350 = arith.index_cast %add3A_38 : i32 to index
      %get3A_351 = arith.constant 496 : index
      %get3A_352 = tpu.vector_load %arg8[%get3A_350, %get3A_351] {strides = array<i32>} : memref<32x1024xf32, #tpu.memory_space<vmem>>, vector<16xf32>,
      %add3A_353 = arith.addf %get3A_349, %get3A_352 : vector<16xf32>
      %swap3A_354 = arith.index_cast %add3A_38 : i32 to index
      %swap3A_355 = arith.constant 496 : index
      %swap3A_356 = tpu.vector_load %arg7[%swap3A_354, %swap3A_355] {strides = array<i32>} : memref<32x1024xf32, #tpu.memory_space<vmem>>, vector<16xf32>,
      tpu.vector_store %arg7[%swap3A_354, %swap3A_355], %add3A_353 {strides = array<i32>} : memref<32x1024xf32, #tpu.memory_space<vmem>>, vector<16xf32>,
      %get3A_357 = arith.index_cast %add3A_38 : i32 to index
      %get3A_358 = arith.constant 512 : index
      %get3A_359 = tpu.vector_load %arg7[%get3A_357, %get3A_358] {strides = array<i32>} : memref<32x1024xf32, #tpu.memory_space<vmem>>, vector<16xf32>,
      %get3A_360 = arith.index_cast %add3A_38 : i32 to index
      %get3A_361 = arith.constant 512 : index
      %get3A_362 = tpu.vector_load %arg8[%get3A_360, %get3A_361] {strides = array<i32>} : memref<32x1024xf32, #tpu.memory_space<vmem>>, vector<16xf32>,
      %add3A_363 = arith.addf %get3A_359, %get3A_362 : vector<16xf32>
      %swap3A_364 = arith.index_cast %add3A_38 : i32 to index
      %swap3A_365 = arith.constant 512 : index
      %swap3A_366 = tpu.vector_load %arg7[%swap3A_364, %swap3A_365] {strides = array<i32>} : memref<32x1024xf32, #tpu.memory_space<vmem>>, vector<16xf32>,
      tpu.vector_store %arg7[%swap3A_364, %swap3A_365], %add3A_363 {strides = array<i32>} : memref<32x1024xf32, #tpu.memory_space<vmem>>, vector<16xf32>,
      %get3A_367 = arith.index_cast %add3A_38 : i32 to index
      %get3A_368 = arith.constant 528 : index
      %get3A_369 = tpu.vector_load %arg7[%get3A_367, %get3A_368] {strides = array<i32>} : memref<32x1024xf32, #tpu.memory_space<vmem>>, vector<16xf32>,
      %get3A_370 = arith.index_cast %add3A_38 : i32 to index
      %get3A_371 = arith.constant 528 : index
      %get3A_372 = tpu.vector_load %arg8[%get3A_370, %get3A_371] {strides = array<i32>} : memref<32x1024xf32, #tpu.memory_space<vmem>>, vector<16xf32>,
      %add3A_373 = arith.addf %get3A_369, %get3A_372 : vector<16xf32>
      %swap3A_374 = arith.index_cast %add3A_38 : i32 to index
      %swap3A_375 = arith.constant 528 : index
      %swap3A_376 = tpu.vector_load %arg7[%swap3A_374, %swap3A_375] {strides = array<i32>} : memref<32x1024xf32, #tpu.memory_space<vmem>>, vector<16xf32>,
      tpu.vector_store %arg7[%swap3A_374, %swap3A_375], %add3A_373 {strides = array<i32>} : memref<32x1024xf32, #tpu.memory_space<vmem>>, vector<16xf32>,
      %get3A_377 = arith.index_cast %add3A_38 : i32 to index
      %get3A_378 = arith.constant 544 : index
      %get3A_379 = tpu.vector_load %arg7[%get3A_377, %get3A_378] {strides = array<i32>} : memref<32x1024xf32, #tpu.memory_space<vmem>>, vector<16xf32>,
      %get3A_380 = arith.index_cast %add3A_38 : i32 to index
      %get3A_381 = arith.constant 544 : index
      %get3A_382 = tpu.vector_load %arg8[%get3A_380, %get3A_381] {strides = array<i32>} : memref<32x1024xf32, #tpu.memory_space<vmem>>, vector<16xf32>,
      %add3A_383 = arith.addf %get3A_379, %get3A_382 : vector<16xf32>
      %swap3A_384 = arith.index_cast %add3A_38 : i32 to index
      %swap3A_385 = arith.constant 544 : index
      %swap3A_386 = tpu.vector_load %arg7[%swap3A_384, %swap3A_385] {strides = array<i32>} : memref<32x1024xf32, #tpu.memory_space<vmem>>, vector<16xf32>,
      tpu.vector_store %arg7[%swap3A_384, %swap3A_385], %add3A_383 {strides = array<i32>} : memref<32x1024xf32, #tpu.memory_space<vmem>>, vector<16xf32>,
      %get3A_387 = arith.index_cast %add3A_38 : i32 to index
      %get3A_388 = arith.constant 560 : index
      %get3A_389 = tpu.vector_load %arg7[%get3A_387, %get3A_388] {strides = array<i32>} : memref<32x1024xf32, #tpu.memory_space<vmem>>, vector<16xf32>,
      %get3A_390 = arith.index_cast %add3A_38 : i32 to index
      %get3A_391 = arith.constant 560 : index
      %get3A_392 = tpu.vector_load %arg8[%get3A_390, %get3A_391] {strides = array<i32>} : memref<32x1024xf32, #tpu.memory_space<vmem>>, vector<16xf32>,
      %add3A_393 = arith.addf %get3A_389, %get3A_392 : vector<16xf32>
      %swap3A_394 = arith.index_cast %add3A_38 : i32 to index
      %swap3A_395 = arith.constant 560 : index
      %swap3A_396 = tpu.vector_load %arg7[%swap3A_394, %swap3A_395] {strides = array<i32>} : memref<32x1024xf32, #tpu.memory_space<vmem>>, vector<16xf32>,
      tpu.vector_store %arg7[%swap3A_394, %swap3A_395], %add3A_393 {strides = array<i32>} : memref<32x1024xf32, #tpu.memory_space<vmem>>, vector<16xf32>,
      %get3A_397 = arith.index_cast %add3A_38 : i32 to index
      %get3A_398 = arith.constant 576 : index
      %get3A_399 = tpu.vector_load %arg7[%get3A_397, %get3A_398] {strides = array<i32>} : memref<32x1024xf32, #tpu.memory_space<vmem>>, vector<16xf32>,
      %get3A_400 = arith.index_cast %add3A_38 : i32 to index
      %get3A_401 = arith.constant 576 : index
      %get3A_402 = tpu.vector_load %arg8[%get3A_400, %get3A_401] {strides = array<i32>} : memref<32x1024xf32, #tpu.memory_space<vmem>>, vector<16xf32>,
      %add3A_403 = arith.addf %get3A_399, %get3A_402 : vector<16xf32>
      %swap3A_404 = arith.index_cast %add3A_38 : i32 to index
      %swap3A_405 = arith.constant 576 : index
      %swap3A_406 = tpu.vector_load %arg7[%swap3A_404, %swap3A_405] {strides = array<i32>} : memref<32x1024xf32, #tpu.memory_space<vmem>>, vector<16xf32>,
      tpu.vector_store %arg7[%swap3A_404, %swap3A_405], %add3A_403 {strides = array<i32>} : memref<32x1024xf32, #tpu.memory_space<vmem>>, vector<16xf32>,
      %get3A_407 = arith.index_cast %add3A_38 : i32 to index
      %get3A_408 = arith.constant 592 : index
      %get3A_409 = tpu.vector_load %arg7[%get3A_407, %get3A_408] {strides = array<i32>} : memref<32x1024xf32, #tpu.memory_space<vmem>>, vector<16xf32>,
      %get3A_410 = arith.index_cast %add3A_38 : i32 to index
      %get3A_411 = arith.constant 592 : index
      %get3A_412 = tpu.vector_load %arg8[%get3A_410, %get3A_411] {strides = array<i32>} : memref<32x1024xf32, #tpu.memory_space<vmem>>, vector<16xf32>,
      %add3A_413 = arith.addf %get3A_409, %get3A_412 : vector<16xf32>
      %swap3A_414 = arith.index_cast %add3A_38 : i32 to index
      %swap3A_415 = arith.constant 592 : index
      %swap3A_416 = tpu.vector_load %arg7[%swap3A_414, %swap3A_415] {strides = array<i32>} : memref<32x1024xf32, #tpu.memory_space<vmem>>, vector<16xf32>,
      tpu.vector_store %arg7[%swap3A_414, %swap3A_415], %add3A_413 {strides = array<i32>} : memref<32x1024xf32, #tpu.memory_space<vmem>>, vector<16xf32>,
      %get3A_417 = arith.index_cast %add3A_38 : i32 to index
      %get3A_418 = arith.constant 608 : index
      %get3A_419 = tpu.vector_load %arg7[%get3A_417, %get3A_418] {strides = array<i32>} : memref<32x1024xf32, #tpu.memory_space<vmem>>, vector<16xf32>,
      %get3A_420 = arith.index_cast %add3A_38 : i32 to index
      %get3A_421 = arith.constant 608 : index
      %get3A_422 = tpu.vector_load %arg8[%get3A_420, %get3A_421] {strides = array<i32>} : memref<32x1024xf32, #tpu.memory_space<vmem>>, vector<16xf32>,
      %add3A_423 = arith.addf %get3A_419, %get3A_422 : vector<16xf32>
      %swap3A_424 = arith.index_cast %add3A_38 : i32 to index
      %swap3A_425 = arith.constant 608 : index
      %swap3A_426 = tpu.vector_load %arg7[%swap3A_424, %swap3A_425] {strides = array<i32>} : memref<32x1024xf32, #tpu.memory_space<vmem>>, vector<16xf32>,
      tpu.vector_store %arg7[%swap3A_424, %swap3A_425], %add3A_423 {strides = array<i32>} : memref<32x1024xf32, #tpu.memory_space<vmem>>, vector<16xf32>,
      %get3A_427 = arith.index_cast %add3A_38 : i32 to index
      %get3A_428 = arith.constant 624 : index
      %get3A_429 = tpu.vector_load %arg7[%get3A_427, %get3A_428] {strides = array<i32>} : memref<32x1024xf32, #tpu.memory_space<vmem>>, vector<16xf32>,
      %get3A_430 = arith.index_cast %add3A_38 : i32 to index
      %get3A_431 = arith.constant 624 : index
      %get3A_432 = tpu.vector_load %arg8[%get3A_430, %get3A_431] {strides = array<i32>} : memref<32x1024xf32, #tpu.memory_space<vmem>>, vector<16xf32>,
      %add3A_433 = arith.addf %get3A_429, %get3A_432 : vector<16xf32>
      %swap3A_434 = arith.index_cast %add3A_38 : i32 to index
      %swap3A_435 = arith.constant 624 : index
      %swap3A_436 = tpu.vector_load %arg7[%swap3A_434, %swap3A_435] {strides = array<i32>} : memref<32x1024xf32, #tpu.memory_space<vmem>>, vector<16xf32>,
      tpu.vector_store %arg7[%swap3A_434, %swap3A_435], %add3A_433 {strides = array<i32>} : memref<32x1024xf32, #tpu.memory_space<vmem>>, vector<16xf32>,
      %get3A_437 = arith.index_cast %add3A_38 : i32 to index
      %get3A_438 = arith.constant 640 : index
      %get3A_439 = tpu.vector_load %arg7[%get3A_437, %get3A_438] {strides = array<i32>} : memref<32x1024xf32, #tpu.memory_space<vmem>>, vector<16xf32>,
      %get3A_440 = arith.index_cast %add3A_38 : i32 to index
      %get3A_441 = arith.constant 640 : index
      %get3A_442 = tpu.vector_load %arg8[%get3A_440, %get3A_441] {strides = array<i32>} : memref<32x1024xf32, #tpu.memory_space<vmem>>, vector<16xf32>,
      %add3A_443 = arith.addf %get3A_439, %get3A_442 : vector<16xf32>
      %swap3A_444 = arith.index_cast %add3A_38 : i32 to index
      %swap3A_445 = arith.constant 640 : index
      %swap3A_446 = tpu.vector_load %arg7[%swap3A_444, %swap3A_445] {strides = array<i32>} : memref<32x1024xf32, #tpu.memory_space<vmem>>, vector<16xf32>,
      tpu.vector_store %arg7[%swap3A_444, %swap3A_445], %add3A_443 {strides = array<i32>} : memref<32x1024xf32, #tpu.memory_space<vmem>>, vector<16xf32>,
      %get3A_447 = arith.index_cast %add3A_38 : i32 to index
      %get3A_448 = arith.constant 656 : index
      %get3A_449 = tpu.vector_load %arg7[%get3A_447, %get3A_448] {strides = array<i32>} : memref<32x1024xf32, #tpu.memory_space<vmem>>, vector<16xf32>,
      %get3A_450 = arith.index_cast %add3A_38 : i32 to index
      %get3A_451 = arith.constant 656 : index
      %get3A_452 = tpu.vector_load %arg8[%get3A_450, %get3A_451] {strides = array<i32>} : memref<32x1024xf32, #tpu.memory_space<vmem>>, vector<16xf32>,
      %add3A_453 = arith.addf %get3A_449, %get3A_452 : vector<16xf32>
      %swap3A_454 = arith.index_cast %add3A_38 : i32 to index
      %swap3A_455 = arith.constant 656 : index
      %swap3A_456 = tpu.vector_load %arg7[%swap3A_454, %swap3A_455] {strides = array<i32>} : memref<32x1024xf32, #tpu.memory_space<vmem>>, vector<16xf32>,
      tpu.vector_store %arg7[%swap3A_454, %swap3A_455], %add3A_453 {strides = array<i32>} : memref<32x1024xf32, #tpu.memory_space<vmem>>, vector<16xf32>,
      %get3A_457 = arith.index_cast %add3A_38 : i32 to index
      %get3A_458 = arith.constant 672 : index
      %get3A_459 = tpu.vector_load %arg7[%get3A_457, %get3A_458] {strides = array<i32>} : memref<32x1024xf32, #tpu.memory_space<vmem>>, vector<16xf32>,
      %get3A_460 = arith.index_cast %add3A_38 : i32 to index
      %get3A_461 = arith.constant 672 : index
      %get3A_462 = tpu.vector_load %arg8[%get3A_460, %get3A_461] {strides = array<i32>} : memref<32x1024xf32, #tpu.memory_space<vmem>>, vector<16xf32>,
      %add3A_463 = arith.addf %get3A_459, %get3A_462 : vector<16xf32>
      %swap3A_464 = arith.index_cast %add3A_38 : i32 to index
      %swap3A_465 = arith.constant 672 : index
      %swap3A_466 = tpu.vector_load %arg7[%swap3A_464, %swap3A_465] {strides = array<i32>} : memref<32x1024xf32, #tpu.memory_space<vmem>>, vector<16xf32>,
      tpu.vector_store %arg7[%swap3A_464, %swap3A_465], %add3A_463 {strides = array<i32>} : memref<32x1024xf32, #tpu.memory_space<vmem>>, vector<16xf32>,
      %get3A_467 = arith.index_cast %add3A_38 : i32 to index
      %get3A_468 = arith.constant 688 : index
      %get3A_469 = tpu.vector_load %arg7[%get3A_467, %get3A_468] {strides = array<i32>} : memref<32x1024xf32, #tpu.memory_space<vmem>>, vector<16xf32>,
      %get3A_470 = arith.index_cast %add3A_38 : i32 to index
      %get3A_471 = arith.constant 688 : index
      %get3A_472 = tpu.vector_load %arg8[%get3A_470, %get3A_471] {strides = array<i32>} : memref<32x1024xf32, #tpu.memory_space<vmem>>, vector<16xf32>,
      %add3A_473 = arith.addf %get3A_469, %get3A_472 : vector<16xf32>
      %swap3A_474 = arith.index_cast %add3A_38 : i32 to index
      %swap3A_475 = arith.constant 688 : index
      %swap3A_476 = tpu.vector_load %arg7[%swap3A_474, %swap3A_475] {strides = array<i32>} : memref<32x1024xf32, #tpu.memory_space<vmem>>, vector<16xf32>,
      tpu.vector_store %arg7[%swap3A_474, %swap3A_475], %add3A_473 {strides = array<i32>} : memref<32x1024xf32, #tpu.memory_space<vmem>>, vector<16xf32>,
      %get3A_477 = arith.index_cast %add3A_38 : i32 to index
      %get3A_478 = arith.constant 704 : index
      %get3A_479 = tpu.vector_load %arg7[%get3A_477, %get3A_478] {strides = array<i32>} : memref<32x1024xf32, #tpu.memory_space<vmem>>, vector<16xf32>,
      %get3A_480 = arith.index_cast %add3A_38 : i32 to index
      %get3A_481 = arith.constant 704 : index
      %get3A_482 = tpu.vector_load %arg8[%get3A_480, %get3A_481] {strides = array<i32>} : memref<32x1024xf32, #tpu.memory_space<vmem>>, vector<16xf32>,
      %add3A_483 = arith.addf %get3A_479, %get3A_482 : vector<16xf32>
      %swap3A_484 = arith.index_cast %add3A_38 : i32 to index
      %swap3A_485 = arith.constant 704 : index
      %swap3A_486 = tpu.vector_load %arg7[%swap3A_484, %swap3A_485] {strides = array<i32>} : memref<32x1024xf32, #tpu.memory_space<vmem>>, vector<16xf32>,
      tpu.vector_store %arg7[%swap3A_484, %swap3A_485], %add3A_483 {strides = array<i32>} : memref<32x1024xf32, #tpu.memory_space<vmem>>, vector<16xf32>,
      %get3A_487 = arith.index_cast %add3A_38 : i32 to index
      %get3A_488 = arith.constant 720 : index
      %get3A_489 = tpu.vector_load %arg7[%get3A_487, %get3A_488] {strides = array<i32>} : memref<32x1024xf32, #tpu.memory_space<vmem>>, vector<16xf32>,
      %get3A_490 = arith.index_cast %add3A_38 : i32 to index
      %get3A_491 = arith.constant 720 : index
      %get3A_492 = tpu.vector_load %arg8[%get3A_490, %get3A_491] {strides = array<i32>} : memref<32x1024xf32, #tpu.memory_space<vmem>>, vector<16xf32>,
      %add3A_493 = arith.addf %get3A_489, %get3A_492 : vector<16xf32>
      %swap3A_494 = arith.index_cast %add3A_38 : i32 to index
      %swap3A_495 = arith.constant 720 : index
      %swap3A_496 = tpu.vector_load %arg7[%swap3A_494, %swap3A_495] {strides = array<i32>} : memref<32x1024xf32, #tpu.memory_space<vmem>>, vector<16xf32>,
      tpu.vector_store %arg7[%swap3A_494, %swap3A_495], %add3A_493 {strides = array<i32>} : memref<32x1024xf32, #tpu.memory_space<vmem>>, vector<16xf32>,
      %get3A_497 = arith.index_cast %add3A_38 : i32 to index
      %get3A_498 = arith.constant 736 : index
      %get3A_499 = tpu.vector_load %arg7[%get3A_497, %get3A_498] {strides = array<i32>} : memref<32x1024xf32, #tpu.memory_space<vmem>>, vector<16xf32>,
      %get3A_500 = arith.index_cast %add3A_38 : i32 to index
      %get3A_501 = arith.constant 736 : index
      %get3A_502 = tpu.vector_load %arg8[%get3A_500, %get3A_501] {strides = array<i32>} : memref<32x1024xf32, #tpu.memory_space<vmem>>, vector<16xf32>,
      %add3A_503 = arith.addf %get3A_499, %get3A_502 : vector<16xf32>
      %swap3A_504 = arith.index_cast %add3A_38 : i32 to index
      %swap3A_505 = arith.constant 736 : index
      %swap3A_506 = tpu.vector_load %arg7[%swap3A_504, %swap3A_505] {strides = array<i32>} : memref<32x1024xf32, #tpu.memory_space<vmem>>, vector<16xf32>,
      tpu.vector_store %arg7[%swap3A_504, %swap3A_505], %add3A_503 {strides = array<i32>} : memref<32x1024xf32, #tpu.memory_space<vmem>>, vector<16xf32>,
      %get3A_507 = arith.index_cast %add3A_38 : i32 to index
      %get3A_508 = arith.constant 752 : index
      %get3A_509 = tpu.vector_load %arg7[%get3A_507, %get3A_508] {strides = array<i32>} : memref<32x1024xf32, #tpu.memory_space<vmem>>, vector<16xf32>,
      %get3A_510 = arith.index_cast %add3A_38 : i32 to index
      %get3A_511 = arith.constant 752 : index
      %get3A_512 = tpu.vector_load %arg8[%get3A_510, %get3A_511] {strides = array<i32>} : memref<32x1024xf32, #tpu.memory_space<vmem>>, vector<16xf32>,
      %add3A_513 = arith.addf %get3A_509, %get3A_512 : vector<16xf32>
      %swap3A_514 = arith.index_cast %add3A_38 : i32 to index
      %swap3A_515 = arith.constant 752 : index
      %swap3A_516 = tpu.vector_load %arg7[%swap3A_514, %swap3A_515] {strides = array<i32>} : memref<32x1024xf32, #tpu.memory_space<vmem>>, vector<16xf32>,
      tpu.vector_store %arg7[%swap3A_514, %swap3A_515], %add3A_513 {strides = array<i32>} : memref<32x1024xf32, #tpu.memory_space<vmem>>, vector<16xf32>,
      %get3A_517 = arith.index_cast %add3A_38 : i32 to index
      %get3A_518 = arith.constant 768 : index
      %get3A_519 = tpu.vector_load %arg7[%get3A_517, %get3A_518] {strides = array<i32>} : memref<32x1024xf32, #tpu.memory_space<vmem>>, vector<16xf32>,
      %get3A_520 = arith.index_cast %add3A_38 : i32 to index
      %get3A_521 = arith.constant 768 : index
      %get3A_522 = tpu.vector_load %arg8[%get3A_520, %get3A_521] {strides = array<i32>} : memref<32x1024xf32, #tpu.memory_space<vmem>>, vector<16xf32>,
      %add3A_523 = arith.addf %get3A_519, %get3A_522 : vector<16xf32>
      %swap3A_524 = arith.index_cast %add3A_38 : i32 to index
      %swap3A_525 = arith.constant 768 : index
      %swap3A_526 = tpu.vector_load %arg7[%swap3A_524, %swap3A_525] {strides = array<i32>} : memref<32x1024xf32, #tpu.memory_space<vmem>>, vector<16xf32>,
      tpu.vector_store %arg7[%swap3A_524, %swap3A_525], %add3A_523 {strides = array<i32>} : memref<32x1024xf32, #tpu.memory_space<vmem>>, vector<16xf32>,
      %get3A_527 = arith.index_cast %add3A_38 : i32 to index
      %get3A_528 = arith.constant 784 : index
      %get3A_529 = tpu.vector_load %arg7[%get3A_527, %get3A_528] {strides = array<i32>} : memref<32x1024xf32, #tpu.memory_space<vmem>>, vector<16xf32>,
      %get3A_530 = arith.index_cast %add3A_38 : i32 to index
      %get3A_531 = arith.constant 784 : index
      %get3A_532 = tpu.vector_load %arg8[%get3A_530, %get3A_531] {strides = array<i32>} : memref<32x1024xf32, #tpu.memory_space<vmem>>, vector<16xf32>,
      %add3A_533 = arith.addf %get3A_529, %get3A_532 : vector<16xf32>
      %swap3A_534 = arith.index_cast %add3A_38 : i32 to index
      %swap3A_535 = arith.constant 784 : index
      %swap3A_536 = tpu.vector_load %arg7[%swap3A_534, %swap3A_535] {strides = array<i32>} : memref<32x1024xf32, #tpu.memory_space<vmem>>, vector<16xf32>,
      tpu.vector_store %arg7[%swap3A_534, %swap3A_535], %add3A_533 {strides = array<i32>} : memref<32x1024xf32, #tpu.memory_space<vmem>>, vector<16xf32>,
      %get3A_537 = arith.index_cast %add3A_38 : i32 to index
      %get3A_538 = arith.constant 800 : index
      %get3A_539 = tpu.vector_load %arg7[%get3A_537, %get3A_538] {strides = array<i32>} : memref<32x1024xf32, #tpu.memory_space<vmem>>, vector<16xf32>,
      %get3A_540 = arith.index_cast %add3A_38 : i32 to index
      %get3A_541 = arith.constant 800 : index
      %get3A_542 = tpu.vector_load %arg8[%get3A_540, %get3A_541] {strides = array<i32>} : memref<32x1024xf32, #tpu.memory_space<vmem>>, vector<16xf32>,
      %add3A_543 = arith.addf %get3A_539, %get3A_542 : vector<16xf32>
      %swap3A_544 = arith.index_cast %add3A_38 : i32 to index
      %swap3A_545 = arith.constant 800 : index
      %swap3A_546 = tpu.vector_load %arg7[%swap3A_544, %swap3A_545] {strides = array<i32>} : memref<32x1024xf32, #tpu.memory_space<vmem>>, vector<16xf32>,
      tpu.vector_store %arg7[%swap3A_544, %swap3A_545], %add3A_543 {strides = array<i32>} : memref<32x1024xf32, #tpu.memory_space<vmem>>, vector<16xf32>,
      %get3A_547 = arith.index_cast %add3A_38 : i32 to index
      %get3A_548 = arith.constant 816 : index
      %get3A_549 = tpu.vector_load %arg7[%get3A_547, %get3A_548] {strides = array<i32>} : memref<32x1024xf32, #tpu.memory_space<vmem>>, vector<16xf32>,
      %get3A_550 = arith.index_cast %add3A_38 : i32 to index
      %get3A_551 = arith.constant 816 : index
      %get3A_552 = tpu.vector_load %arg8[%get3A_550, %get3A_551] {strides = array<i32>} : memref<32x1024xf32, #tpu.memory_space<vmem>>, vector<16xf32>,
      %add3A_553 = arith.addf %get3A_549, %get3A_552 : vector<16xf32>
      %swap3A_554 = arith.index_cast %add3A_38 : i32 to index
      %swap3A_555 = arith.constant 816 : index
      %swap3A_556 = tpu.vector_load %arg7[%swap3A_554, %swap3A_555] {strides = array<i32>} : memref<32x1024xf32, #tpu.memory_space<vmem>>, vector<16xf32>,
      tpu.vector_store %arg7[%swap3A_554, %swap3A_555], %add3A_553 {strides = array<i32>} : memref<32x1024xf32, #tpu.memory_space<vmem>>, vector<16xf32>,
      %get3A_557 = arith.index_cast %add3A_38 : i32 to index
      %get3A_558 = arith.constant 832 : index
      %get3A_559 = tpu.vector_load %arg7[%get3A_557, %get3A_558] {strides = array<i32>} : memref<32x1024xf32, #tpu.memory_space<vmem>>, vector<16xf32>,
      %get3A_560 = arith.index_cast %add3A_38 : i32 to index
      %get3A_561 = arith.constant 832 : index
      %get3A_562 = tpu.vector_load %arg8[%get3A_560, %get3A_561] {strides = array<i32>} : memref<32x1024xf32, #tpu.memory_space<vmem>>, vector<16xf32>,
      %add3A_563 = arith.addf %get3A_559, %get3A_562 : vector<16xf32>
      %swap3A_564 = arith.index_cast %add3A_38 : i32 to index
      %swap3A_565 = arith.constant 832 : index
      %swap3A_566 = tpu.vector_load %arg7[%swap3A_564, %swap3A_565] {strides = array<i32>} : memref<32x1024xf32, #tpu.memory_space<vmem>>, vector<16xf32>,
      tpu.vector_store %arg7[%swap3A_564, %swap3A_565], %add3A_563 {strides = array<i32>} : memref<32x1024xf32, #tpu.memory_space<vmem>>, vector<16xf32>,
      %get3A_567 = arith.index_cast %add3A_38 : i32 to index
      %get3A_568 = arith.constant 848 : index
      %get3A_569 = tpu.vector_load %arg7[%get3A_567, %get3A_568] {strides = array<i32>} : memref<32x1024xf32, #tpu.memory_space<vmem>>, vector<16xf32>,
      %get3A_570 = arith.index_cast %add3A_38 : i32 to index
      %get3A_571 = arith.constant 848 : index
      %get3A_572 = tpu.vector_load %arg8[%get3A_570, %get3A_571] {strides = array<i32>} : memref<32x1024xf32, #tpu.memory_space<vmem>>, vector<16xf32>,
      %add3A_573 = arith.addf %get3A_569, %get3A_572 : vector<16xf32>
      %swap3A_574 = arith.index_cast %add3A_38 : i32 to index
      %swap3A_575 = arith.constant 848 : index
      %swap3A_576 = tpu.vector_load %arg7[%swap3A_574, %swap3A_575] {strides = array<i32>} : memref<32x1024xf32, #tpu.memory_space<vmem>>, vector<16xf32>,
      tpu.vector_store %arg7[%swap3A_574, %swap3A_575], %add3A_573 {strides = array<i32>} : memref<32x1024xf32, #tpu.memory_space<vmem>>, vector<16xf32>,
      %get3A_577 = arith.index_cast %add3A_38 : i32 to index
      %get3A_578 = arith.constant 864 : index
      %get3A_579 = tpu.vector_load %arg7[%get3A_577, %get3A_578] {strides = array<i32>} : memref<32x1024xf32, #tpu.memory_space<vmem>>, vector<16xf32>,
      %get3A_580 = arith.index_cast %add3A_38 : i32 to index
      %get3A_581 = arith.constant 864 : index
      %get3A_582 = tpu.vector_load %arg8[%get3A_580, %get3A_581] {strides = array<i32>} : memref<32x1024xf32, #tpu.memory_space<vmem>>, vector<16xf32>,
      %add3A_583 = arith.addf %get3A_579, %get3A_582 : vector<16xf32>
      %swap3A_584 = arith.index_cast %add3A_38 : i32 to index
      %swap3A_585 = arith.constant 864 : index
      %swap3A_586 = tpu.vector_load %arg7[%swap3A_584, %swap3A_585] {strides = array<i32>} : memref<32x1024xf32, #tpu.memory_space<vmem>>, vector<16xf32>,
      tpu.vector_store %arg7[%swap3A_584, %swap3A_585], %add3A_583 {strides = array<i32>} : memref<32x1024xf32, #tpu.memory_space<vmem>>, vector<16xf32>,
      %get3A_587 = arith.index_cast %add3A_38 : i32 to index
      %get3A_588 = arith.constant 880 : index
      %get3A_589 = tpu.vector_load %arg7[%get3A_587, %get3A_588] {strides = array<i32>} : memref<32x1024xf32, #tpu.memory_space<vmem>>, vector<16xf32>,
      %get3A_590 = arith.index_cast %add3A_38 : i32 to index
      %get3A_591 = arith.constant 880 : index
      %get3A_592 = tpu.vector_load %arg8[%get3A_590, %get3A_591] {strides = array<i32>} : memref<32x1024xf32, #tpu.memory_space<vmem>>, vector<16xf32>,
      %add3A_593 = arith.addf %get3A_589, %get3A_592 : vector<16xf32>
      %swap3A_594 = arith.index_cast %add3A_38 : i32 to index
      %swap3A_595 = arith.constant 880 : index
      %swap3A_596 = tpu.vector_load %arg7[%swap3A_594, %swap3A_595] {strides = array<i32>} : memref<32x1024xf32, #tpu.memory_space<vmem>>, vector<16xf32>,
      tpu.vector_store %arg7[%swap3A_594, %swap3A_595], %add3A_593 {strides = array<i32>} : memref<32x1024xf32, #tpu.memory_space<vmem>>, vector<16xf32>,
      %get3A_597 = arith.index_cast %add3A_38 : i32 to index
      %get3A_598 = arith.constant 896 : index
      %get3A_599 = tpu.vector_load %arg7[%get3A_597, %get3A_598] {strides = array<i32>} : memref<32x1024xf32, #tpu.memory_space<vmem>>, vector<16xf32>,
      %get3A_600 = arith.index_cast %add3A_38 : i32 to index
      %get3A_601 = arith.constant 896 : index
      %get3A_602 = tpu.vector_load %arg8[%get3A_600, %get3A_601] {strides = array<i32>} : memref<32x1024xf32, #tpu.memory_space<vmem>>, vector<16xf32>,
      %add3A_603 = arith.addf %get3A_599, %get3A_602 : vector<16xf32>
      %swap3A_604 = arith.index_cast %add3A_38 : i32 to index
      %swap3A_605 = arith.constant 896 : index
      %swap3A_606 = tpu.vector_load %arg7[%swap3A_604, %swap3A_605] {strides = array<i32>} : memref<32x1024xf32, #tpu.memory_space<vmem>>, vector<16xf32>,
      tpu.vector_store %arg7[%swap3A_604, %swap3A_605], %add3A_603 {strides = array<i32>} : memref<32x1024xf32, #tpu.memory_space<vmem>>, vector<16xf32>,
      %get3A_607 = arith.index_cast %add3A_38 : i32 to index
      %get3A_608 = arith.constant 912 : index
      %get3A_609 = tpu.vector_load %arg7[%get3A_607, %get3A_608] {strides = array<i32>} : memref<32x1024xf32, #tpu.memory_space<vmem>>, vector<16xf32>,
      %get3A_610 = arith.index_cast %add3A_38 : i32 to index
      %get3A_611 = arith.constant 912 : index
      %get3A_612 = tpu.vector_load %arg8[%get3A_610, %get3A_611] {strides = array<i32>} : memref<32x1024xf32, #tpu.memory_space<vmem>>, vector<16xf32>,
      %add3A_613 = arith.addf %get3A_609, %get3A_612 : vector<16xf32>
      %swap3A_614 = arith.index_cast %add3A_38 : i32 to index
      %swap3A_615 = arith.constant 912 : index
      %swap3A_616 = tpu.vector_load %arg7[%swap3A_614, %swap3A_615] {strides = array<i32>} : memref<32x1024xf32, #tpu.memory_space<vmem>>, vector<16xf32>,
      tpu.vector_store %arg7[%swap3A_614, %swap3A_615], %add3A_613 {strides = array<i32>} : memref<32x1024xf32, #tpu.memory_space<vmem>>, vector<16xf32>,
      %get3A_617 = arith.index_cast %add3A_38 : i32 to index
      %get3A_618 = arith.constant 928 : index
      %get3A_619 = tpu.vector_load %arg7[%get3A_617, %get3A_618] {strides = array<i32>} : memref<32x1024xf32, #tpu.memory_space<vmem>>, vector<16xf32>,
      %get3A_620 = arith.index_cast %add3A_38 : i32 to index
      %get3A_621 = arith.constant 928 : index
      %get3A_622 = tpu.vector_load %arg8[%get3A_620, %get3A_621] {strides = array<i32>} : memref<32x1024xf32, #tpu.memory_space<vmem>>, vector<16xf32>,
      %add3A_623 = arith.addf %get3A_619, %get3A_622 : vector<16xf32>
      %swap3A_624 = arith.index_cast %add3A_38 : i32 to index
      %swap3A_625 = arith.constant 928 : index
      %swap3A_626 = tpu.vector_load %arg7[%swap3A_624, %swap3A_625] {strides = array<i32>} : memref<32x1024xf32, #tpu.memory_space<vmem>>, vector<16xf32>,
      tpu.vector_store %arg7[%swap3A_624, %swap3A_625], %add3A_623 {strides = array<i32>} : memref<32x1024xf32, #tpu.memory_space<vmem>>, vector<16xf32>,
      %get3A_627 = arith.index_cast %add3A_38 : i32 to index
      %get3A_628 = arith.constant 944 : index
      %get3A_629 = tpu.vector_load %arg7[%get3A_627, %get3A_628] {strides = array<i32>} : memref<32x1024xf32, #tpu.memory_space<vmem>>, vector<16xf32>,
      %get3A_630 = arith.index_cast %add3A_38 : i32 to index
      %get3A_631 = arith.constant 944 : index
      %get3A_632 = tpu.vector_load %arg8[%get3A_630, %get3A_631] {strides = array<i32>} : memref<32x1024xf32, #tpu.memory_space<vmem>>, vector<16xf32>,
      %add3A_633 = arith.addf %get3A_629, %get3A_632 : vector<16xf32>
      %swap3A_634 = arith.index_cast %add3A_38 : i32 to index
      %swap3A_635 = arith.constant 944 : index
      %swap3A_636 = tpu.vector_load %arg7[%swap3A_634, %swap3A_635] {strides = array<i32>} : memref<32x1024xf32, #tpu.memory_space<vmem>>, vector<16xf32>,
      tpu.vector_store %arg7[%swap3A_634, %swap3A_635], %add3A_633 {strides = array<i32>} : memref<32x1024xf32, #tpu.memory_space<vmem>>, vector<16xf32>,
      %get3A_637 = arith.index_cast %add3A_38 : i32 to index
      %get3A_638 = arith.constant 960 : index
      %get3A_639 = tpu.vector_load %arg7[%get3A_637, %get3A_638] {strides = array<i32>} : memref<32x1024xf32, #tpu.memory_space<vmem>>, vector<16xf32>,
      %get3A_640 = arith.index_cast %add3A_38 : i32 to index
      %get3A_641 = arith.constant 960 : index
      %get3A_642 = tpu.vector_load %arg8[%get3A_640, %get3A_641] {strides = array<i32>} : memref<32x1024xf32, #tpu.memory_space<vmem>>, vector<16xf32>,
      %add3A_643 = arith.addf %get3A_639, %get3A_642 : vector<16xf32>
      %swap3A_644 = arith.index_cast %add3A_38 : i32 to index
      %swap3A_645 = arith.constant 960 : index
      %swap3A_646 = tpu.vector_load %arg7[%swap3A_644, %swap3A_645] {strides = array<i32>} : memref<32x1024xf32, #tpu.memory_space<vmem>>, vector<16xf32>,
      tpu.vector_store %arg7[%swap3A_644, %swap3A_645], %add3A_643 {strides = array<i32>} : memref<32x1024xf32, #tpu.memory_space<vmem>>, vector<16xf32>,
      %get3A_647 = arith.index_cast %add3A_38 : i32 to index
      %get3A_648 = arith.constant 976 : index
      %get3A_649 = tpu.vector_load %arg7[%get3A_647, %get3A_648] {strides = array<i32>} : memref<32x1024xf32, #tpu.memory_space<vmem>>, vector<16xf32>,
      %get3A_650 = arith.index_cast %add3A_38 : i32 to index
      %get3A_651 = arith.constant 976 : index
      %get3A_652 = tpu.vector_load %arg8[%get3A_650, %get3A_651] {strides = array<i32>} : memref<32x1024xf32, #tpu.memory_space<vmem>>, vector<16xf32>,
      %add3A_653 = arith.addf %get3A_649, %get3A_652 : vector<16xf32>
      %swap3A_654 = arith.index_cast %add3A_38 : i32 to index
      %swap3A_655 = arith.constant 976 : index
      %swap3A_656 = tpu.vector_load %arg7[%swap3A_654, %swap3A_655] {strides = array<i32>} : memref<32x1024xf32, #tpu.memory_space<vmem>>, vector<16xf32>,
      tpu.vector_store %arg7[%swap3A_654, %swap3A_655], %add3A_653 {strides = array<i32>} : memref<32x1024xf32, #tpu.memory_space<vmem>>, vector<16xf32>,
      %get3A_657 = arith.index_cast %add3A_38 : i32 to index
      %get3A_658 = arith.constant 992 : index
      %get3A_659 = tpu.vector_load %arg7[%get3A_657, %get3A_658] {strides = array<i32>} : memref<32x1024xf32, #tpu.memory_space<vmem>>, vector<16xf32>,
      %get3A_660 = arith.index_cast %add3A_38 : i32 to index
      %get3A_661 = arith.constant 992 : index
      %get3A_662 = tpu.vector_load %arg8[%get3A_660, %get3A_661] {strides = array<i32>} : memref<32x1024xf32, #tpu.memory_space<vmem>>, vector<16xf32>,
      %add3A_663 = arith.addf %get3A_659, %get3A_662 : vector<16xf32>
      %swap3A_664 = arith.index_cast %add3A_38 : i32 to index
      %swap3A_665 = arith.constant 992 : index
      %swap3A_666 = tpu.vector_load %arg7[%swap3A_664, %swap3A_665] {strides = array<i32>} : memref<32x1024xf32, #tpu.memory_space<vmem>>, vector<16xf32>,
      tpu.vector_store %arg7[%swap3A_664, %swap3A_665], %add3A_663 {strides = array<i32>} : memref<32x1024xf32, #tpu.memory_space<vmem>>, vector<16xf32>,
      %get3A_667 = arith.index_cast %add3A_38 : i32 to index
      %get3A_668 = arith.constant 1008 : index
      %get3A_669 = tpu.vector_load %arg7[%get3A_667, %get3A_668] {strides = array<i32>} : memref<32x1024xf32, #tpu.memory_space<vmem>>, vector<16xf32>,
      %get3A_670 = arith.index_cast %add3A_38 : i32 to index
      %get3A_671 = arith.constant 1008 : index
      %get3A_672 = tpu.vector_load %arg8[%get3A_670, %get3A_671] {strides = array<i32>} : memref<32x1024xf32, #tpu.memory_space<vmem>>, vector<16xf32>,
      %add3A_673 = arith.addf %get3A_669, %get3A_672 : vector<16xf32>
      %swap3A_674 = arith.index_cast %add3A_38 : i32 to index
      %swap3A_675 = arith.constant 1008 : index
      %swap3A_676 = tpu.vector_load %arg7[%swap3A_674, %swap3A_675] {strides = array<i32>} : memref<32x1024xf32, #tpu.memory_space<vmem>>, vector<16xf32>,
      tpu.vector_store %arg7[%swap3A_674, %swap3A_675], %add3A_673 {strides = array<i32>} : memref<32x1024xf32, #tpu.memory_space<vmem>>, vector<16xf32>,
    }
    %scan3A_33 = arith.constant 32 : i32
    "tpu.region"() ({
      %run_scoped3A = tpu.sem_alloc : memref<!tpu.dma_semaphore, #tpu.memory_space<semaphore_mem>>
      %dma_start3A_34 = arith.constant 0 : i32
      %dma_start3A_35 = tpu.memref_slice %arg5[%add3A_18, %dma_start3A_34] : memref<2048x1024xf32, #tpu.memory_space<hbm>> -> memref<32x1024xf32, #tpu.memory_space<hbm>>
      %dma_start3A_36 = arith.constant 0 : i32
      %dma_start3A_37 = tpu.memref_slice %arg5[%add3A_18, %dma_start3A_36] : memref<2048x1024xf32, #tpu.memory_space<hbm>> -> memref<32x1024xf32, #tpu.memory_space<hbm>>
      tpu.enqueue_dma source(%arg7 : memref<32x1024xf32, #tpu.memory_space<vmem>>) target(%dma_start3A_37 : memref<32x1024xf32, #tpu.memory_space<hbm>>) target_semaphore(%run_scoped3A : memref<!tpu.dma_semaphore, #tpu.memory_space<semaphore_mem>>)
      %dma_wait3A_38 = arith.constant 0 : i32
      %dma_wait3A_39 = tpu.memref_slice %arg5[%add3A_18, %dma_wait3A_38] : memref<2048x1024xf32, #tpu.memory_space<hbm>> -> memref<32x1024xf32, #tpu.memory_space<hbm>>
      %dma_wait3A_40 = arith.constant 0 : i32
      %dma_wait3A_41 = tpu.memref_slice %arg5[%add3A_18, %dma_wait3A_40] : memref<2048x1024xf32, #tpu.memory_space<hbm>> -> memref<32x1024xf32, #tpu.memory_space<hbm>>
      tpu.wait_dma2 semaphore(%run_scoped3A : memref<!tpu.dma_semaphore, #tpu.memory_space<semaphore_mem>>) src(%arg7 : memref<32x1024xf32, #tpu.memory_space<vmem>>) dst(%dma_wait3A_41 : memref<32x1024xf32, #tpu.memory_space<hbm>>)
      tpu.yield
    }) : () -> ()
    return
  }
}

#map = affine_map<(d0, d1) -> (0, 0)>
#map1 = affine_map<(d0, d1) -> (0)>
module attributes {stable_mosaic.version = 14 : i64} {
  func.func @k(%arg0: i32, %arg1: i32, %arg2: memref<2048x1024xf32, #tpu.memory_space<hbm>>, %arg3: memref<2048xi32, #tpu.memory_space<hbm>>, %arg4: memref<2048xi32, #tpu.memory_space<hbm>>, %arg5: memref<16xi32, #tpu.memory_space<hbm>>, %arg6: memref<4096x1024xf32, #tpu.memory_space<hbm>>, %arg7: memref<2048xi32, #tpu.memory_space<hbm>>, %arg8: memref<64xi32, #tpu.memory_space<vmem>>, %arg9: memref<64xi32, #tpu.memory_space<vmem>>, %arg10: memref<1x64xi32, #tpu.memory_space<vmem>>, %arg11: memref<16xi32, #tpu.memory_space<vmem>>, %arg12: memref<16xi32, #tpu.memory_space<vmem>>, %arg13: memref<64x1024xf32, #tpu.memory_space<vmem>>) attributes {dimension_semantics = [#tpu.dimension_semantics<core_parallel>, #tpu.dimension_semantics<subcore_parallel>], iteration_bounds = array<i64: 2, 16>, scalar_prefetch = 0 : i64, scratch_operands = 6 : i64, tpu.core_type = #tpu.core_type<sc_vector_subcore>, window_params = [{transform_indices = #map}, {transform_indices = #map1}, {transform_indices = #map1}, {transform_indices = #map1}, {transform_indices = #map}, {transform_indices = #map1}]} {
    %mul3A = arith.constant 2 : i32
    %mul3A_0 = arith.muli %arg1, %mul3A : i32
    %add3A = arith.addi %mul3A_0, %arg0 : i32
    %mul3A_1 = arith.constant 64 : i32
    %mul3A_2 = arith.muli %add3A, %mul3A_1 : i32
    "tpu.region"() ({
      %run_scoped3A_51 = tpu.sem_alloc : memref<!tpu.dma_semaphore, #tpu.memory_space<semaphore_mem>>
      %dma_start3A = tpu.memref_slice %arg3[%mul3A_2] : memref<2048xi32, #tpu.memory_space<hbm>> -> memref<64xi32, #tpu.memory_space<hbm>>
      %dma_start3A_52 = tpu.memref_slice %arg3[%mul3A_2] : memref<2048xi32, #tpu.memory_space<hbm>> -> memref<64xi32, #tpu.memory_space<hbm>>
      tpu.enqueue_dma source(%dma_start3A_52 : memref<64xi32, #tpu.memory_space<hbm>>) target(%arg8 : memref<64xi32, #tpu.memory_space<vmem>>) target_semaphore(%run_scoped3A_51 : memref<!tpu.dma_semaphore, #tpu.memory_space<semaphore_mem>>)
      %dma_wait3A = tpu.memref_slice %arg3[%mul3A_2] : memref<2048xi32, #tpu.memory_space<hbm>> -> memref<64xi32, #tpu.memory_space<hbm>>
      %dma_wait3A_53 = tpu.memref_slice %arg3[%mul3A_2] : memref<2048xi32, #tpu.memory_space<hbm>> -> memref<64xi32, #tpu.memory_space<hbm>>
      tpu.wait_dma2 semaphore(%run_scoped3A_51 : memref<!tpu.dma_semaphore, #tpu.memory_space<semaphore_mem>>) src(%dma_wait3A_53 : memref<64xi32, #tpu.memory_space<hbm>>) dst(%arg8 : memref<64xi32, #tpu.memory_space<vmem>>)
      tpu.yield
    }) : () -> ()
    "tpu.region"() ({
      %run_scoped3A_51 = tpu.sem_alloc : memref<!tpu.dma_semaphore, #tpu.memory_space<semaphore_mem>>
      %dma_start3A = tpu.memref_slice %arg4[%mul3A_2] : memref<2048xi32, #tpu.memory_space<hbm>> -> memref<64xi32, #tpu.memory_space<hbm>>
      %dma_start3A_52 = tpu.memref_slice %arg4[%mul3A_2] : memref<2048xi32, #tpu.memory_space<hbm>> -> memref<64xi32, #tpu.memory_space<hbm>>
      tpu.enqueue_dma source(%dma_start3A_52 : memref<64xi32, #tpu.memory_space<hbm>>) target(%arg9 : memref<64xi32, #tpu.memory_space<vmem>>) target_semaphore(%run_scoped3A_51 : memref<!tpu.dma_semaphore, #tpu.memory_space<semaphore_mem>>)
      %dma_wait3A = tpu.memref_slice %arg4[%mul3A_2] : memref<2048xi32, #tpu.memory_space<hbm>> -> memref<64xi32, #tpu.memory_space<hbm>>
      %dma_wait3A_53 = tpu.memref_slice %arg4[%mul3A_2] : memref<2048xi32, #tpu.memory_space<hbm>> -> memref<64xi32, #tpu.memory_space<hbm>>
      tpu.wait_dma2 semaphore(%run_scoped3A_51 : memref<!tpu.dma_semaphore, #tpu.memory_space<semaphore_mem>>) src(%dma_wait3A_53 : memref<64xi32, #tpu.memory_space<hbm>>) dst(%arg9 : memref<64xi32, #tpu.memory_space<vmem>>)
      tpu.yield
    }) : () -> ()
    "tpu.region"() ({
      %run_scoped3A_51 = tpu.sem_alloc : memref<!tpu.dma_semaphore, #tpu.memory_space<semaphore_mem>>
      tpu.enqueue_dma source(%arg5 : memref<16xi32, #tpu.memory_space<hbm>>) target(%arg11 : memref<16xi32, #tpu.memory_space<vmem>>) target_semaphore(%run_scoped3A_51 : memref<!tpu.dma_semaphore, #tpu.memory_space<semaphore_mem>>)
      tpu.wait_dma2 semaphore(%run_scoped3A_51 : memref<!tpu.dma_semaphore, #tpu.memory_space<semaphore_mem>>) src(%arg5 : memref<16xi32, #tpu.memory_space<hbm>>) dst(%arg11 : memref<16xi32, #tpu.memory_space<vmem>>)
      tpu.yield
    }) : () -> ()
    %get3A = arith.constant 0 : index
    %get3A_3 = tpu.vector_load %arg11[%get3A] {strides = array<i32>} : memref<16xi32, #tpu.memory_space<vmem>>, vector<16xi32>,
    %add3A_4 = arith.constant 255 : i32
    %add3A_5 = vector.broadcast %add3A_4 : i32 to vector<16xi32>
    %add3A_6 = arith.addi %get3A_3, %add3A_5 : vector<16xi32>
    %and3A = arith.constant -256 : i32
    %and3A_7 = vector.broadcast %and3A : i32 to vector<16xi32>
    %and3A_8 = arith.andi %add3A_6, %and3A_7 : vector<16xi32>
    %broadcast_in_dim3A = arith.constant true
    %broadcast_in_dim3A_9 = vector.broadcast %broadcast_in_dim3A : i1 to vector<16xi1>
    %masked_cumsum3A = tpu.scan <sum>, %and3A_8 masked %broadcast_in_dim3A_9 : vector<16xi32>, vector<16xi1> -> vector<16xi32>
    %sub3A = arith.subi %masked_cumsum3A, %and3A_8 : vector<16xi32>
    %swap3A = arith.constant 0 : index
    %swap3A_10 = tpu.vector_load %arg12[%swap3A] {strides = array<i32>} : memref<16xi32, #tpu.memory_space<vmem>>, vector<16xi32>,
    tpu.vector_store %arg12[%swap3A], %sub3A {strides = array<i32>} : memref<16xi32, #tpu.memory_space<vmem>>, vector<16xi32>,
    %get3A_11 = arith.constant 0 : index
    %get3A_12 = tpu.vector_load %arg8[%get3A_11] {strides = array<i32>} : memref<64xi32, #tpu.memory_space<vmem>>, vector<16xi32>,
    %get3A_13 = arith.constant 0 : index
    %get3A_14 = tpu.vector_load %arg9[%get3A_13] {strides = array<i32>} : memref<64xi32, #tpu.memory_space<vmem>>, vector<16xi32>,
    %gather3A = tpu.vector_load_idx %arg12[%get3A_12] : memref<16xi32, #tpu.memory_space<vmem>>[vector<16xi32>], vector<16xi32>,
    %add3A_15 = arith.addi %gather3A, %get3A_14 : vector<16xi32>
    %swap3A_16 = arith.constant 0 : i32
    %swap3A_17 = arith.index_cast %swap3A_16 : i32 to index
    %swap3A_18 = arith.constant 0 : index
    %swap3A_19 = tpu.vector_load %arg10[%swap3A_17, %swap3A_18] {strides = array<i32>} : memref<1x64xi32, #tpu.memory_space<vmem>>, vector<16xi32>,
    tpu.vector_store %arg10[%swap3A_17, %swap3A_18], %add3A_15 {strides = array<i32>} : memref<1x64xi32, #tpu.memory_space<vmem>>, vector<16xi32>,
    %get3A_20 = arith.constant 16 : index
    %get3A_21 = tpu.vector_load %arg8[%get3A_20] {strides = array<i32>} : memref<64xi32, #tpu.memory_space<vmem>>, vector<16xi32>,
    %get3A_22 = arith.constant 16 : index
    %get3A_23 = tpu.vector_load %arg9[%get3A_22] {strides = array<i32>} : memref<64xi32, #tpu.memory_space<vmem>>, vector<16xi32>,
    %gather3A_24 = tpu.vector_load_idx %arg12[%get3A_21] : memref<16xi32, #tpu.memory_space<vmem>>[vector<16xi32>], vector<16xi32>,
    %add3A_25 = arith.addi %gather3A_24, %get3A_23 : vector<16xi32>
    %swap3A_26 = arith.constant 0 : i32
    %swap3A_27 = arith.index_cast %swap3A_26 : i32 to index
    %swap3A_28 = arith.constant 16 : index
    %swap3A_29 = tpu.vector_load %arg10[%swap3A_27, %swap3A_28] {strides = array<i32>} : memref<1x64xi32, #tpu.memory_space<vmem>>, vector<16xi32>,
    tpu.vector_store %arg10[%swap3A_27, %swap3A_28], %add3A_25 {strides = array<i32>} : memref<1x64xi32, #tpu.memory_space<vmem>>, vector<16xi32>,
    %get3A_30 = arith.constant 32 : index
    %get3A_31 = tpu.vector_load %arg8[%get3A_30] {strides = array<i32>} : memref<64xi32, #tpu.memory_space<vmem>>, vector<16xi32>,
    %get3A_32 = arith.constant 32 : index
    %get3A_33 = tpu.vector_load %arg9[%get3A_32] {strides = array<i32>} : memref<64xi32, #tpu.memory_space<vmem>>, vector<16xi32>,
    %gather3A_34 = tpu.vector_load_idx %arg12[%get3A_31] : memref<16xi32, #tpu.memory_space<vmem>>[vector<16xi32>], vector<16xi32>,
    %add3A_35 = arith.addi %gather3A_34, %get3A_33 : vector<16xi32>
    %swap3A_36 = arith.constant 0 : i32
    %swap3A_37 = arith.index_cast %swap3A_36 : i32 to index
    %swap3A_38 = arith.constant 32 : index
    %swap3A_39 = tpu.vector_load %arg10[%swap3A_37, %swap3A_38] {strides = array<i32>} : memref<1x64xi32, #tpu.memory_space<vmem>>, vector<16xi32>,
    tpu.vector_store %arg10[%swap3A_37, %swap3A_38], %add3A_35 {strides = array<i32>} : memref<1x64xi32, #tpu.memory_space<vmem>>, vector<16xi32>,
    %get3A_40 = arith.constant 48 : index
    %get3A_41 = tpu.vector_load %arg8[%get3A_40] {strides = array<i32>} : memref<64xi32, #tpu.memory_space<vmem>>, vector<16xi32>,
    %get3A_42 = arith.constant 48 : index
    %get3A_43 = tpu.vector_load %arg9[%get3A_42] {strides = array<i32>} : memref<64xi32, #tpu.memory_space<vmem>>, vector<16xi32>,
    %gather3A_44 = tpu.vector_load_idx %arg12[%get3A_41] : memref<16xi32, #tpu.memory_space<vmem>>[vector<16xi32>], vector<16xi32>,
    %add3A_45 = arith.addi %gather3A_44, %get3A_43 : vector<16xi32>
    %swap3A_46 = arith.constant 0 : i32
    %swap3A_47 = arith.index_cast %swap3A_46 : i32 to index
    %swap3A_48 = arith.constant 48 : index
    %swap3A_49 = tpu.vector_load %arg10[%swap3A_47, %swap3A_48] {strides = array<i32>} : memref<1x64xi32, #tpu.memory_space<vmem>>, vector<16xi32>,
    tpu.vector_store %arg10[%swap3A_47, %swap3A_48], %add3A_45 {strides = array<i32>} : memref<1x64xi32, #tpu.memory_space<vmem>>, vector<16xi32>,
    %run_scoped3A = arith.constant 0 : i32
    "tpu.region"() ({
      %run_scoped3A_51 = tpu.sem_alloc : memref<!tpu.dma_semaphore, #tpu.memory_space<semaphore_mem>>
      %dma_start3A = arith.constant 0 : i32
      %dma_start3A_52 = tpu.memref_slice %arg10[%run_scoped3A, %dma_start3A] : memref<1x64xi32, #tpu.memory_space<vmem>> -> memref<1x64xi32, #tpu.memory_space<vmem>>
      %dma_start3A_53 = tpu.memref_squeeze %dma_start3A_52 : memref<1x64xi32, #tpu.memory_space<vmem>> -> memref<64xi32, #tpu.memory_space<vmem>>
      %dma_start3A_54 = tpu.memref_slice %arg7[%mul3A_2] : memref<2048xi32, #tpu.memory_space<hbm>> -> memref<64xi32, #tpu.memory_space<hbm>>
      %dma_start3A_55 = tpu.memref_slice %arg7[%mul3A_2] : memref<2048xi32, #tpu.memory_space<hbm>> -> memref<64xi32, #tpu.memory_space<hbm>>
      %dma_start3A_56 = arith.constant 0 : i32
      %dma_start3A_57 = tpu.memref_slice %arg10[%run_scoped3A, %dma_start3A_56] : memref<1x64xi32, #tpu.memory_space<vmem>> -> memref<1x64xi32, #tpu.memory_space<vmem>>
      %dma_start3A_58 = tpu.memref_squeeze %dma_start3A_57 : memref<1x64xi32, #tpu.memory_space<vmem>> -> memref<64xi32, #tpu.memory_space<vmem>>
      tpu.enqueue_dma source(%dma_start3A_58 : memref<64xi32, #tpu.memory_space<vmem>>) target(%dma_start3A_55 : memref<64xi32, #tpu.memory_space<hbm>>) target_semaphore(%run_scoped3A_51 : memref<!tpu.dma_semaphore, #tpu.memory_space<semaphore_mem>>)
      %dma_wait3A = arith.constant 0 : i32
      %dma_wait3A_59 = tpu.memref_slice %arg10[%run_scoped3A, %dma_wait3A] : memref<1x64xi32, #tpu.memory_space<vmem>> -> memref<1x64xi32, #tpu.memory_space<vmem>>
      %dma_wait3A_60 = tpu.memref_squeeze %dma_wait3A_59 : memref<1x64xi32, #tpu.memory_space<vmem>> -> memref<64xi32, #tpu.memory_space<vmem>>
      %dma_wait3A_61 = tpu.memref_slice %arg7[%mul3A_2] : memref<2048xi32, #tpu.memory_space<hbm>> -> memref<64xi32, #tpu.memory_space<hbm>>
      %dma_wait3A_62 = tpu.memref_slice %arg7[%mul3A_2] : memref<2048xi32, #tpu.memory_space<hbm>> -> memref<64xi32, #tpu.memory_space<hbm>>
      %dma_wait3A_63 = arith.constant 0 : i32
      %dma_wait3A_64 = tpu.memref_slice %arg10[%run_scoped3A, %dma_wait3A_63] : memref<1x64xi32, #tpu.memory_space<vmem>> -> memref<1x64xi32, #tpu.memory_space<vmem>>
      %dma_wait3A_65 = tpu.memref_squeeze %dma_wait3A_64 : memref<1x64xi32, #tpu.memory_space<vmem>> -> memref<64xi32, #tpu.memory_space<vmem>>
      tpu.wait_dma2 semaphore(%run_scoped3A_51 : memref<!tpu.dma_semaphore, #tpu.memory_space<semaphore_mem>>) src(%dma_wait3A_65 : memref<64xi32, #tpu.memory_space<vmem>>) dst(%dma_wait3A_62 : memref<64xi32, #tpu.memory_space<hbm>>)
      tpu.yield
    }) : () -> ()
    "tpu.region"() ({
      %run_scoped3A_51 = tpu.sem_alloc : memref<!tpu.dma_semaphore, #tpu.memory_space<semaphore_mem>>
      %dma_start3A = arith.constant 0 : i32
      %dma_start3A_52 = tpu.memref_slice %arg2[%mul3A_2, %dma_start3A] : memref<2048x1024xf32, #tpu.memory_space<hbm>> -> memref<64x1024xf32, #tpu.memory_space<hbm>>
      %dma_start3A_53 = arith.constant 0 : i32
      %dma_start3A_54 = tpu.memref_slice %arg2[%mul3A_2, %dma_start3A_53] : memref<2048x1024xf32, #tpu.memory_space<hbm>> -> memref<64x1024xf32, #tpu.memory_space<hbm>>
      tpu.enqueue_dma source(%dma_start3A_54 : memref<64x1024xf32, #tpu.memory_space<hbm>>) target(%arg13 : memref<64x1024xf32, #tpu.memory_space<vmem>>) target_semaphore(%run_scoped3A_51 : memref<!tpu.dma_semaphore, #tpu.memory_space<semaphore_mem>>)
      %dma_wait3A = arith.constant 0 : i32
      %dma_wait3A_55 = tpu.memref_slice %arg2[%mul3A_2, %dma_wait3A] : memref<2048x1024xf32, #tpu.memory_space<hbm>> -> memref<64x1024xf32, #tpu.memory_space<hbm>>
      %dma_wait3A_56 = arith.constant 0 : i32
      %dma_wait3A_57 = tpu.memref_slice %arg2[%mul3A_2, %dma_wait3A_56] : memref<2048x1024xf32, #tpu.memory_space<hbm>> -> memref<64x1024xf32, #tpu.memory_space<hbm>>
      tpu.wait_dma2 semaphore(%run_scoped3A_51 : memref<!tpu.dma_semaphore, #tpu.memory_space<semaphore_mem>>) src(%dma_wait3A_57 : memref<64x1024xf32, #tpu.memory_space<hbm>>) dst(%arg13 : memref<64x1024xf32, #tpu.memory_space<vmem>>)
      tpu.yield
    }) : () -> ()
    %run_scoped3A_50 = arith.constant 0 : i32
    "tpu.region"() ({
      %run_scoped3A_51 = tpu.sem_alloc : memref<!tpu.dma_semaphore, #tpu.memory_space<semaphore_mem>>
      %dma_start3A = arith.constant 0 : i32
      %dma_start3A_52 = tpu.memref_slice %arg10[%run_scoped3A_50, %dma_start3A] : memref<1x64xi32, #tpu.memory_space<vmem>> -> memref<1x64xi32, #tpu.memory_space<vmem>>
      %dma_start3A_53 = tpu.memref_squeeze %dma_start3A_52 : memref<1x64xi32, #tpu.memory_space<vmem>> -> memref<64xi32, #tpu.memory_space<vmem>>
      %dma_start3A_54 = arith.constant 0 : i32
      %dma_start3A_55 = arith.constant 0 : i32
      %dma_start3A_56 = tpu.memref_slice %arg6[%dma_start3A_54, %dma_start3A_55] : memref<4096x1024xf32, #tpu.memory_space<hbm>> -> memref<4096x1024xf32, #tpu.memory_space<hbm>>
      tpu.enqueue_indirect_dma source(%arg13 : memref<64x1024xf32, #tpu.memory_space<vmem>>) target(%dma_start3A_56 : memref<4096x1024xf32, #tpu.memory_space<hbm>>) offsets(%dma_start3A_53 : memref<64xi32, #tpu.memory_space<vmem>>) semaphore(%run_scoped3A_51 : memref<!tpu.dma_semaphore, #tpu.memory_space<semaphore_mem>>)
      %dma_wait3A = arith.constant 0 : i32
      %dma_wait3A_57 = tpu.memref_slice %arg10[%run_scoped3A_50, %dma_wait3A] : memref<1x64xi32, #tpu.memory_space<vmem>> -> memref<1x64xi32, #tpu.memory_space<vmem>>
      %dma_wait3A_58 = tpu.memref_squeeze %dma_wait3A_57 : memref<1x64xi32, #tpu.memory_space<vmem>> -> memref<64xi32, #tpu.memory_space<vmem>>
      %dma_wait3A_59 = arith.constant 0 : i32
      %dma_wait3A_60 = arith.constant 0 : i32
      %dma_wait3A_61 = tpu.memref_slice %arg6[%dma_wait3A_59, %dma_wait3A_60] : memref<4096x1024xf32, #tpu.memory_space<hbm>> -> memref<4096x1024xf32, #tpu.memory_space<hbm>>
      tpu.wait_indirect_dma semaphore(%run_scoped3A_51 : memref<!tpu.dma_semaphore, #tpu.memory_space<semaphore_mem>>) src(%arg13 : memref<64x1024xf32, #tpu.memory_space<vmem>>) dst(%dma_wait3A_61 : memref<4096x1024xf32, #tpu.memory_space<hbm>>)
      tpu.yield
    }) : () -> ()
    return
  }
}

module attributes {stable_mosaic.version = 14 : i64} {
  func.func @_router_body(%arg0: i32, %arg1: memref<1024x1024xf32, #tpu.memory_space<vmem>>, %arg2: memref<1024x8xf32, #tpu.memory_space<vmem>>, %arg3: memref<1024x1024xf32, #tpu.memory_space<vmem>>, %arg4: memref<1024x8xf32, #tpu.memory_space<vmem>>, %arg5: memref<1x1024x1xi32, #tpu.memory_space<vmem>>, %arg6: memref<1x1024x1xi32, #tpu.memory_space<vmem>>, %arg7: memref<1x1x16xi32, #tpu.memory_space<vmem>>, %arg8: memref<8x32xi32, #tpu.memory_space<vmem>>, %arg9: memref<1x8xf32, #tpu.memory_space<vmem>>) attributes {dimension_semantics = [#tpu.dimension_semantics<arbitrary>], iteration_bounds = array<i64: 2>, scalar_prefetch = 0 : i64, scratch_operands = 1 : i64, tpu.core_type = #tpu.core_type<tc>, window_params = [{transform_indices = @transform_0, window_bounds = array<i64: 1024, 1024>}, {pipeline_mode = #tpu.pipeline_mode<synchronous>, transform_indices = @transform_1, window_bounds = array<i64: 1024, 8>}, {transform_indices = @transform_2, window_bounds = array<i64: 1024, 1024>}, {transform_indices = @transform_3, window_bounds = array<i64: 1024, 8>}, {transform_indices = @transform_4, window_bounds = array<i64: 1, 1024, 1>}, {transform_indices = @transform_5, window_bounds = array<i64: 1, 1024, 1>}, {pipeline_mode = #tpu.pipeline_mode<synchronous>, transform_indices = @transform_6, window_bounds = array<i64: 1, 1, 16>}, {pipeline_mode = #tpu.pipeline_mode<synchronous>, transform_indices = @transform_7, window_bounds = array<i64: 8, 32>}]} {
    %eq3A = arith.constant 0 : i32
    %eq3A_0 = arith.cmpi eq, %arg0, %eq3A : i32
    %convert_element_type3A = arith.extui %eq3A_0 : i1 to i32
    %cond3A = arith.constant 0 : i32
    %cond3A_1 = arith.cmpi ne, %convert_element_type3A, %cond3A : i32
    scf.if %cond3A_1 {
      %broadcast_in_dim3A_89 = arith.constant 0.000000e+00 : f32
      %broadcast_in_dim3A_90 = vector.broadcast %broadcast_in_dim3A_89 : f32 to vector<1x8xf32>
      %swap3A_91 = arith.constant 0 : index
      %swap3A_92 = arith.constant 0 : index
      %swap3A_93 = vector.load %arg9[%swap3A_91, %swap3A_92] : memref<1x8xf32, #tpu.memory_space<vmem>>, vector<1x8xf32>
      tpu.vector_store %arg9[%swap3A_91, %swap3A_92], %broadcast_in_dim3A_90 {strides = array<i32>} : memref<1x8xf32, #tpu.memory_space<vmem>>, vector<1x8xf32>,
    } else {
    }
    %get3A = arith.constant 0 : index
    %get3A_2 = arith.constant 0 : index
    %get3A_3 = vector.load %arg1[%get3A, %get3A_2] : memref<1024x1024xf32, #tpu.memory_space<vmem>>, vector<1024x1024xf32>
    %get3A_4 = arith.constant 0 : index
    %get3A_5 = arith.constant 0 : index
    %get3A_6 = vector.load %arg2[%get3A_4, %get3A_5] : memref<1024x8xf32, #tpu.memory_space<vmem>>, vector<1024x8xf32>
    %dot_general3A = arith.constant dense<0.000000e+00> : vector<1024x8xf32>
    %dot_general3A_7 = tpu.matmul %get3A_3, %get3A_6, %dot_general3A {dimension_numbers = #tpu.dot_dimension_numbers<[1], [0], [0], [1], [0, 0, 1, 1], [], []>, transpose_lhs_hint = false} : vector<1024x1024xf32>, vector<1024x8xf32>, vector<1024x8xf32> -> vector<1024x8xf32>
    %reduce_max3A = arith.constant dense<0xFF800000> : vector<1024xf32>
    %reduce_max3A_8 = vector.multi_reduction <maximumf>, %dot_general3A_7, %reduce_max3A [1] : vector<1024x8xf32> to vector<1024xf32>
    %broadcast_in_dim3A = vector.shape_cast %reduce_max3A_8 : vector<1024xf32> to vector<1024x1xf32>
    %iota3A = tpu.iota {dimensions = array<i32: 1>} : vector<1024x8xi32>
    %eq3A_9 = vector.broadcast %broadcast_in_dim3A : vector<1024x1xf32> to vector<1024x8xf32>
    %eq3A_10 = arith.cmpf oeq, %dot_general3A_7, %eq3A_9 : vector<1024x8xf32>
    %jit3A = arith.constant 8 : i32
    %broadcast_in_dim3A_11 = vector.broadcast %jit3A : i32 to vector<1024x8xi32>
    %select_n3A = arith.select %eq3A_10, %iota3A, %broadcast_in_dim3A_11 : vector<1024x8xi1>, vector<1024x8xi32>
    %reduce_min3A = arith.constant dense<2147483647> : vector<1024xi32>
    %reduce_min3A_12 = vector.multi_reduction <minsi>, %select_n3A, %reduce_min3A [1] : vector<1024x8xi32> to vector<1024xi32>
    %broadcast_in_dim3A_13 = vector.shape_cast %reduce_min3A_12 : vector<1024xi32> to vector<1024x1xi32>
    %eq3A_14 = vector.broadcast %broadcast_in_dim3A_13 : vector<1024x1xi32> to vector<1024x8xi32>
    %eq3A_15 = arith.cmpi eq, %iota3A, %eq3A_14 : vector<1024x8xi32>
    %convert_element_type3A_16 = arith.extui %eq3A_15 : vector<1024x8xi1> to vector<1024x8xi32>
    %convert_element_type3A_17 = arith.sitofp %convert_element_type3A_16 : vector<1024x8xi32> to vector<1024x8xf32>
    %neg3A = arith.constant 0.000000e+00 : f32
    %neg3A_18 = vector.broadcast %neg3A : f32 to vector<1024x1xf32>
    %neg3A_19 = arith.subf %neg3A_18, %broadcast_in_dim3A : vector<1024x1xf32>
    %exp3A = math.exp %neg3A_19 : vector<1024x1xf32>
    %add3A = arith.constant 1.000000e+00 : f32
    %add3A_20 = vector.broadcast %add3A : f32 to vector<1024x1xf32>
    %add3A_21 = arith.addf %add3A_20, %exp3A : vector<1024x1xf32>
    %div3A = arith.constant 1.000000e+00 : f32
    %div3A_22 = vector.broadcast %div3A : f32 to vector<1024x1xf32>
    %div3A_23 = arith.divf %div3A_22, %add3A_21 : vector<1024x1xf32>
    %mul3A = vector.broadcast %div3A_23 : vector<1024x1xf32> to vector<1024x1024xf32>
    %mul3A_24 = arith.mulf %get3A_3, %mul3A : vector<1024x1024xf32>
    %swap3A = arith.constant 0 : index
    %swap3A_25 = arith.constant 0 : index
    %swap3A_26 = vector.load %arg3[%swap3A, %swap3A_25] : memref<1024x1024xf32, #tpu.memory_space<vmem>>, vector<1024x1024xf32>
    tpu.vector_store %arg3[%swap3A, %swap3A_25], %mul3A_24 {strides = array<i32>} : memref<1024x1024xf32, #tpu.memory_space<vmem>>, vector<1024x1024xf32>,
    %gt3A = arith.constant 0.000000e+00 : f32
    %gt3A_27 = vector.broadcast %gt3A : f32 to vector<1024x8xf32>
    %gt3A_28 = arith.cmpf ogt, %convert_element_type3A_17, %gt3A_27 : vector<1024x8xf32>
    %jit3A_29 = arith.constant 0xFF800000 : f32
    %broadcast_in_dim3A_30 = vector.broadcast %jit3A_29 : f32 to vector<1024x8xf32>
    %select_n3A_31 = arith.select %gt3A_28, %dot_general3A_7, %broadcast_in_dim3A_30 : vector<1024x8xi1>, vector<1024x8xf32>
    %neg3A_32 = arith.constant 0.000000e+00 : f32
    %neg3A_33 = vector.broadcast %neg3A_32 : f32 to vector<1024x8xf32>
    %neg3A_34 = arith.subf %neg3A_33, %select_n3A_31 : vector<1024x8xf32>
    %exp3A_35 = math.exp %neg3A_34 : vector<1024x8xf32>
    %add3A_36 = arith.constant 1.000000e+00 : f32
    %add3A_37 = vector.broadcast %add3A_36 : f32 to vector<1024x8xf32>
    %add3A_38 = arith.addf %add3A_37, %exp3A_35 : vector<1024x8xf32>
    %div3A_39 = arith.constant 1.000000e+00 : f32
    %div3A_40 = vector.broadcast %div3A_39 : f32 to vector<1024x8xf32>
    %div3A_41 = arith.divf %div3A_40, %add3A_38 : vector<1024x8xf32>
    %swap3A_42 = arith.constant 0 : index
    %swap3A_43 = arith.constant 0 : index
    %swap3A_44 = vector.load %arg4[%swap3A_42, %swap3A_43] : memref<1024x8xf32, #tpu.memory_space<vmem>>, vector<1024x8xf32>
    tpu.vector_store %arg4[%swap3A_42, %swap3A_43], %div3A_41 {strides = array<i32>} : memref<1024x8xf32, #tpu.memory_space<vmem>>, vector<1024x8xf32>,
    %iota3A_45 = tpu.iota {dimensions = array<i32: 0>} : vector<1024x1024xi32>
    %iota3A_46 = tpu.iota {dimensions = array<i32: 1>} : vector<1024x1024xi32>
    %gt3A_47 = arith.cmpi sgt, %iota3A_45, %iota3A_46 : vector<1024x1024xi32>
    %convert_element_type3A_48 = arith.extui %gt3A_47 : vector<1024x1024xi1> to vector<1024x1024xi32>
    %convert_element_type3A_49 = arith.sitofp %convert_element_type3A_48 : vector<1024x1024xi32> to vector<1024x1024xf32>
    %dot_general3A_50 = arith.constant dense<0.000000e+00> : vector<1024x8xf32>
    %dot_general3A_51 = tpu.matmul %convert_element_type3A_49, %convert_element_type3A_17, %dot_general3A_50 {dimension_numbers = #tpu.dot_dimension_numbers<[1], [0], [0], [1], [0, 0, 1, 1], [], []>, transpose_lhs_hint = false} : vector<1024x1024xf32>, vector<1024x8xf32>, vector<1024x8xf32> -> vector<1024x8xf32>
    %mul3A_52 = arith.mulf %dot_general3A_51, %convert_element_type3A_17 : vector<1024x8xf32>
    %reduce_sum3A = arith.constant dense<0.000000e+00> : vector<1024xf32>
    %reduce_sum3A_53 = vector.multi_reduction <add>, %mul3A_52, %reduce_sum3A [1] : vector<1024x8xf32> to vector<1024xf32>
    %broadcast_in_dim3A_54 = vector.shape_cast %reduce_sum3A_53 : vector<1024xf32> to vector<1024x1xf32>
    %get3A_55 = arith.constant 0 : index
    %get3A_56 = arith.constant 0 : index
    %get3A_57 = vector.load %arg9[%get3A_55, %get3A_56] : memref<1x8xf32, #tpu.memory_space<vmem>>, vector<1x8xf32>
    %mul3A_58 = vector.broadcast %get3A_57 : vector<1x8xf32> to vector<1024x8xf32>
    %mul3A_59 = arith.mulf %convert_element_type3A_17, %mul3A_58 : vector<1024x8xf32>
    %reduce_sum3A_60 = arith.constant dense<0.000000e+00> : vector<1024xf32>
    %reduce_sum3A_61 = vector.multi_reduction <add>, %mul3A_59, %reduce_sum3A_60 [1] : vector<1024x8xf32> to vector<1024xf32>
    %broadcast_in_dim3A_62 = vector.shape_cast %reduce_sum3A_61 : vector<1024xf32> to vector<1024x1xf32>
    %add3A_63 = arith.addf %broadcast_in_dim3A_54, %broadcast_in_dim3A_62 : vector<1024x1xf32>
    %get3A_64 = arith.constant 0 : index
    %get3A_65 = arith.constant 0 : index
    %get3A_66 = vector.load %arg9[%get3A_64, %get3A_65] : memref<1x8xf32, #tpu.memory_space<vmem>>, vector<1x8xf32>
    %reduce_sum3A_67 = arith.constant dense<0.000000e+00> : vector<8xf32>
    %reduce_sum3A_68 = vector.multi_reduction <add>, %convert_element_type3A_17, %reduce_sum3A_67 [0] : vector<1024x8xf32> to vector<8xf32>
    %broadcast_in_dim3A_69 = vector.shape_cast %reduce_sum3A_68 : vector<8xf32> to vector<1x8xf32>
    %add3A_70 = arith.addf %get3A_66, %broadcast_in_dim3A_69 : vector<1x8xf32>
    %swap3A_71 = arith.constant 0 : index
    %swap3A_72 = arith.constant 0 : index
    %swap3A_73 = vector.load %arg9[%swap3A_71, %swap3A_72] : memref<1x8xf32, #tpu.memory_space<vmem>>, vector<1x8xf32>
    tpu.vector_store %arg9[%swap3A_71, %swap3A_72], %add3A_70 {strides = array<i32>} : memref<1x8xf32, #tpu.memory_space<vmem>>, vector<1x8xf32>,
    %reshape3A = vector.shape_cast %broadcast_in_dim3A_13 : vector<1024x1xi32> to vector<1x1024x1xi32>
    %swap3A_74 = arith.constant 0 : index
    %swap3A_75 = arith.constant 0 : index
    %swap3A_76 = arith.constant 0 : index
    %swap3A_77 = vector.load %arg5[%swap3A_74, %swap3A_75, %swap3A_76] : memref<1x1024x1xi32, #tpu.memory_space<vmem>>, vector<1x1024x1xi32>
    tpu.vector_store %arg5[%swap3A_74, %swap3A_75, %swap3A_76], %reshape3A {strides = array<i32>} : memref<1x1024x1xi32, #tpu.memory_space<vmem>>, vector<1x1024x1xi32>,
    %convert_element_type3A_78 = arith.fptosi %add3A_63 : vector<1024x1xf32> to vector<1024x1xi32>
    %reshape3A_79 = vector.shape_cast %convert_element_type3A_78 : vector<1024x1xi32> to vector<1x1024x1xi32>
    %swap3A_80 = arith.constant 0 : index
    %swap3A_81 = arith.constant 0 : index
    %swap3A_82 = arith.constant 0 : index
    %swap3A_83 = vector.load %arg6[%swap3A_80, %swap3A_81, %swap3A_82] : memref<1x1024x1xi32, #tpu.memory_space<vmem>>, vector<1x1024x1xi32>
    tpu.vector_store %arg6[%swap3A_80, %swap3A_81, %swap3A_82], %reshape3A_79 {strides = array<i32>} : memref<1x1024x1xi32, #tpu.memory_space<vmem>>, vector<1x1024x1xi32>,
    %eq3A_84 = arith.constant 1 : i32
    %eq3A_85 = arith.cmpi eq, %arg0, %eq3A_84 : i32
    %convert_element_type3A_86 = arith.extui %eq3A_85 : i1 to i32
    %cond3A_87 = arith.constant 0 : i32
    %cond3A_88 = arith.cmpi ne, %convert_element_type3A_86, %cond3A_87 : i32
    scf.if %cond3A_88 {
      %get3A_89 = arith.constant 0 : index
      %get3A_90 = arith.constant 0 : index
      %get3A_91 = vector.load %arg9[%get3A_89, %get3A_90] : memref<1x8xf32, #tpu.memory_space<vmem>>, vector<1x8xf32>
      %broadcast_in_dim3A_92 = arith.constant 0.000000e+00 : f32
      %broadcast_in_dim3A_93 = vector.broadcast %broadcast_in_dim3A_92 : f32 to vector<1x8xf32>
      %concatenate3A = tpu.concatenate %get3A_91, %broadcast_in_dim3A_93 in 1 : vector<1x8xf32>, vector<1x8xf32> -> vector<1x16xf32>
      %convert_element_type3A_94 = arith.fptosi %concatenate3A : vector<1x16xf32> to vector<1x16xi32>
      %reshape3A_95 = vector.shape_cast %convert_element_type3A_94 : vector<1x16xi32> to vector<1x1x16xi32>
      %swap3A_96 = arith.constant 0 : index
      %swap3A_97 = arith.constant 0 : index
      %swap3A_98 = arith.constant 0 : index
      %swap3A_99 = vector.load %arg7[%swap3A_96, %swap3A_97, %swap3A_98] : memref<1x1x16xi32, #tpu.memory_space<vmem>>, vector<1x1x16xi32>
      tpu.vector_store %arg7[%swap3A_96, %swap3A_97, %swap3A_98], %reshape3A_95 {strides = array<i32>} : memref<1x1x16xi32, #tpu.memory_space<vmem>>, vector<1x1x16xi32>,
      %mul3A_100 = arith.constant 3.906250e-03 : f32
      %mul3A_101 = vector.broadcast %mul3A_100 : f32 to vector<1x16xf32>
      %mul3A_102 = arith.mulf %concatenate3A, %mul3A_101 : vector<1x16xf32>
      %ceil3A = math.ceil %mul3A_102 : vector<1x16xf32>
      %mul3A_103 = arith.constant 2.560000e+02 : f32
      %mul3A_104 = vector.broadcast %mul3A_103 : f32 to vector<1x16xf32>
      %mul3A_105 = arith.mulf %ceil3A, %mul3A_104 : vector<1x16xf32>
      %iota3A_106 = tpu.iota {dimensions = array<i32: 0>} : vector<16x16xi32>
      %iota3A_107 = tpu.iota {dimensions = array<i32: 1>} : vector<16x16xi32>
      %le3A = arith.cmpi sle, %iota3A_106, %iota3A_107 : vector<16x16xi32>
      %convert_element_type3A_108 = arith.extui %le3A : vector<16x16xi1> to vector<16x16xi32>
      %convert_element_type3A_109 = arith.sitofp %convert_element_type3A_108 : vector<16x16xi32> to vector<16x16xf32>
      %broadcast_in_dim3A_110 = vector.shape_cast %mul3A_105 : vector<1x16xf32> to vector<1x16xf32>
      %broadcast_in_dim3A_111 = vector.broadcast %broadcast_in_dim3A_110 : vector<1x16xf32> to vector<8x16xf32>
      %dot_general3A_112 = arith.constant dense<0.000000e+00> : vector<8x16xf32>
      %dot_general3A_113 = tpu.matmul %broadcast_in_dim3A_111, %convert_element_type3A_109, %dot_general3A_112 {dimension_numbers = #tpu.dot_dimension_numbers<[1], [0], [0], [1], [0, 0, 1, 1], [], []>, transpose_lhs_hint = false} : vector<8x16xf32>, vector<16x16xf32>, vector<8x16xf32> -> vector<8x16xf32>
      %slice3A = vector.extract_strided_slice %dot_general3A_113 {offsets = [0, 0], sizes = [1, 16], strides = [1, 1]} : vector<8x16xf32> to vector<1x16xf32>
      %reduce_max3A_114 = vector.shape_cast %slice3A : vector<1x16xf32> to vector<1x1x16xf32>
      %reduce_max3A_115 = arith.constant dense<0xFF800000> : vector<1xf32>
      %reduce_max3A_116 = vector.multi_reduction <maximumf>, %reduce_max3A_114, %reduce_max3A_115 [1, 2] : vector<1x1x16xf32> to vector<1xf32>
      %reduce_max3A_117 = vector.shape_cast %reduce_max3A_116 : vector<1xf32> to vector<1x1x1xf32>
      %reduce_max3A_118 = vector.extract %reduce_max3A_117[0, 0, 0] : f32 from vector<1x1x1xf32>
      %broadcast_in_dim3A_119 = vector.broadcast %reduce_max3A_118 : f32 to vector<1x1xf32>
      %mul3A_120 = arith.constant 3.906250e-03 : f32
      %mul3A_121 = vector.broadcast %mul3A_120 : f32 to vector<1x1xf32>
      %mul3A_122 = arith.mulf %broadcast_in_dim3A_119, %mul3A_121 : vector<1x1xf32>
      %sub3A = arith.constant 1.000000e+00 : f32
      %sub3A_123 = vector.broadcast %sub3A : f32 to vector<1x1xf32>
      %sub3A_124 = arith.subf %mul3A_122, %sub3A_123 : vector<1x1xf32>
      %iota3A_125 = tpu.iota {dimensions = array<i32: 0>} : vector<32x1xi32>
      %convert_element_type3A_126 = arith.sitofp %iota3A_125 : vector<32x1xi32> to vector<32x1xf32>
      %min3A = vector.broadcast %sub3A_124 : vector<1x1xf32> to vector<32x1xf32>
      %min3A_127 = arith.minimumf %convert_element_type3A_126, %min3A : vector<32x1xf32>
      %mul3A_128 = arith.constant 2.560000e+02 : f32
      %mul3A_129 = vector.broadcast %mul3A_128 : f32 to vector<32x1xf32>
      %mul3A_130 = arith.mulf %min3A_127, %mul3A_129 : vector<32x1xf32>
      %le3A_131 = vector.broadcast %slice3A : vector<1x16xf32> to vector<32x16xf32>
      %le3A_132 = vector.broadcast %mul3A_130 : vector<32x1xf32> to vector<32x16xf32>
      %le3A_133 = arith.cmpf ole, %le3A_131, %le3A_132 : vector<32x16xf32>
      %convert_element_type3A_134 = arith.extui %le3A_133 : vector<32x16xi1> to vector<32x16xi32>
      %convert_element_type3A_135 = arith.sitofp %convert_element_type3A_134 : vector<32x16xi32> to vector<32x16xf32>
      %reduce_sum3A_136 = arith.constant dense<0.000000e+00> : vector<32xf32>
      %reduce_sum3A_137 = vector.multi_reduction <add>, %convert_element_type3A_135, %reduce_sum3A_136 [1] : vector<32x16xf32> to vector<32xf32>
      %broadcast_in_dim3A_138 = vector.shape_cast %reduce_sum3A_137 : vector<32xf32> to vector<32x1xf32>
      %iota3A_139 = tpu.iota {dimensions = array<i32: 0>} : vector<32x32xi32>
      %iota3A_140 = tpu.iota {dimensions = array<i32: 1>} : vector<32x32xi32>
      %eq3A_141 = arith.cmpi eq, %iota3A_139, %iota3A_140 : vector<32x32xi32>
      %convert_element_type3A_142 = arith.extui %eq3A_141 : vector<32x32xi1> to vector<32x32xi32>
      %convert_element_type3A_143 = arith.sitofp %convert_element_type3A_142 : vector<32x32xi32> to vector<32x32xf32>
      %dot_general3A_144 = arith.constant dense<0.000000e+00> : vector<1x32xf32>
      %dot_general3A_145 = tpu.matmul %broadcast_in_dim3A_138, %convert_element_type3A_143, %dot_general3A_144 {dimension_numbers = #tpu.dot_dimension_numbers<[0], [0], [1], [1], [0, 1, 1, 1], [], []>, transpose_lhs_hint = false} : vector<32x1xf32>, vector<32x32xf32>, vector<1x32xf32> -> vector<1x32xf32>
      %dot_general3A_146 = arith.constant dense<0.000000e+00> : vector<1x32xf32>
      %dot_general3A_147 = tpu.matmul %min3A_127, %convert_element_type3A_143, %dot_general3A_146 {dimension_numbers = #tpu.dot_dimension_numbers<[0], [0], [1], [1], [0, 1, 1, 1], [], []>, transpose_lhs_hint = false} : vector<32x1xf32>, vector<32x32xf32>, vector<1x32xf32> -> vector<1x32xf32>
      %broadcast_in_dim3A_148 = arith.constant 0.000000e+00 : f32
      %broadcast_in_dim3A_149 = vector.broadcast %broadcast_in_dim3A_148 : f32 to vector<6x32xf32>
      %concatenate3A_150 = tpu.concatenate %dot_general3A_145, %dot_general3A_147, %broadcast_in_dim3A_149 in 0 : vector<1x32xf32>, vector<1x32xf32>, vector<6x32xf32> -> vector<8x32xf32>
      %convert_element_type3A_151 = arith.fptosi %concatenate3A_150 : vector<8x32xf32> to vector<8x32xi32>
      %swap3A_152 = arith.constant 0 : index
      %swap3A_153 = arith.constant 0 : index
      %swap3A_154 = vector.load %arg8[%swap3A_152, %swap3A_153] : memref<8x32xi32, #tpu.memory_space<vmem>>, vector<8x32xi32>
      tpu.vector_store %arg8[%swap3A_152, %swap3A_153], %convert_element_type3A_151 {strides = array<i32>} : memref<8x32xi32, #tpu.memory_space<vmem>>, vector<8x32xi32>,
    } else {
    }
    return
  }
  func.func @transform_0(%arg0: i32) -> (i32, i32) {
    %c0_i32 = arith.constant 0 : i32
    %c0_i32_0 = arith.constant 0 : i32
    return %arg0, %c0_i32 : i32, i32
  }
  func.func @transform_1(%arg0: i32) -> (i32, i32) {
    %c0_i32 = arith.constant 0 : i32
    %c0_i32_0 = arith.constant 0 : i32
    %c0_i32_1 = arith.constant 0 : i32
    return %c0_i32, %c0_i32_0 : i32, i32
  }
  func.func @transform_2(%arg0: i32) -> (i32, i32) {
    %c0_i32 = arith.constant 0 : i32
    %c0_i32_0 = arith.constant 0 : i32
    return %arg0, %c0_i32 : i32, i32
  }
  func.func @transform_3(%arg0: i32) -> (i32, i32) {
    %c0_i32 = arith.constant 0 : i32
    %c0_i32_0 = arith.constant 0 : i32
    return %arg0, %c0_i32 : i32, i32
  }
  func.func @transform_4(%arg0: i32) -> (i32, i32, i32) {
    %c0_i32 = arith.constant 0 : i32
    %c0_i32_0 = arith.constant 0 : i32
    %c0_i32_1 = arith.constant 0 : i32
    return %arg0, %c0_i32, %c0_i32_0 : i32, i32, i32
  }
  func.func @transform_5(%arg0: i32) -> (i32, i32, i32) {
    %c0_i32 = arith.constant 0 : i32
    %c0_i32_0 = arith.constant 0 : i32
    %c0_i32_1 = arith.constant 0 : i32
    return %arg0, %c0_i32, %c0_i32_0 : i32, i32, i32
  }
  func.func @transform_6(%arg0: i32) -> (i32, i32, i32) {
    %c0_i32 = arith.constant 0 : i32
    %c0_i32_0 = arith.constant 0 : i32
    %c0_i32_1 = arith.constant 0 : i32
    %c0_i32_2 = arith.constant 0 : i32
    return %c0_i32, %c0_i32_0, %c0_i32_1 : i32, i32, i32
  }
  func.func @transform_7(%arg0: i32) -> (i32, i32) {
    %c0_i32 = arith.constant 0 : i32
    %c0_i32_0 = arith.constant 0 : i32
    %c0_i32_1 = arith.constant 0 : i32
    return %c0_i32, %c0_i32_0 : i32, i32
  }
}

module attributes {stable_mosaic.version = 14 : i64} {
  func.func @body(%arg0: i32, %arg1: memref<256x1024xf32, #tpu.memory_space<vmem>>, %arg2: memref<1024x1024xf32, #tpu.memory_space<vmem>>, %arg3: memref<1024x1024xf32, #tpu.memory_space<vmem>>, %arg4: memref<1024x1024xf32, #tpu.memory_space<vmem>>, %arg5: memref<256x1024xf32, #tpu.memory_space<vmem>>) attributes {dimension_semantics = [#tpu.dimension_semantics<arbitrary>], iteration_bounds = array<i64: 8>, scalar_prefetch = 0 : i64, scratch_operands = 0 : i64, tpu.core_type = #tpu.core_type<tc>, window_params = [{transform_indices = @transform_0, window_bounds = array<i64: 256, 1024>}, {pipeline_mode = #tpu.pipeline_mode<synchronous>, transform_indices = @transform_1, window_bounds = array<i64: 1024, 1024>}, {pipeline_mode = #tpu.pipeline_mode<synchronous>, transform_indices = @transform_2, window_bounds = array<i64: 1024, 1024>}, {pipeline_mode = #tpu.pipeline_mode<synchronous>, transform_indices = @transform_3, window_bounds = array<i64: 1024, 1024>}, {transform_indices = @transform_4, window_bounds = array<i64: 256, 1024>}]} {
    %get3A = arith.constant 0 : index
    %get3A_0 = arith.constant 0 : index
    %get3A_1 = vector.load %arg1[%get3A, %get3A_0] : memref<256x1024xf32, #tpu.memory_space<vmem>>, vector<256x1024xf32>
    %get3A_2 = arith.constant 0 : index
    %get3A_3 = arith.constant 0 : index
    %get3A_4 = vector.load %arg2[%get3A_2, %get3A_3] : memref<1024x1024xf32, #tpu.memory_space<vmem>>, vector<1024x1024xf32>
    %dot_general3A = arith.constant dense<0.000000e+00> : vector<256x1024xf32>
    %dot_general3A_5 = tpu.matmul %get3A_1, %get3A_4, %dot_general3A {dimension_numbers = #tpu.dot_dimension_numbers<[1], [0], [0], [1], [0, 0, 1, 1], [], []>, transpose_lhs_hint = false} : vector<256x1024xf32>, vector<1024x1024xf32>, vector<256x1024xf32> -> vector<256x1024xf32>
    %get3A_6 = arith.constant 0 : index
    %get3A_7 = arith.constant 0 : index
    %get3A_8 = vector.load %arg3[%get3A_6, %get3A_7] : memref<1024x1024xf32, #tpu.memory_space<vmem>>, vector<1024x1024xf32>
    %dot_general3A_9 = arith.constant dense<0.000000e+00> : vector<256x1024xf32>
    %dot_general3A_10 = tpu.matmul %get3A_1, %get3A_8, %dot_general3A_9 {dimension_numbers = #tpu.dot_dimension_numbers<[1], [0], [0], [1], [0, 0, 1, 1], [], []>, transpose_lhs_hint = false} : vector<256x1024xf32>, vector<1024x1024xf32>, vector<256x1024xf32> -> vector<256x1024xf32>
    %neg3A = arith.constant 0.000000e+00 : f32
    %neg3A_11 = vector.broadcast %neg3A : f32 to vector<256x1024xf32>
    %neg3A_12 = arith.subf %neg3A_11, %dot_general3A_5 : vector<256x1024xf32>
    %exp3A = math.exp %neg3A_12 : vector<256x1024xf32>
    %add3A = arith.constant 1.000000e+00 : f32
    %add3A_13 = vector.broadcast %add3A : f32 to vector<256x1024xf32>
    %add3A_14 = arith.addf %add3A_13, %exp3A : vector<256x1024xf32>
    %div3A = arith.constant 1.000000e+00 : f32
    %div3A_15 = vector.broadcast %div3A : f32 to vector<256x1024xf32>
    %div3A_16 = arith.divf %div3A_15, %add3A_14 : vector<256x1024xf32>
    %mul3A = arith.mulf %dot_general3A_5, %div3A_16 : vector<256x1024xf32>
    %mul3A_17 = arith.mulf %mul3A, %dot_general3A_10 : vector<256x1024xf32>
    %get3A_18 = arith.constant 0 : index
    %get3A_19 = arith.constant 0 : index
    %get3A_20 = vector.load %arg4[%get3A_18, %get3A_19] : memref<1024x1024xf32, #tpu.memory_space<vmem>>, vector<1024x1024xf32>
    %dot_general3A_21 = arith.constant dense<0.000000e+00> : vector<256x1024xf32>
    %dot_general3A_22 = tpu.matmul %mul3A_17, %get3A_20, %dot_general3A_21 {dimension_numbers = #tpu.dot_dimension_numbers<[1], [0], [0], [1], [0, 0, 1, 1], [], []>, transpose_lhs_hint = false} : vector<256x1024xf32>, vector<1024x1024xf32>, vector<256x1024xf32> -> vector<256x1024xf32>
    %swap3A = arith.constant 0 : index
    %swap3A_23 = arith.constant 0 : index
    %swap3A_24 = vector.load %arg5[%swap3A, %swap3A_23] : memref<256x1024xf32, #tpu.memory_space<vmem>>, vector<256x1024xf32>
    tpu.vector_store %arg5[%swap3A, %swap3A_23], %dot_general3A_22 {strides = array<i32>} : memref<256x1024xf32, #tpu.memory_space<vmem>>, vector<256x1024xf32>,
    return
  }
  func.func @transform_0(%arg0: i32) -> (i32, i32) {
    %c0_i32 = arith.constant 0 : i32
    %c0_i32_0 = arith.constant 0 : i32
    return %arg0, %c0_i32 : i32, i32
  }
  func.func @transform_1(%arg0: i32) -> (i32, i32) {
    %c0_i32 = arith.constant 0 : i32
    %c0_i32_0 = arith.constant 0 : i32
    %c0_i32_1 = arith.constant 0 : i32
    return %c0_i32, %c0_i32_0 : i32, i32
  }
  func.func @transform_2(%arg0: i32) -> (i32, i32) {
    %c0_i32 = arith.constant 0 : i32
    %c0_i32_0 = arith.constant 0 : i32
    %c0_i32_1 = arith.constant 0 : i32
    return %c0_i32, %c0_i32_0 : i32, i32
  }
  func.func @transform_3(%arg0: i32) -> (i32, i32) {
    %c0_i32 = arith.constant 0 : i32
    %c0_i32_0 = arith.constant 0 : i32
    %c0_i32_1 = arith.constant 0 : i32
    return %c0_i32, %c0_i32_0 : i32, i32
  }
  func.func @transform_4(%arg0: i32) -> (i32, i32) {
    %c0_i32 = arith.constant 0 : i32
    %c0_i32_0 = arith.constant 0 : i32
    return %arg0, %c0_i32 : i32, i32
  }
}

module attributes {stable_mosaic.version = 14 : i64} {
  func.func @body(%arg0: i32, %arg1: memref<8x32xi32, #tpu.memory_space<smem>>, %arg2: memref<256x1024xf32, #tpu.memory_space<vmem>>, %arg3: memref<1x1024x1024xf32, #tpu.memory_space<vmem>>, %arg4: memref<1x1024x1024xf32, #tpu.memory_space<vmem>>, %arg5: memref<1x1024x1024xf32, #tpu.memory_space<vmem>>, %arg6: memref<256x1024xf32, #tpu.memory_space<vmem>>) attributes {dimension_semantics = [#tpu.dimension_semantics<arbitrary>], iteration_bounds = array<i64: 16>, scalar_prefetch = 1 : i64, scratch_operands = 0 : i64, tpu.core_type = #tpu.core_type<tc>, window_params = [{transform_indices = @transform_0, window_bounds = array<i64: 256, 1024>}, {transform_indices = @transform_1, window_bounds = array<i64: 1, 1024, 1024>}, {transform_indices = @transform_2, window_bounds = array<i64: 1, 1024, 1024>}, {transform_indices = @transform_3, window_bounds = array<i64: 1, 1024, 1024>}, {transform_indices = @transform_4, window_bounds = array<i64: 256, 1024>}]} {
    %get3A = arith.constant 1 : index
    %get3A_0 = arith.index_cast %arg0 : i32 to index
    %get3A_1 = memref.load %arg1[%get3A, %get3A_0] : memref<8x32xi32, #tpu.memory_space<smem>>
    %eq3A = arith.cmpi eq, %arg0, %get3A_1 : i32
    %convert_element_type3A = arith.extui %eq3A : i1 to i32
    %cond3A = arith.constant 0 : i32
    %cond3A_2 = arith.cmpi ne, %convert_element_type3A, %cond3A : i32
    scf.if %cond3A_2 {
      %get3A_3 = arith.constant 0 : index
      %get3A_4 = arith.constant 0 : index
      %get3A_5 = vector.load %arg2[%get3A_3, %get3A_4] : memref<256x1024xf32, #tpu.memory_space<vmem>>, vector<256x1024xf32>
      %get3A_6 = arith.constant 0 : index
      %get3A_7 = arith.constant 0 : index
      %get3A_8 = arith.constant 0 : index
      %get3A_9 = vector.load %arg3[%get3A_6, %get3A_7, %get3A_8] : memref<1x1024x1024xf32, #tpu.memory_space<vmem>>, vector<1x1024x1024xf32>
      %get3A_10 = vector.shape_cast %get3A_9 : vector<1x1024x1024xf32> to vector<1024x1024xf32>
      %dot_general3A = arith.constant dense<0.000000e+00> : vector<256x1024xf32>
      %dot_general3A_11 = tpu.matmul %get3A_5, %get3A_10, %dot_general3A {dimension_numbers = #tpu.dot_dimension_numbers<[1], [0], [0], [1], [0, 0, 1, 1], [], []>, transpose_lhs_hint = false} : vector<256x1024xf32>, vector<1024x1024xf32>, vector<256x1024xf32> -> vector<256x1024xf32>
      %get3A_12 = arith.constant 0 : index
      %get3A_13 = arith.constant 0 : index
      %get3A_14 = arith.constant 0 : index
      %get3A_15 = vector.load %arg4[%get3A_12, %get3A_13, %get3A_14] : memref<1x1024x1024xf32, #tpu.memory_space<vmem>>, vector<1x1024x1024xf32>
      %get3A_16 = vector.shape_cast %get3A_15 : vector<1x1024x1024xf32> to vector<1024x1024xf32>
      %dot_general3A_17 = arith.constant dense<0.000000e+00> : vector<256x1024xf32>
      %dot_general3A_18 = tpu.matmul %get3A_5, %get3A_16, %dot_general3A_17 {dimension_numbers = #tpu.dot_dimension_numbers<[1], [0], [0], [1], [0, 0, 1, 1], [], []>, transpose_lhs_hint = false} : vector<256x1024xf32>, vector<1024x1024xf32>, vector<256x1024xf32> -> vector<256x1024xf32>
      %neg3A = arith.constant 0.000000e+00 : f32
      %neg3A_19 = vector.broadcast %neg3A : f32 to vector<256x1024xf32>
      %neg3A_20 = arith.subf %neg3A_19, %dot_general3A_11 : vector<256x1024xf32>
      %exp3A = math.exp %neg3A_20 : vector<256x1024xf32>
      %add3A = arith.constant 1.000000e+00 : f32
      %add3A_21 = vector.broadcast %add3A : f32 to vector<256x1024xf32>
      %add3A_22 = arith.addf %add3A_21, %exp3A : vector<256x1024xf32>
      %div3A = arith.constant 1.000000e+00 : f32
      %div3A_23 = vector.broadcast %div3A : f32 to vector<256x1024xf32>
      %div3A_24 = arith.divf %div3A_23, %add3A_22 : vector<256x1024xf32>
      %mul3A = arith.mulf %dot_general3A_11, %div3A_24 : vector<256x1024xf32>
      %mul3A_25 = arith.mulf %mul3A, %dot_general3A_18 : vector<256x1024xf32>
      %get3A_26 = arith.constant 0 : index
      %get3A_27 = arith.constant 0 : index
      %get3A_28 = arith.constant 0 : index
      %get3A_29 = vector.load %arg5[%get3A_26, %get3A_27, %get3A_28] : memref<1x1024x1024xf32, #tpu.memory_space<vmem>>, vector<1x1024x1024xf32>
      %get3A_30 = vector.shape_cast %get3A_29 : vector<1x1024x1024xf32> to vector<1024x1024xf32>
      %dot_general3A_31 = arith.constant dense<0.000000e+00> : vector<256x1024xf32>
      %dot_general3A_32 = tpu.matmul %mul3A_25, %get3A_30, %dot_general3A_31 {dimension_numbers = #tpu.dot_dimension_numbers<[1], [0], [0], [1], [0, 0, 1, 1], [], []>, transpose_lhs_hint = false} : vector<256x1024xf32>, vector<1024x1024xf32>, vector<256x1024xf32> -> vector<256x1024xf32>
      %swap3A = arith.constant 0 : index
      %swap3A_33 = arith.constant 0 : index
      %swap3A_34 = vector.load %arg6[%swap3A, %swap3A_33] : memref<256x1024xf32, #tpu.memory_space<vmem>>, vector<256x1024xf32>
      tpu.vector_store %arg6[%swap3A, %swap3A_33], %dot_general3A_32 {strides = array<i32>} : memref<256x1024xf32, #tpu.memory_space<vmem>>, vector<256x1024xf32>,
    } else {
    }
    return
  }
  func.func @transform_0(%arg0: i32, %arg1: memref<8x32xi32, #tpu.memory_space<smem>>) -> (i32, i32) {
    %get3A = arith.constant 1 : index
    %get3A_0 = arith.index_cast %arg0 : i32 to index
    %get3A_1 = memref.load %arg1[%get3A, %get3A_0] : memref<8x32xi32, #tpu.memory_space<smem>>
    %c0_i32 = arith.constant 0 : i32
    %c0_i32_2 = arith.constant 0 : i32
    return %get3A_1, %c0_i32 : i32, i32
  }
  func.func @transform_1(%arg0: i32, %arg1: memref<8x32xi32, #tpu.memory_space<smem>>) -> (i32, i32, i32) {
    %get3A = arith.constant 0 : index
    %get3A_0 = arith.index_cast %arg0 : i32 to index
    %get3A_1 = memref.load %arg1[%get3A, %get3A_0] : memref<8x32xi32, #tpu.memory_space<smem>>
    %c0_i32 = arith.constant 0 : i32
    %c0_i32_2 = arith.constant 0 : i32
    %c0_i32_3 = arith.constant 0 : i32
    return %get3A_1, %c0_i32, %c0_i32_2 : i32, i32, i32
  }
  func.func @transform_2(%arg0: i32, %arg1: memref<8x32xi32, #tpu.memory_space<smem>>) -> (i32, i32, i32) {
    %get3A = arith.constant 0 : index
    %get3A_0 = arith.index_cast %arg0 : i32 to index
    %get3A_1 = memref.load %arg1[%get3A, %get3A_0] : memref<8x32xi32, #tpu.memory_space<smem>>
    %c0_i32 = arith.constant 0 : i32
    %c0_i32_2 = arith.constant 0 : i32
    %c0_i32_3 = arith.constant 0 : i32
    return %get3A_1, %c0_i32, %c0_i32_2 : i32, i32, i32
  }
  func.func @transform_3(%arg0: i32, %arg1: memref<8x32xi32, #tpu.memory_space<smem>>) -> (i32, i32, i32) {
    %get3A = arith.constant 0 : index
    %get3A_0 = arith.index_cast %arg0 : i32 to index
    %get3A_1 = memref.load %arg1[%get3A, %get3A_0] : memref<8x32xi32, #tpu.memory_space<smem>>
    %c0_i32 = arith.constant 0 : i32
    %c0_i32_2 = arith.constant 0 : i32
    %c0_i32_3 = arith.constant 0 : i32
    return %get3A_1, %c0_i32, %c0_i32_2 : i32, i32, i32
  }
  func.func @transform_4(%arg0: i32, %arg1: memref<8x32xi32, #tpu.memory_space<smem>>) -> (i32, i32) {
    %get3A = arith.constant 1 : index
    %get3A_0 = arith.index_cast %arg0 : i32 to index
    %get3A_1 = memref.load %arg1[%get3A, %get3A_0] : memref<8x32xi32, #tpu.memory_space<smem>>
    %c0_i32 = arith.constant 0 : i32
    %c0_i32_2 = arith.constant 0 : i32
    return %get3A_1, %c0_i32 : i32, i32
  }
}

</mosaic_0001>

<sc_bundles>
// kernel: kernel.10.cloned.1.call-start
scs
__scs_entry_jumppad:
0x0: {  	(pc) =	sbr.rel $0x88, $3  }
0x1: {  	(tag) =	ssettag $0x0;
	lr =	simm.s32 $0x1  }
0x2: {  	[smem:$0x3F99] =	sst lr;
	_ =	strace $0xD0000000  }
0x3: {  	_ = 	snop  }
0x4: {  	_ = 	snop  }
0x5: {  	_ = 	snop  }
0x6: {  	_ = 	snop  }
0x7: {  	_ = 	snop  }
__scs_overlays_trampoline_lowered:
0x8: {  	[smem:$0x3FA8] =	sst s0  }
0x9: {  	[smem:$0x3FA9] =	sst s1  }
0xa: {  	[smem:$0x3FAA] =	sst s2  }
0xb: {  	[smem:$0x3FAB] =	sst s3  }
0xc: {  	[smem:$0x3FAC] =	sst s4  }
0xd: {  	[smem:$0x3FAD] =	sst s5  }
0xe: {  	[smem:$0x3FAE] =	sst s6  }
0xf: {  	[smem:$0x3FAF] =	sst s7  }
0x10: {  	[smem:$0x3FB0] =	sst s8  }
0x11: {  	[smem:$0x3FB1] =	sst s9;
	s0 =	simm.s32 @!p0 $0x0  }
0x12: {  	s1 =	sld [smem:$0x3F97];
	s0 =	simm.s32 @p0 $0x1  }
0x13: {  	[smem:$0x3FB2] =	sst s0;
	s0 =	simm.s32 @!p1 $0x0  }
0x14: {  	s2 =	sld [smem:$0x3F96];
	s0 =	simm.s32 @p1 $0x1  }
0x15: {  	[smem:$0x3FB3] =	sst s0;
	s0 =	simm.s32 @!p2 $0x0  }
0x16: {  	s3 =	sld [smem:$0x3FDB];
	s0 =	simm.s32 @p2 $0x1  }
0x17: {  	s4 =	simm.s32 $0x1BF5;
	[smem:$0x3FB5] =	sst s0  }
0x18: {  	s0 =	sld [smem:$0x3F98];
	_ =	swait.ge [sflag:s4], $0x0  }
0x19: {  	s7 =	sld [smem:$0x3F99]  }
0x1a: {  	s8 =	sadd.s32 $0xFFFFE003, lr  }
0x1b: {  	s9 =	sadd.s32 $0xFFFFFEF7, lr;
	s5 =	simm.s32 $0xFFFFFFFF;
	p2 =	slt.u32 s8, $0xFFFFF086  }
0x1c: {  	p1 =	slt.u32 s9, $0xF7A;
	s5 =	simm.s32 @!p2 $0x0  }
0x1d: {  	s5 =	simm.s32 @p1 $0x1;
	p0 =	seq.s32 s7, s2  }
0x1e: {  	s7 =	smul.u32 @!p0 $0xF7A, s2;
	p2 =	seq.s32 @!p0 s5, $0x0  }
0x1f: {  	s9 =	smul.u32 $0xF7A, s1;
	s8 =	simm.s32 @!p0 $0x1BF5;
	p2 =	por !p2, p0  }
0x20: {  	[sflag:s8] =	ssyncset.s32 @!p0 $0xFFFFF086;
	s6 =	sadd.s32 @!p0 s3, s7;
	s7 =	simm.s32 @!p0 $0x108  }
0x21: {  	s3 =	sadd.s32 s3, s9;
	s6 =	sadd.s32 @!p0 $0x88, s6;
	s7 =	simm.s32 @p2 $0x1082  }
0x22: {  	[simem:s7], [sflag:s8] =	dma.local @!p0 [hbm:s6], $0xF7A  }
0x23: {  	s9 =	sor.u32 $0xD0000000, s2;
	s6 =	simm.s32 $0x108;
	_ =	swait.ge @!p0 [sflag:s8], $0x0  }
0x24: {  	s3 =	sadd.s32 $0x88, s3;
	s6 =	simm.s32 @!p1 $0x1082;
	[sflag:s4] =	ssyncset.s32 $0xFFFFF086  }
0x25: {  	[simem:s6], [sflag:s4] =	dma.local [hbm:s3], $0xF7A  }
0x26: {  	[smem:$0x3F99] =	sst s1;
	(tag) =	ssettag s2;
	_ =	strace s9  }
0x27: {  	s1 =	sld [smem:$0x3FA9]  }
0x28: {  	s2 =	sld [smem:$0x3FAA]  }
0x29: {  	s4 =	sld [smem:$0x3FAC]  }
0x2a: {  	p0 =	seq.s32 s5, $0x0;
	s5 =	sld [smem:$0x3FAD]  }
0x2b: {  	s6 =	sld [smem:$0x3FAE]  }
0x2c: {  	s7 =	sld [smem:$0x3FAF]  }
0x2d: {  	s3 =	simm.s32 $0x108;
	s8 =	sld [smem:$0x3FB0]  }
0x2e: {  	s3 =	simm.s32 @!p0 $0x1082;
	s9 =	sld [smem:$0x3FB1]  }
0x2f: {  	lr =	sadd.s32 s0, s3;
	s0 =	sld [smem:$0x3FA8]  }
0x30: {  	s3 =	sld [smem:$0x3FAB]  }
0x31: {  	[smem:$0x3FB4] =	sst s10  }
0x32: {  	s10 =	sld [smem:$0x3FB2];
	_ =	sdelay $0x3  }
0x33: {  	p0 =	seq.s32 s10, $0x1;
	s10 =	sld [smem:$0x3FB4];
	_ =	sdelay $0x3  }
0x34: {  	[smem:$0x3FB4] =	sst s10  }
0x35: {  	s10 =	sld [smem:$0x3FB3];
	_ =	sdelay $0x3  }
0x36: {  	p1 =	seq.s32 s10, $0x1;
	s10 =	sld [smem:$0x3FB4];
	_ =	sdelay $0x3  }
0x37: {  	[smem:$0x3FB4] =	sst s10  }
0x38: {  	s10 =	sld [smem:$0x3FB5]  }
0x39: {  	_ = 	snop;
	(pc) =	sbr.ind lr, $3  }
0x3a: {  	_ = 	snop  }
0x3b: {  	_ = 	snop  }
0x3c: {  	p2 =	seq.s32 s10, $0x1;
	s10 =	sld [smem:$0x3FB4]  }
0x3d: {  	_ =	shalt  }
0x3e: {  	_ =	shalt  }
0x3f: {  	_ =	shalt  }
0x40: {  	_ =	shalt  }
0x41: {  	_ =	shalt  }
0x42: {  	_ =	shalt  }
0x43: {  	_ =	shalt  }
0x44: {  	_ =	shalt  }
0x45: {  	_ =	shalt  }
0x46: {  	_ =	shalt  }
0x47: {  	_ =	shalt  }
0x48: {  	_ =	shalt  }
0x49: {  	_ =	shalt  }
0x4a: {  	_ =	shalt  }
0x4b: {  	_ =	shalt  }
0x4c: {  	_ =	shalt  }
0x4d: {  	_ =	shalt  }
0x4e: {  	_ =	shalt  }
0x4f: {  	_ =	shalt  }
0x50: {  	_ =	shalt  }
0x51: {  	_ =	shalt  }
0x52: {  	_ =	shalt  }
0x53: {  	_ =	shalt  }
0x54: {  	_ =	shalt  }
0x55: {  	_ =	shalt  }
0x56: {  	_ =	shalt  }
0x57: {  	_ =	shalt  }
0x58: {  	_ =	shalt  }
0x59: {  	_ =	shalt  }
0x5a: {  	_ =	shalt  }
0x5b: {  	_ =	shalt  }
0x5c: {  	_ =	shalt  }
0x5d: {  	_ =	shalt  }
0x5e: {  	_ =	shalt  }
0x5f: {  	_ =	shalt  }
0x60: {  	_ =	shalt  }
0x61: {  	_ =	shalt  }
0x62: {  	_ =	shalt  }
0x63: {  	_ =	shalt  }
0x64: {  	_ =	shalt  }
0x65: {  	_ =	shalt  }
0x66: {  	_ =	shalt  }
0x67: {  	_ =	shalt  }
0x68: {  	_ =	shalt  }
0x69: {  	_ =	shalt  }
0x6a: {  	_ =	shalt  }
0x6b: {  	_ =	shalt  }
0x6c: {  	_ =	shalt  }
0x6d: {  	_ =	shalt  }
0x6e: {  	_ =	shalt  }
0x6f: {  	_ =	shalt  }
0x70: {  	_ =	shalt  }
0x71: {  	_ =	shalt  }
0x72: {  	_ =	shalt  }
0x73: {  	_ =	shalt  }
0x74: {  	_ =	shalt  }
0x75: {  	_ =	shalt  }
0x76: {  	_ =	shalt  }
0x77: {  	_ =	shalt  }
0x78: {  	_ =	shalt  }
0x79: {  	_ =	shalt  }
0x7a: {  	_ =	shalt  }
0x7b: {  	_ =	shalt  }
0x7c: {  	_ =	shalt  }
0x7d: {  	_ =	shalt  }
0x7e: {  	_ =	shalt  }
0x7f: {  	_ =	shalt  }
0x80: {  	_ =	shalt  }
0x81: {  	_ =	shalt  }
0x82: {  	_ =	shalt  }
0x83: {  	_ =	shalt  }
0x84: {  	_ =	shalt  }
0x85: {  	_ =	shalt  }
0x86: {  	_ =	shalt  }
0x87: {  	_ =	shalt  }
.Lfunc_end0:
.L_simem_size_0:
called_computation.1_lowered:
.L_overlay_start_0:
0x88: {  	s2 =	sld [smem:$0x3FD9]  }
0x89: {  	s3 =	sld [smem:$0x3FFE];
	_ =	sdelay $0x1  }
0x8a: {  	s1 =	srdreg.scid  }
0x8b: {  	s0 =	sand.u32 $0x1, s1  }
0x8c: {  	s14 =	sshll.u32 s0, $0xA;
	s2 =	sadd.s32 s3, s2  }
0x8d: {  	s2 =	sadd.s32 s2, s14  }
0x8e: {  	[smem:$0x3FC0] =	sst s2  }
0x8f: {  	_ = 	snop  }
0x90: {  	s2 =	sld [smem:$0x3FD0];
	_ =	sdelay $0x2  }
0x91: {  	s15 =	simm.s32 $0xA;
	s4 =	simm.s32 $0x10  }
0x92: {  	[smem:s4], [sflag:s15] =	dma.local [hbm:s2], $0x1  }
0x93: {  	_ =	swait.eq [sflag:s15], $0x1  }
0x94: {  	[sflag:s15] =	ssyncset.done $0x0  }
0x95: {  	[sflag:s15] =	ssyncadd.s32 $0xFFFFFFFF  }
0x96: {  	s16 =	sld [smem:$0x10];
	(tm) =	ssettm $0x1  }
0x97: {  	s17 =	sld [smem:$0x3FFB];
	_ =	sdelay $0x3  }
0x98: {  	_ =	strace s17  }
0x99: {  	s3 =	sld [smem:$0x3FFC];
	_ =	sdelay $0x3  }
0x9a: {  	_ =	strace s3  }
0x9b: {  	s3 =	sld [smem:$0x3FFD];
	_ =	sdelay $0x3  }
0x9c: {  	_ =	strace s3  }
0x9d: {  	_ =	strace $0x8FFFFFFF  }
0x9e: {  	s18 =	sld [smem:$0x3FDB];
	_ =	sdelay $0x1  }
0x9f: {  	s19 =	simm.s32 $_scs_section_size  }
0xa0: {  	s5 =	simm.s32 $_size__tile_overlayer_lowered;
	s6 =	simm.s32 $_tile_overlayer_lowered  }
0xa1: {  	s22 =	simm.s32 $0x1BFF;
	s21 =	sshll.u32 s6, $0x1;
	s3 =	sadd.s32 s19, s18  }
0xa2: {  	s7 =	simm.s32 $0x0;
	s20 =	sshll.u32 s5, $0x1;
	s5 =	sadd.s32 s21, s3  }
0xa3: {  	[timem:s7], [sflag:s22] =	dma.local [hbm:s5], s20  }
0xa4: {  	_ =	swait.ge [sflag:s22], s20  }
0xa5: {  	s4 =	ssub.s32 $0x0, s20;
	[sflag:s22] =	ssyncset.done $0x0  }
0xa6: {  	[sflag:s22] =	ssyncadd.s32 s4;
	_ =	sdelay $0x1  }
0xa7: {  	s23 =	simm.s32 $0x1B8B  }
0xa8: {  	_ =	swait.ge [sflag:s23], $0x1  }
0xa9: {  	[sflag:s23] =	ssyncset.done $0x0  }
0xaa: {  	s25 =	simm.s32 $0x1B8E;
	s24 =	sld [smem:$0x3FFE];
	[sflag:s23] =	ssyncadd.s32 $0xFFFFFFFF  }
0xab: {  	s26 =	simm.s32 $execute0_lowered;
	[smem:$0x3FD2] =	sst s25  }
0xac: {  	s5 =	sshll.u32 s26, $0x1;
	_ =	strace $0x80000049;
	[dreg:$0x1] =	wrdreg $0xFFFFFFFF  }
0xad: {  	s28 =	simm.s32 $_size_execute0_lowered;
	s3 =	sadd.s32 s3, s5;
	[dreg:$0x0] =	wrdreg $0x0  }
0xae: {  	s5 =	sshll.u32 s28, $0x1;
	[dreg:$0x2] =	wrdreg s3  }
0xaf: {  	[dreg:$0x3] =	wrdreg s5  }
0xb0: {  	[dreg:$0x4] =	wrdreg $0xC0  }
0xb1: {  	_ =	task [dreg:s7], $0x5FFFF  }
0xb2: {  	[dreg:$0x1] =	wrdreg $0xFFFFFFFF  }
0xb3: {  	[dreg:$0x0] =	wrdreg $0x60  }
0xb4: {  	[dreg:$0x2] =	wrdreg s24  }
0xb5: {  	[dreg:$0x3] =	wrdreg s16  }
0xb6: {  	[dreg:$0x4] =	wrdreg $0x9  }
0xb7: {  	_ =	task.clear_ibuf [dreg:s7], $0x5FFFF;
	_ =	strace $0x90000049  }
0xb8: {  	s29 =	simm.s32 $0x9;
	_ =	strace $0x8000004B  }
0xb9: {  	_ =	swait.ge [sflag:s29], $0x1  }
0xba: {  	[sflag:s29] =	ssyncadd.s32 $0xFFFFFFFF  }
0xbb: {  	_ =	strace $0x9000004B  }
0xbc: {  	_ =	sfence  }
0xbd: {  	s30 =	sld [smem:$0x0];
	_ =	sdelay $0x2  }
0xbe: {  	s31 =	sshll.u32 s1, $0xD;
	s1 =	sshrl.u32 s1, $0x2  }
0xbf: {  	s3 =	sand.u32 $0x4000, s31;
	s1 =	sadd.s32 s1, s30  }
0xc0: {  	s0 =	sor.u32 s3, s0;
	s1 =	sshll.u32 s1, $0x11  }
0xc1: {  	s0 =	sor.u32 s1, s0  }
0xc2: {  	s0 =	sadd.s32 $0x8F2B, s0  }
0xc3: {  	[sflag:s0] =	ssyncadd.remote.s32 $0x1  }
0xc4: {  	_ =	sfence.sel $0xFFFF  }
0xc5: {  	[dreg:$0x0] =	wrdreg $0xFFFFFFFF;
	(pc) =	sbr.abs _section_cstart, $3  }
0xc6: {  	[dreg:$0x1] =	wrdreg $0xFFFFFFFF  }
0xc7: {  	_ =	task.clear_ibuf [dreg:s7], $0x2FFFF;
	_ =	strace $0x9FFFFFFF  }
0xc8: {  	(tm) =	ssettm $0x7FFFFFFF  }
0xc9: {  	_ =	shalt  }
tec
execute0_lowered:
.L_overlay_start_1:
0x0: {  	(tag) =	ssettag $0x1  }
0x1: {  	s0 =	rddreg [dreg:$0x0]  }
0x2: {  	s1 =	rddreg [dreg:$0x1]  }
0x3: {  	s2 =	srdreg.scid;
	s4 =	stileid.u32  }
0x4: {  	s13 =	simm.s32 $0x2;
	s14 =	simm.s32 $0x80;
	s20 =	simm.s32 $0x3080  }
0x5: {  	s21 =	simm.s32 $0x3880;
	s22 =	simm.s32 $0x4080;
	s23 =	simm.s32 $0x4880  }
0x6: {  	s24 =	simm.s32 $0x5080;
	s28 =	simm.s32 $0x6880;
	s29 =	simm.s32 $0x7080  }
0x7: {  	s30 =	simm.s32 $0x7880;
	s31 =	simm.s32 $0x1;
	s3 =	sand.u32 $0x1, s2  }
0x8: {  	s2 =	simm.s32 $0x0;
	s4 =	sshll.u32 s4, $0x7;
	s8 =	sadd.s32 $0x81C00, s0  }
0x9: {  	s5 =	sshll.u32 s3, $0x6;
	[smem:$0x7FF] =	sst s2;
	s6 =	ssub.s32 $0x2, s3  }
0xa: {  	s3 =	sadd.s32 $0x1600, s0;
	s4 =	sor.u32 s5, s4;
	s7 =	sshrl.u32 s6, $0x1  }
0xb: {  	_ =	strace $0x8000004A;
	s5 =	sshrl.u32 s4, $0x3;
	s12 =	ssub.s32 s6, s7  }
0xc: {  	s6 =	sadd.s32 $0x1800, s0;
	s4 =	sshll.u32 s4, $0x7;
	s7 =	sadd.s32 $0x1900, s0  }
0xd: {  	s5 =	sadd.s32 s5, s0;
	s25 =	sadd.s32 s8, s4;
	s26 =	sor.u32 $0x1000, s4  }
0xe: {  	s9 =	sadd.s32 s1, s4;
	s12 =	smax.u32 s12, $0x1;
	s5 =	sadd.s32 $0x81A00, s5  }
0xf: {  	v2 =	vlaneseq.u32;
	[dreg:$0x4] =	wrdreg s25;
	s10 =	sadd.s32 s8, s26;
	s11 =	sadd.s32 s1, s26  }
0x10: {  	vm0 =	vmmov $0xffff;
	v1 =	vshrl.u32 v2, $0x3;
	s25 =	simm.s32 $0x5880;
	s26 =	simm.s32 $0x6080;
	s1 =	simm.s32 $0x0  }
0x11: {  	v0 =	vand.u32 $0x7, v2;
	v2 =	vor.u32 $0x8, v2;
	v1 =	vmul.u32 $0x8, v1;
	[dreg:$0x3] =	wrdreg s5;
	s5 =	sadd.s32 $0x1700, s0;
	s0 =	simm.s32 $0x8080  }
.LBB2_1:
0x12: {  	s4 =	rddreg [dreg:$0x3]  }
0x13: {  	[tilespmem:s2], [sflag:$0x2] =	stream.linear.gather [hbm4b:s4+s2], $0x40, $0x38;
	[tilespmem:$0x10080] =	vst v63  }
0x14: {  	_ =	swait.ge [sflag:s13], $0x40  }
0x15: {  	[sflag:s13] =	ssyncset.done $0x0  }
0x16: {  	[sflag:s13] =	ssyncadd.s32 $0xFFFFFFC0  }
0x17: {  	v3 =	vld [tilespmem:$0x0];
	_ =	sdelay $0x4  }
0x18: {  	v4 =	vshll.u32 v3, $0x3  }
0x19: {  	v3 =	vand.u32 $0x7, v3;
	v4 =	vand.u32 $0xFFFFFFC0, v4  }
0x1a: {  	v3 =	vor.u32 v3, v4  }
0x1b: {  	v4 =	vperm.xlane v3, v0;
	_ =	sdelay $0x1  }
0x1c: {  	v4 =	vadd.s32 v1, v4;
	_ =	sdelay $0x4  }
0x1d: {  	[tilespmem:s14], [sflag:$0x1] =	stream.indirect_vreg.gather [hbm4b:s3+s2], $0x80, v4, vm0, $0xb8;
	[tilespmem:$0x10080] =	vst v63  }
0x1e: {  	s8 =	simm.s32 $0x880;
	v3 =	vperm.xlane v3, v2  }
0x1f: {  	[tilespmem:s8], [sflag:$0x1] =	stream.indirect_vreg.gather [hbm4b:s5+s2], $0x80, v4, vm0, $0xb8;
	[tilespmem:$0x10080] =	vst v63  }
0x20: {  	s15 =	simm.s32 $0x1080;
	v3 =	vadd.s32 v1, v3  }
0x21: {  	[tilespmem:s15], [sflag:$0x1] =	stream.indirect_vreg.gather [hbm4b:s6+s2], $0x80, v4, vm0, $0xb8;
	[tilespmem:$0x10080] =	vst v63  }
0x22: {  	s16 =	simm.s32 $0x1880  }
0x23: {  	[tilespmem:s16], [sflag:$0x1] =	stream.indirect_vreg.gather [hbm4b:s7+s2], $0x80, v4, vm0, $0xb8;
	[tilespmem:$0x10080] =	vst v63  }
0x24: {  	s17 =	simm.s32 $0x2080  }
0x25: {  	[tilespmem:s17], [sflag:$0x1] =	stream.indirect_vreg.gather [hbm4b:s3+s2], $0x80, v3, vm0, $0xb8;
	[tilespmem:$0x10080] =	vst v63  }
0x26: {  	s18 =	simm.s32 $0x2880  }
0x27: {  	[tilespmem:s18], [sflag:$0x1] =	stream.indirect_vreg.gather [hbm4b:s5+s2], $0x80, v3, vm0, $0xb8;
	[tilespmem:$0x10080] =	vst v63  }
0x28: {  	_ = 	snop  }
0x29: {  	[tilespmem:s20], [sflag:$0x1] =	stream.indirect_vreg.gather [hbm4b:s6+s2], $0x80, v3, vm0, $0xb8;
	[tilespmem:$0x10080] =	vst v63  }
0x2a: {  	_ = 	snop  }
0x2b: {  	[tilespmem:s21], [sflag:$0x1] =	stream.indirect_vreg.gather [hbm4b:s7+s2], $0x80, v3, vm0, $0xb8;
	[tilespmem:$0x10080] =	vst v63  }
0x2c: {  	v3 =	vld [tilespmem:$0x10];
	_ =	sdelay $0x4  }
0x2d: {  	v63 =	vshll.u32 v3, $0x3  }
0x2e: {  	v3 =	vand.u32 $0x7, v3;
	v4 =	vand.u32 $0xFFFFFFC0, v63  }
0x2f: {  	v3 =	vor.u32 v3, v4  }
0x30: {  	v4 =	vperm.xlane v3, v0;
	_ =	sdelay $0x1  }
0x31: {  	v4 =	vadd.s32 v1, v4;
	_ =	sdelay $0x4  }
0x32: {  	[tilespmem:s22], [sflag:$0x1] =	stream.indirect_vreg.gather [hbm4b:s3+s2], $0x80, v4, vm0, $0xb8;
	[tilespmem:$0x10080] =	vst v63  }
0x33: {  	v3 =	vperm.xlane v3, v2  }
0x34: {  	[tilespmem:s23], [sflag:$0x1] =	stream.indirect_vreg.gather [hbm4b:s5+s2], $0x80, v4, vm0, $0xb8;
	[tilespmem:$0x10080] =	vst v63  }
0x35: {  	v3 =	vadd.s32 v1, v3  }
0x36: {  	[tilespmem:s24], [sflag:$0x1] =	stream.indirect_vreg.gather [hbm4b:s6+s2], $0x80, v4, vm0, $0xb8;
	[tilespmem:$0x10080] =	vst v63  }
0x37: {  	_ = 	snop  }
0x38: {  	[tilespmem:s25], [sflag:$0x1] =	stream.indirect_vreg.gather [hbm4b:s7+s2], $0x80, v4, vm0, $0xb8;
	[tilespmem:$0x10080] =	vst v63  }
0x39: {  	_ = 	snop  }
0x3a: {  	[tilespmem:s26], [sflag:$0x1] =	stream.indirect_vreg.gather [hbm4b:s3+s2], $0x80, v3, vm0, $0xb8;
	[tilespmem:$0x10080] =	vst v63  }
0x3b: {  	_ = 	snop  }
0x3c: {  	[tilespmem:s28], [sflag:$0x1] =	stream.indirect_vreg.gather [hbm4b:s5+s2], $0x80, v3, vm0, $0xb8;
	[tilespmem:$0x10080] =	vst v63  }
0x3d: {  	_ = 	snop  }
0x3e: {  	[tilespmem:s29], [sflag:$0x1] =	stream.indirect_vreg.gather [hbm4b:s6+s2], $0x80, v3, vm0, $0xb8;
	[tilespmem:$0x10080] =	vst v63  }
0x3f: {  	_ = 	snop  }
0x40: {  	[tilespmem:s30], [sflag:$0x1] =	stream.indirect_vreg.gather [hbm4b:s7+s2], $0x80, v3, vm0, $0xb8;
	[tilespmem:$0x10080] =	vst v63  }
0x41: {  	_ =	swait.ge [sflag:s31], $0x8000  }
0x42: {  	[sflag:s31] =	ssyncset.done $0x0  }
0x43: {  	s19 =	rddreg [dreg:$0x4];
	[sflag:s31] =	ssyncadd.s32 $0xFFFF8000  }
0x44: {  	[tilespmem:s0], [sflag:$0x2] =	stream.linear.gather [hbm4b:s19+s2], $0x8000, $0x38;
	[tilespmem:$0x10080] =	vst v63  }
0x45: {  	_ =	swait.ge [sflag:s13], $0x8000  }
0x46: {  	s4 =	simm.s32 $0xFFFF8000;
	s15 =	simm.s32 $0x0;
	[sflag:s13] =	ssyncset.done $0x0  }
0x47: {  	s16 =	simm.s32 $0x0;
	s17 =	simm.s32 $0x0;
	[sflag:s13] =	ssyncadd.s32 $0xFFFF8000  }
.LBB2_2:
0x48: {  	s8 =	sadd.s32 $0x8000, s4  }
0x49: {  	s18 =	sand.u32 $0x380, s17;
	s8 =	sand.u32 $0x6000, s8  }
0x4a: {  	s8 =	sor.u32 s18, s8  }
0x4b: {  	v3 =	vld [tilespmem:s8+$0x80]  }
0x4c: {  	v4 =	vld [tilespmem:s8+$0x8080]  }
0x4d: {  	v5 =	vld [tilespmem:s8+$0x90]  }
0x4e: {  	v6 =	vld [tilespmem:s8+$0x8090]  }
0x4f: {  	v7 =	vld [tilespmem:s8+$0xA0]  }
0x50: {  	v8 =	vld [tilespmem:s8+$0x80A0]  }
0x51: {  	v9 =	vld [tilespmem:s8+$0xB0]  }
0x52: {  	v10 =	vld [tilespmem:s8+$0x80B0]  }
0x53: {  	v11 =	vld [tilespmem:s8+$0xC0]  }
0x54: {  	v12 =	vld [tilespmem:s8+$0x80C0]  }
0x55: {  	v13 =	vld [tilespmem:s8+$0xD0]  }
0x56: {  	v14 =	vld [tilespmem:s8+$0x80D0]  }
0x57: {  	v15 =	vld [tilespmem:s8+$0xE0]  }
0x58: {  	v16 =	vld [tilespmem:s8+$0x80E0]  }
0x59: {  	v17 =	vld [tilespmem:s8+$0xF0]  }
0x5a: {  	v18 =	vld [tilespmem:s8+$0x80F0]  }
0x5b: {  	v19 =	vld [tilespmem:s8+$0x480]  }
0x5c: {  	v20 =	vld [tilespmem:s8+$0x8480]  }
0x5d: {  	v21 =	vld [tilespmem:s8+$0x490]  }
0x5e: {  	v22 =	vld [tilespmem:s8+$0x8490]  }
0x5f: {  	v23 =	vld [tilespmem:s8+$0x4A0]  }
0x60: {  	v24 =	vld [tilespmem:s8+$0x84A0]  }
0x61: {  	v25 =	vld [tilespmem:s8+$0x4B0]  }
0x62: {  	v26 =	vld [tilespmem:s8+$0x84B0]  }
0x63: {  	v27 =	vld [tilespmem:s8+$0x4C0]  }
0x64: {  	v28 =	vld [tilespmem:s8+$0x84C0]  }
0x65: {  	v29 =	vld [tilespmem:s8+$0x4D0]  }
0x66: {  	v30 =	vld [tilespmem:s8+$0x84D0]  }
0x67: {  	v31 =	vld [tilespmem:s8+$0x4E0]  }
0x68: {  	v32 =	vld [tilespmem:s8+$0x84E0]  }
0x69: {  	v33 =	vld [tilespmem:s8+$0x4F0]  }
0x6a: {  	v34 =	vld [tilespmem:s8+$0x84F0]  }
0x6b: {  	v35 =	vld [tilespmem:s8+$0x880]  }
0x6c: {  	v36 =	vld [tilespmem:s8+$0x8880]  }
0x6d: {  	v37 =	vld [tilespmem:s8+$0x890]  }
0x6e: {  	v38 =	vld [tilespmem:s8+$0x8890]  }
0x6f: {  	v39 =	vld [tilespmem:s8+$0x8A0]  }
0x70: {  	v40 =	vld [tilespmem:s8+$0x88A0]  }
0x71: {  	v41 =	vld [tilespmem:s8+$0x8B0]  }
0x72: {  	v42 =	vld [tilespmem:s8+$0x88B0]  }
0x73: {  	v43 =	vld [tilespmem:s8+$0x8C0]  }
0x74: {  	v44 =	vld [tilespmem:s8+$0x88C0]  }
0x75: {  	v45 =	vld [tilespmem:s8+$0x8D0]  }
0x76: {  	v46 =	vld [tilespmem:s8+$0x88D0]  }
0x77: {  	v47 =	vld [tilespmem:s8+$0x8E0]  }
0x78: {  	v48 =	vld [tilespmem:s8+$0x88E0]  }
0x79: {  	v49 =	vld [tilespmem:s8+$0x8F0]  }
0x7a: {  	v50 =	vld [tilespmem:s8+$0x88F0]  }
0x7b: {  	v51 =	vld [tilespmem:s8+$0xC80]  }
0x7c: {  	v52 =	vld [tilespmem:s8+$0x8C80]  }
0x7d: {  	v53 =	vld [tilespmem:s8+$0xC90]  }
0x7e: {  	v54 =	vld [tilespmem:s8+$0x8C90]  }
0x7f: {  	v55 =	vld [tilespmem:s8+$0xCA0]  }
0x80: {  	v56 =	vld [tilespmem:s8+$0x8CA0]  }
0x81: {  	v57 =	vld [tilespmem:s8+$0xCB0]  }
0x82: {  	v58 =	vld [tilespmem:s8+$0x8CB0]  }
0x83: {  	v59 =	vld [tilespmem:s8+$0xCC0]  }
0x84: {  	v60 =	vld [tilespmem:s8+$0x8CC0]  }
0x85: {  	v61 =	vld [tilespmem:s8+$0xCD0]  }
0x86: {  	v62 =	vld [tilespmem:s8+$0x8CD0]  }
0x87: {  	v63 =	vld [tilespmem:s8+$0xCE0]  }
0x88: {  	v3 =	vadd.f32 v4, v3;
	v4 =	vld [tilespmem:s8+$0x8CE0]  }
0x89: {  	v5 =	vadd.f32 v6, v5;
	v6 =	vld [tilespmem:s8+$0xCF0]  }
0x8a: {  	v14 =	vadd.f32 v14, v13;
	v13 =	vld [tilespmem:s8+$0x90A0];
	[tilespmem:s8+$0x80] =	vst v3;
	v3 =	vadd.f32 v8, v7  }
0x8b: {  	v18 =	vadd.f32 v18, v17;
	v17 =	vld [tilespmem:s8+$0x90C0];
	[tilespmem:s8+$0x90] =	vst v5  }
0x8c: {  	v22 =	vadd.f32 v22, v21;
	v21 =	vld [tilespmem:s8+$0x90E0];
	[tilespmem:s8+$0xA0] =	vst v3;
	v3 =	vadd.f32 v12, v11  }
0x8d: {  	v7 =	vld [tilespmem:s8+$0x8CF0];
	[tilespmem:s8+$0xD0] =	vst v14  }
0x8e: {  	v8 =	vld [tilespmem:s8+$0x1080];
	[tilespmem:s8+$0xC0] =	vst v3;
	v3 =	vadd.f32 v16, v15  }
0x8f: {  	v5 =	vadd.f32 v10, v9;
	v9 =	vld [tilespmem:s8+$0x9080];
	[tilespmem:s8+$0xF0] =	vst v18  }
0x90: {  	v10 =	vld [tilespmem:s8+$0x1090];
	[tilespmem:s8+$0xE0] =	vst v3;
	v3 =	vadd.f32 v20, v19  }
0x91: {  	v26 =	vadd.f32 v26, v25;
	v14 =	vld [tilespmem:s8+$0x10B0];
	[tilespmem:s8+$0x490] =	vst v22  }
0x92: {  	v18 =	vld [tilespmem:s8+$0x10D0];
	[tilespmem:s8+$0x480] =	vst v3;
	v3 =	vadd.f32 v24, v23  }
0x93: {  	v30 =	vadd.f32 v30, v29;
	[tilespmem:s8+$0x4B0] =	vst v26;
	v22 =	vld [tilespmem:s8+$0x10F0]  }
0x94: {  	v19 =	vld [tilespmem:s8+$0x90D0];
	[tilespmem:s8+$0x4A0] =	vst v3;
	v3 =	vadd.f32 v28, v27  }
0x95: {  	v34 =	vadd.f32 v34, v33;
	[tilespmem:s8+$0x4D0] =	vst v30;
	v11 =	vld [tilespmem:s8+$0x9090]  }
0x96: {  	v12 =	vld [tilespmem:s8+$0x10A0];
	[tilespmem:s8+$0x4C0] =	vst v3;
	v3 =	vadd.f32 v32, v31  }
0x97: {  	[tilespmem:s8+$0x4F0] =	vst v34;
	v15 =	vld [tilespmem:s8+$0x90B0]  }
0x98: {  	v16 =	vld [tilespmem:s8+$0x10C0];
	[tilespmem:s8+$0x4E0] =	vst v3;
	v3 =	vadd.f32 v36, v35  }
0x99: {  	[tilespmem:s8+$0xB0] =	vst v5;
	v20 =	vld [tilespmem:s8+$0x10E0];
	v19 =	vadd.f32 v19, v18  }
0x9a: {  	v24 =	vld [tilespmem:s8+$0x1480];
	[tilespmem:s8+$0x880] =	vst v3;
	v3 =	vadd.f32 v40, v39  }
0x9b: {  	[tilespmem:s8+$0x10D0] =	vst v19;
	v36 =	vadd.f32 v38, v37;
	v37 =	vld [tilespmem:s8+$0x90F0]  }
0x9c: {  	v38 =	vadd.f32 v42, v41;
	v41 =	vld [tilespmem:s8+$0x1490];
	[tilespmem:s8+$0x8A0] =	vst v3;
	v3 =	vadd.f32 v44, v43  }
0x9d: {  	v42 =	vld [tilespmem:s8+$0x9490];
	[tilespmem:s8+$0x890] =	vst v36  }
0x9e: {  	v35 =	vld [tilespmem:s8+$0x1890];
	[tilespmem:s8+$0x8C0] =	vst v3;
	v3 =	vadd.f32 v48, v47  }
0x9f: {  	v39 =	vld [tilespmem:s8+$0x9480];
	[tilespmem:s8+$0x8B0] =	vst v38;
	v40 =	vadd.f32 v46, v45  }
0xa0: {  	v45 =	vld [tilespmem:s8+$0x94A0];
	[tilespmem:s8+$0x8E0] =	vst v3;
	v3 =	vadd.f32 v52, v51  }
0xa1: {  	v46 =	vadd.f32 v54, v53;
	v53 =	vld [tilespmem:s8+$0x14D0];
	[tilespmem:s8+$0x8D0] =	vst v40  }
0xa2: {  	v54 =	vld [tilespmem:s8+$0x94D0];
	[tilespmem:s8+$0xC80] =	vst v3;
	v3 =	vadd.f32 v56, v55  }
0xa3: {  	v36 =	vld [tilespmem:s8+$0x9890];
	v43 =	vadd.f32 v50, v49;
	[tilespmem:s8+$0xC90] =	vst v46  }
0xa4: {  	v38 =	vld [tilespmem:s8+$0x18A0];
	[tilespmem:s8+$0xCA0] =	vst v3;
	v3 =	vadd.f32 v60, v59  }
0xa5: {  	v44 =	vld [tilespmem:s8+$0x14A0];
	v49 =	vadd.f32 v58, v57;
	[tilespmem:s8+$0x8F0] =	vst v43  }
0xa6: {  	v50 =	vld [tilespmem:s8+$0x14C0];
	[tilespmem:s8+$0xCC0] =	vst v3;
	v3 =	vadd.f32 v4, v63  }
0xa7: {  	v57 =	vld [tilespmem:s8+$0x94E0];
	v58 =	vadd.f32 v11, v10;
	[tilespmem:s8+$0xCB0] =	vst v49  }
0xa8: {  	v46 =	vld [tilespmem:s8+$0x98D0];
	[tilespmem:s8+$0xCE0] =	vst v3;
	v3 =	vadd.f32 v9, v8  }
0xa9: {  	v37 =	vadd.f32 v37, v22;
	v40 =	vadd.f32 v42, v41;
	v41 =	vld [tilespmem:s8+$0x18B0];
	[tilespmem:s8+$0x1090] =	vst v58  }
0xaa: {  	v42 =	vld [tilespmem:s8+$0x98B0];
	[tilespmem:s8+$0x1080] =	vst v3;
	v3 =	vadd.f32 v13, v12  }
0xab: {  	v47 =	vld [tilespmem:s8+$0x14B0];
	[tilespmem:s8+$0x10F0] =	vst v37  }
0xac: {  	v48 =	vld [tilespmem:s8+$0x94B0];
	[tilespmem:s8+$0x10A0] =	vst v3;
	v3 =	vadd.f32 v17, v16  }
0xad: {  	v49 =	vld [tilespmem:s8+$0x98E0];
	[tilespmem:s8+$0x1490] =	vst v40;
	v52 =	vadd.f32 v62, v61  }
0xae: {  	v51 =	vld [tilespmem:s8+$0x94C0];
	[tilespmem:s8+$0x10C0] =	vst v3;
	v3 =	vadd.f32 v21, v20  }
0xaf: {  	v61 =	vadd.f32 v15, v14;
	v62 =	vld [tilespmem:s8+$0x1880];
	[tilespmem:s8+$0xCD0] =	vst v52  }
0xb0: {  	v56 =	vld [tilespmem:s8+$0x14E0];
	[tilespmem:s8+$0x10E0] =	vst v3;
	v3 =	vadd.f32 v39, v24  }
0xb1: {  	v55 =	vadd.f32 v7, v6;
	[tilespmem:s8+$0x10B0] =	vst v61;
	v52 =	vld [tilespmem:s8+$0x98F0]  }
0xb2: {  	v43 =	vadd.f32 v48, v47;
	v47 =	vld [tilespmem:s8+$0x18E0];
	[tilespmem:s8+$0x1480] =	vst v3;
	v3 =	vadd.f32 v45, v44  }
0xb3: {  	[tilespmem:s8+$0xCF0] =	vst v55;
	v63 =	vld [tilespmem:s8+$0x9880]  }
0xb4: {  	v59 =	vld [tilespmem:s8+$0x14F0];
	[tilespmem:s8+$0x14A0] =	vst v3;
	v3 =	vadd.f32 v51, v50  }
0xb5: {  	[tilespmem:s8+$0x14B0] =	vst v43;
	v4 =	vadd.f32 v54, v53;
	v39 =	vld [tilespmem:s8+$0x98A0]  }
0xb6: {  	v60 =	vld [tilespmem:s8+$0x94F0];
	[tilespmem:s8+$0x14C0] =	vst v3;
	v3 =	vadd.f32 v57, v56  }
0xb7: {  	v54 =	vadd.f32 v42, v41;
	[tilespmem:s8+$0x14D0] =	vst v4;
	v45 =	vld [tilespmem:s8+$0x18D0]  }
0xb8: {  	v53 =	vld [tilespmem:s8+$0x98C0];
	[tilespmem:s8+$0x14E0] =	vst v3;
	v3 =	vadd.f32 v63, v62  }
0xb9: {  	[tilespmem:s8+$0x18B0] =	vst v54;
	v55 =	vadd.f32 v49, v47;
	v50 =	vld [tilespmem:s8+$0x18F0]  }
0xba: {  	v44 =	vld [tilespmem:s8+$0x18C0];
	[tilespmem:s8+$0x1880] =	vst v3;
	v3 =	vadd.f32 v39, v38  }
0xbb: {  	v48 =	vadd.f32 v60, v59;
	[tilespmem:s8+$0x18E0] =	vst v55  }
0xbc: {  	[tilespmem:s8+$0x18A0] =	vst v3;
	v3 =	vadd.f32 v46, v45  }
0xbd: {  	s19 =	sand.u32 $0x7, s15;
	[tilespmem:s8+$0x14F0] =	vst v48;
	v51 =	vadd.f32 v36, v35  }
0xbe: {  	s18 =	sshll.u32 s19, $0x7;
	[tilespmem:s8+$0x18D0] =	vst v3;
	v3 =	vadd.f32 v52, v50  }
0xbf: {  	s18 =	sadd.s32 s18, s16;
	[tilespmem:s8+$0x1890] =	vst v51;
	v56 =	vadd.f32 v53, v44  }
0xc0: {  	s19 =	sor.u32 $0x1C00, s18;
	[tilespmem:s8+$0x18F0] =	vst v3  }
0xc1: {  	[tilespmem:s8+$0x18C0] =	vst v56;
	v3 =	vld [tilespmem:s19+$0x80]  }
0xc2: {  	v4 =	vld [tilespmem:s19+$0x8080];
	_ =	sdelay $0x4  }
0xc3: {  	v3 =	vadd.f32 v4, v3;
	_ =	sdelay $0x1  }
0xc4: {  	[tilespmem:s19+$0x80] =	vst v3;
	s19 =	sor.u32 $0x1C10, s18  }
0xc5: {  	v3 =	vld [tilespmem:s19+$0x80]  }
0xc6: {  	v57 =	vld [tilespmem:s19+$0x8080];
	_ =	sdelay $0x4  }
0xc7: {  	v3 =	vadd.f32 v57, v3;
	_ =	sdelay $0x1  }
0xc8: {  	[tilespmem:s19+$0x80] =	vst v3;
	s19 =	sor.u32 $0x1C20, s18  }
0xc9: {  	v3 =	vld [tilespmem:s19+$0x80]  }
0xca: {  	v58 =	vld [tilespmem:s19+$0x8080];
	_ =	sdelay $0x4  }
0xcb: {  	v3 =	vadd.f32 v58, v3;
	_ =	sdelay $0x1  }
0xcc: {  	[tilespmem:s19+$0x80] =	vst v3;
	s19 =	sor.u32 $0x1C30, s18  }
0xcd: {  	v3 =	vld [tilespmem:s19+$0x80]  }
0xce: {  	v59 =	vld [tilespmem:s19+$0x8080];
	_ =	sdelay $0x4  }
0xcf: {  	v3 =	vadd.f32 v59, v3;
	_ =	sdelay $0x1  }
0xd0: {  	[tilespmem:s19+$0x80] =	vst v3;
	s19 =	sor.u32 $0x1C40, s18  }
0xd1: {  	v3 =	vld [tilespmem:s19+$0x80]  }
0xd2: {  	v60 =	vld [tilespmem:s19+$0x8080];
	_ =	sdelay $0x4  }
0xd3: {  	v3 =	vadd.f32 v60, v3;
	_ =	sdelay $0x1  }
0xd4: {  	[tilespmem:s19+$0x80] =	vst v3;
	s19 =	sor.u32 $0x1C50, s18  }
0xd5: {  	v3 =	vld [tilespmem:s19+$0x80]  }
0xd6: {  	v61 =	vld [tilespmem:s19+$0x8080];
	_ =	sdelay $0x4  }
0xd7: {  	v3 =	vadd.f32 v61, v3;
	_ =	sdelay $0x1  }
0xd8: {  	[tilespmem:s19+$0x80] =	vst v3;
	s19 =	sor.u32 $0x1C60, s18  }
0xd9: {  	v3 =	vld [tilespmem:s19+$0x80]  }
0xda: {  	v62 =	vld [tilespmem:s19+$0x8080];
	_ =	sdelay $0x4  }
0xdb: {  	v3 =	vadd.f32 v62, v3;
	_ =	sdelay $0x1  }
0xdc: {  	[tilespmem:s19+$0x80] =	vst v3;
	s19 =	sor.u32 $0x1C70, s18  }
0xdd: {  	v3 =	vld [tilespmem:s19+$0x80]  }
0xde: {  	v63 =	vld [tilespmem:s19+$0x8080];
	_ =	sdelay $0x1  }
0xdf: {  	p0 =	sne.s32 s17, $0xF80  }
.Ltmp0:
0xe0: {  	_ = 	snop;
	(pc) =	sbr.rel @p0 .LBB2_2-.Ltmp0, $4  }
0xe1: {  	_ = 	snop  }
0xe2: {  	v3 =	vadd.f32 v63, v3  }
0xe3: {  	s15 =	sadd.s32 $0x1, s15  }
0xe4: {  	s4 =	sadd.s32 $0x400, s4;
	s17 =	sadd.s32 $0x80, s17;
	s16 =	sadd.s32 $0x400, s16;
	[tilespmem:s19+$0x80] =	vst v3  }
0xe5: {  	s4 =	simm.s32 $0x0  }
0xe6: {  	[hbm4b:s9+s4] =	stream.linear.scatter [tilespmem:s14], [sflag:$0x2], $0x8000, $0x38;
	[tilespmem:$0x10080] =	vst v63  }
0xe7: {  	_ =	swait.ge [sflag:s13], $0x8000  }
0xe8: {  	[sflag:s13] =	ssyncset.done $0x0  }
0xe9: {  	[sflag:s13] =	ssyncadd.s32 $0xFFFF8000  }
0xea: {  	v3 =	vld [tilespmem:$0x20];
	_ =	sdelay $0x4  }
0xeb: {  	v4 =	vshll.u32 v3, $0x3  }
0xec: {  	v3 =	vand.u32 $0x7, v3;
	v4 =	vand.u32 $0xFFFFFFC0, v4  }
0xed: {  	v3 =	vor.u32 v3, v4  }
0xee: {  	v4 =	vperm.xlane v3, v0;
	_ =	sdelay $0x1  }
0xef: {  	v4 =	vadd.s32 v1, v4;
	_ =	sdelay $0x4  }
0xf0: {  	[tilespmem:s14], [sflag:$0x1] =	stream.indirect_vreg.gather [hbm4b:s3+s4], $0x80, v4, vm0, $0xb8;
	[tilespmem:$0x10080] =	vst v63  }
0xf1: {  	s8 =	simm.s32 $0x880;
	v3 =	vperm.xlane v3, v2  }
0xf2: {  	[tilespmem:s8], [sflag:$0x1] =	stream.indirect_vreg.gather [hbm4b:s5+s4], $0x80, v4, vm0, $0xb8;
	[tilespmem:$0x10080] =	vst v63  }
0xf3: {  	s16 =	simm.s32 $0x1080;
	v3 =	vadd.s32 v1, v3  }
0xf4: {  	[tilespmem:s16], [sflag:$0x1] =	stream.indirect_vreg.gather [hbm4b:s6+s4], $0x80, v4, vm0, $0xb8;
	[tilespmem:$0x10080] =	vst v63  }
0xf5: {  	s17 =	simm.s32 $0x1880  }
0xf6: {  	[tilespmem:s17], [sflag:$0x1] =	stream.indirect_vreg.gather [hbm4b:s7+s4], $0x80, v4, vm0, $0xb8;
	[tilespmem:$0x10080] =	vst v63  }
0xf7: {  	s18 =	simm.s32 $0x2080  }
0xf8: {  	[tilespmem:s18], [sflag:$0x1] =	stream.indirect_vreg.gather [hbm4b:s3+s4], $0x80, v3, vm0, $0xb8;
	[tilespmem:$0x10080] =	vst v63  }
0xf9: {  	s19 =	simm.s32 $0x2880  }
0xfa: {  	[tilespmem:s19], [sflag:$0x1] =	stream.indirect_vreg.gather [hbm4b:s5+s4], $0x80, v3, vm0, $0xb8;
	[tilespmem:$0x10080] =	vst v63  }
0xfb: {  	_ = 	snop  }
0xfc: {  	[tilespmem:s20], [sflag:$0x1] =	stream.indirect_vreg.gather [hbm4b:s6+s4], $0x80, v3, vm0, $0xb8;
	[tilespmem:$0x10080] =	vst v63  }
0xfd: {  	_ = 	snop  }
0xfe: {  	[tilespmem:s21], [sflag:$0x1] =	stream.indirect_vreg.gather [hbm4b:s7+s4], $0x80, v3, vm0, $0xb8;
	[tilespmem:$0x10080] =	vst v63  }
0xff: {  	v3 =	vld [tilespmem:$0x30];
	_ =	sdelay $0x4  }
0x100: {  	v63 =	vshll.u32 v3, $0x3  }
0x101: {  	v3 =	vand.u32 $0x7, v3;
	v4 =	vand.u32 $0xFFFFFFC0, v63  }
0x102: {  	v3 =	vor.u32 v3, v4  }
0x103: {  	v4 =	vperm.xlane v3, v0;
	_ =	sdelay $0x1  }
0x104: {  	v4 =	vadd.s32 v1, v4;
	_ =	sdelay $0x4  }
0x105: {  	[tilespmem:s22], [sflag:$0x1] =	stream.indirect_vreg.gather [hbm4b:s3+s4], $0x80, v4, vm0, $0xb8;
	[tilespmem:$0x10080] =	vst v63  }
0x106: {  	v3 =	vperm.xlane v3, v2  }
0x107: {  	[tilespmem:s23], [sflag:$0x1] =	stream.indirect_vreg.gather [hbm4b:s5+s4], $0x80, v4, vm0, $0xb8;
	[tilespmem:$0x10080] =	vst v63  }
0x108: {  	v3 =	vadd.s32 v1, v3  }
0x109: {  	[tilespmem:s24], [sflag:$0x1] =	stream.indirect_vreg.gather [hbm4b:s6+s4], $0x80, v4, vm0, $0xb8;
	[tilespmem:$0x10080] =	vst v63  }
0x10a: {  	_ = 	snop  }
0x10b: {  	[tilespmem:s25], [sflag:$0x1] =	stream.indirect_vreg.gather [hbm4b:s7+s4], $0x80, v4, vm0, $0xb8;
	[tilespmem:$0x10080] =	vst v63  }
0x10c: {  	_ = 	snop  }
0x10d: {  	[tilespmem:s26], [sflag:$0x1] =	stream.indirect_vreg.gather [hbm4b:s3+s4], $0x80, v3, vm0, $0xb8;
	[tilespmem:$0x10080] =	vst v63  }
0x10e: {  	_ = 	snop  }
0x10f: {  	[tilespmem:s28], [sflag:$0x1] =	stream.indirect_vreg.gather [hbm4b:s5+s4], $0x80, v3, vm0, $0xb8;
	[tilespmem:$0x10080] =	vst v63  }
0x110: {  	_ = 	snop  }
0x111: {  	[tilespmem:s29], [sflag:$0x1] =	stream.indirect_vreg.gather [hbm4b:s6+s4], $0x80, v3, vm0, $0xb8;
	[tilespmem:$0x10080] =	vst v63  }
0x112: {  	_ = 	snop  }
0x113: {  	[tilespmem:s30], [sflag:$0x1] =	stream.indirect_vreg.gather [hbm4b:s7+s4], $0x80, v3, vm0, $0xb8;
	[tilespmem:$0x10080] =	vst v63  }
0x114: {  	_ =	swait.ge [sflag:s31], $0x8000  }
0x115: {  	[sflag:s31] =	ssyncset.done $0x0  }
0x116: {  	[sflag:s31] =	ssyncadd.s32 $0xFFFF8000  }
0x117: {  	[tilespmem:s0], [sflag:$0x2] =	stream.linear.gather [hbm4b:s10+s4], $0x8000, $0x38;
	[tilespmem:$0x10080] =	vst v63  }
0x118: {  	_ =	swait.ge [sflag:s13], $0x8000  }
0x119: {  	s15 =	simm.s32 $0xFFFF8000;
	[sflag:s13] =	ssyncset.done $0x0  }
0x11a: {  	s16 =	simm.s32 $0x0;
	s17 =	simm.s32 $0x0;
	[sflag:s13] =	ssyncadd.s32 $0xFFFF8000  }
.LBB2_4:
0x11b: {  	s8 =	sadd.s32 $0x8000, s15  }
0x11c: {  	s18 =	sand.u32 $0x380, s17;
	s8 =	sand.u32 $0x6000, s8  }
0x11d: {  	s8 =	sor.u32 s18, s8  }
0x11e: {  	v3 =	vld [tilespmem:s8+$0x80]  }
0x11f: {  	v4 =	vld [tilespmem:s8+$0x8080]  }
0x120: {  	v5 =	vld [tilespmem:s8+$0x90]  }
0x121: {  	v6 =	vld [tilespmem:s8+$0x8090]  }
0x122: {  	v7 =	vld [tilespmem:s8+$0xA0]  }
0x123: {  	v8 =	vld [tilespmem:s8+$0x80A0]  }
0x124: {  	v9 =	vld [tilespmem:s8+$0xB0]  }
0x125: {  	v10 =	vld [tilespmem:s8+$0x80B0]  }
0x126: {  	v11 =	vld [tilespmem:s8+$0xC0]  }
0x127: {  	v12 =	vld [tilespmem:s8+$0x80C0]  }
0x128: {  	v13 =	vld [tilespmem:s8+$0xD0]  }
0x129: {  	v14 =	vld [tilespmem:s8+$0x80D0]  }
0x12a: {  	v15 =	vld [tilespmem:s8+$0xE0]  }
0x12b: {  	v16 =	vld [tilespmem:s8+$0x80E0]  }
0x12c: {  	v17 =	vld [tilespmem:s8+$0xF0]  }
0x12d: {  	v18 =	vld [tilespmem:s8+$0x80F0]  }
0x12e: {  	v19 =	vld [tilespmem:s8+$0x480]  }
0x12f: {  	v20 =	vld [tilespmem:s8+$0x8480]  }
0x130: {  	v21 =	vld [tilespmem:s8+$0x490]  }
0x131: {  	v22 =	vld [tilespmem:s8+$0x8490]  }
0x132: {  	v23 =	vld [tilespmem:s8+$0x4A0]  }
0x133: {  	v24 =	vld [tilespmem:s8+$0x84A0]  }
0x134: {  	v25 =	vld [tilespmem:s8+$0x4B0]  }
0x135: {  	v26 =	vld [tilespmem:s8+$0x84B0]  }
0x136: {  	v27 =	vld [tilespmem:s8+$0x4C0]  }
0x137: {  	v28 =	vld [tilespmem:s8+$0x84C0]  }
0x138: {  	v29 =	vld [tilespmem:s8+$0x4D0]  }
0x139: {  	v30 =	vld [tilespmem:s8+$0x84D0]  }
0x13a: {  	v31 =	vld [tilespmem:s8+$0x4E0]  }
0x13b: {  	v32 =	vld [tilespmem:s8+$0x84E0]  }
0x13c: {  	v33 =	vld [tilespmem:s8+$0x4F0]  }
0x13d: {  	v34 =	vld [tilespmem:s8+$0x84F0]  }
0x13e: {  	v35 =	vld [tilespmem:s8+$0x880]  }
0x13f: {  	v36 =	vld [tilespmem:s8+$0x8880]  }
0x140: {  	v37 =	vld [tilespmem:s8+$0x890]  }
0x141: {  	v38 =	vld [tilespmem:s8+$0x8890]  }
0x142: {  	v39 =	vld [tilespmem:s8+$0x8A0]  }
0x143: {  	v40 =	vld [tilespmem:s8+$0x88A0]  }
0x144: {  	v41 =	vld [tilespmem:s8+$0x8B0]  }
0x145: {  	v42 =	vld [tilespmem:s8+$0x88B0]  }
0x146: {  	v43 =	vld [tilespmem:s8+$0x8C0]  }
0x147: {  	v44 =	vld [tilespmem:s8+$0x88C0]  }
0x148: {  	v45 =	vld [tilespmem:s8+$0x8D0]  }
0x149: {  	v46 =	vld [tilespmem:s8+$0x88D0]  }
0x14a: {  	v47 =	vld [tilespmem:s8+$0x8E0]  }
0x14b: {  	v48 =	vld [tilespmem:s8+$0x88E0]  }
0x14c: {  	v49 =	vld [tilespmem:s8+$0x8F0]  }
0x14d: {  	v50 =	vld [tilespmem:s8+$0x88F0]  }
0x14e: {  	v51 =	vld [tilespmem:s8+$0xC80]  }
0x14f: {  	v52 =	vld [tilespmem:s8+$0x8C80]  }
0x150: {  	v53 =	vld [tilespmem:s8+$0xC90]  }
0x151: {  	v54 =	vld [tilespmem:s8+$0x8C90]  }
0x152: {  	v55 =	vld [tilespmem:s8+$0xCA0]  }
0x153: {  	v56 =	vld [tilespmem:s8+$0x8CA0]  }
0x154: {  	v57 =	vld [tilespmem:s8+$0xCB0]  }
0x155: {  	v58 =	vld [tilespmem:s8+$0x8CB0]  }
0x156: {  	v59 =	vld [tilespmem:s8+$0xCC0]  }
0x157: {  	v60 =	vld [tilespmem:s8+$0x8CC0]  }
0x158: {  	v61 =	vld [tilespmem:s8+$0xCD0]  }
0x159: {  	v62 =	vld [tilespmem:s8+$0x8CD0]  }
0x15a: {  	v63 =	vld [tilespmem:s8+$0xCE0]  }
0x15b: {  	v3 =	vadd.f32 v4, v3;
	v4 =	vld [tilespmem:s8+$0x8CE0]  }
0x15c: {  	v5 =	vadd.f32 v6, v5;
	v6 =	vld [tilespmem:s8+$0xCF0]  }
0x15d: {  	v14 =	vadd.f32 v14, v13;
	v13 =	vld [tilespmem:s8+$0x90A0];
	[tilespmem:s8+$0x80] =	vst v3;
	v3 =	vadd.f32 v8, v7  }
0x15e: {  	v18 =	vadd.f32 v18, v17;
	v17 =	vld [tilespmem:s8+$0x90C0];
	[tilespmem:s8+$0x90] =	vst v5  }
0x15f: {  	v22 =	vadd.f32 v22, v21;
	v21 =	vld [tilespmem:s8+$0x90E0];
	[tilespmem:s8+$0xA0] =	vst v3;
	v3 =	vadd.f32 v12, v11  }
0x160: {  	v7 =	vld [tilespmem:s8+$0x8CF0];
	[tilespmem:s8+$0xD0] =	vst v14  }
0x161: {  	v8 =	vld [tilespmem:s8+$0x1080];
	[tilespmem:s8+$0xC0] =	vst v3;
	v3 =	vadd.f32 v16, v15  }
0x162: {  	v5 =	vadd.f32 v10, v9;
	v9 =	vld [tilespmem:s8+$0x9080];
	[tilespmem:s8+$0xF0] =	vst v18  }
0x163: {  	v10 =	vld [tilespmem:s8+$0x1090];
	[tilespmem:s8+$0xE0] =	vst v3;
	v3 =	vadd.f32 v20, v19  }
0x164: {  	v26 =	vadd.f32 v26, v25;
	v14 =	vld [tilespmem:s8+$0x10B0];
	[tilespmem:s8+$0x490] =	vst v22  }
0x165: {  	v18 =	vld [tilespmem:s8+$0x10D0];
	[tilespmem:s8+$0x480] =	vst v3;
	v3 =	vadd.f32 v24, v23  }
0x166: {  	v30 =	vadd.f32 v30, v29;
	[tilespmem:s8+$0x4B0] =	vst v26;
	v22 =	vld [tilespmem:s8+$0x10F0]  }
0x167: {  	v19 =	vld [tilespmem:s8+$0x90D0];
	[tilespmem:s8+$0x4A0] =	vst v3;
	v3 =	vadd.f32 v28, v27  }
0x168: {  	v34 =	vadd.f32 v34, v33;
	[tilespmem:s8+$0x4D0] =	vst v30;
	v11 =	vld [tilespmem:s8+$0x9090]  }
0x169: {  	v12 =	vld [tilespmem:s8+$0x10A0];
	[tilespmem:s8+$0x4C0] =	vst v3;
	v3 =	vadd.f32 v32, v31  }
0x16a: {  	[tilespmem:s8+$0x4F0] =	vst v34;
	v15 =	vld [tilespmem:s8+$0x90B0]  }
0x16b: {  	v16 =	vld [tilespmem:s8+$0x10C0];
	[tilespmem:s8+$0x4E0] =	vst v3;
	v3 =	vadd.f32 v36, v35  }
0x16c: {  	[tilespmem:s8+$0xB0] =	vst v5;
	v20 =	vld [tilespmem:s8+$0x10E0];
	v19 =	vadd.f32 v19, v18  }
0x16d: {  	v24 =	vld [tilespmem:s8+$0x1480];
	[tilespmem:s8+$0x880] =	vst v3;
	v3 =	vadd.f32 v40, v39  }
0x16e: {  	[tilespmem:s8+$0x10D0] =	vst v19;
	v36 =	vadd.f32 v38, v37;
	v37 =	vld [tilespmem:s8+$0x90F0]  }
0x16f: {  	v38 =	vadd.f32 v42, v41;
	v41 =	vld [tilespmem:s8+$0x1490];
	[tilespmem:s8+$0x8A0] =	vst v3;
	v3 =	vadd.f32 v44, v43  }
0x170: {  	v42 =	vld [tilespmem:s8+$0x9490];
	[tilespmem:s8+$0x890] =	vst v36  }
0x171: {  	v35 =	vld [tilespmem:s8+$0x1890];
	[tilespmem:s8+$0x8C0] =	vst v3;
	v3 =	vadd.f32 v48, v47  }
0x172: {  	v39 =	vld [tilespmem:s8+$0x9480];
	[tilespmem:s8+$0x8B0] =	vst v38;
	v40 =	vadd.f32 v46, v45  }
0x173: {  	v45 =	vld [tilespmem:s8+$0x94A0];
	[tilespmem:s8+$0x8E0] =	vst v3;
	v3 =	vadd.f32 v52, v51  }
0x174: {  	v46 =	vadd.f32 v54, v53;
	v53 =	vld [tilespmem:s8+$0x14D0];
	[tilespmem:s8+$0x8D0] =	vst v40  }
0x175: {  	v54 =	vld [tilespmem:s8+$0x94D0];
	[tilespmem:s8+$0xC80] =	vst v3;
	v3 =	vadd.f32 v56, v55  }
0x176: {  	v36 =	vld [tilespmem:s8+$0x9890];
	v43 =	vadd.f32 v50, v49;
	[tilespmem:s8+$0xC90] =	vst v46  }
0x177: {  	v38 =	vld [tilespmem:s8+$0x18A0];
	[tilespmem:s8+$0xCA0] =	vst v3;
	v3 =	vadd.f32 v60, v59  }
0x178: {  	v44 =	vld [tilespmem:s8+$0x14A0];
	v49 =	vadd.f32 v58, v57;
	[tilespmem:s8+$0x8F0] =	vst v43  }
0x179: {  	v50 =	vld [tilespmem:s8+$0x14C0];
	[tilespmem:s8+$0xCC0] =	vst v3;
	v3 =	vadd.f32 v4, v63  }
0x17a: {  	v57 =	vld [tilespmem:s8+$0x94E0];
	v58 =	vadd.f32 v11, v10;
	[tilespmem:s8+$0xCB0] =	vst v49  }
0x17b: {  	v46 =	vld [tilespmem:s8+$0x98D0];
	[tilespmem:s8+$0xCE0] =	vst v3;
	v3 =	vadd.f32 v9, v8  }
0x17c: {  	v37 =	vadd.f32 v37, v22;
	v40 =	vadd.f32 v42, v41;
	v41 =	vld [tilespmem:s8+$0x18B0];
	[tilespmem:s8+$0x1090] =	vst v58  }
0x17d: {  	v42 =	vld [tilespmem:s8+$0x98B0];
	[tilespmem:s8+$0x1080] =	vst v3;
	v3 =	vadd.f32 v13, v12  }
0x17e: {  	v47 =	vld [tilespmem:s8+$0x14B0];
	[tilespmem:s8+$0x10F0] =	vst v37  }
0x17f: {  	v48 =	vld [tilespmem:s8+$0x94B0];
	[tilespmem:s8+$0x10A0] =	vst v3;
	v3 =	vadd.f32 v17, v16  }
0x180: {  	v49 =	vld [tilespmem:s8+$0x98E0];
	[tilespmem:s8+$0x1490] =	vst v40;
	v52 =	vadd.f32 v62, v61  }
0x181: {  	v51 =	vld [tilespmem:s8+$0x94C0];
	[tilespmem:s8+$0x10C0] =	vst v3;
	v3 =	vadd.f32 v21, v20  }
0x182: {  	v61 =	vadd.f32 v15, v14;
	v62 =	vld [tilespmem:s8+$0x1880];
	[tilespmem:s8+$0xCD0] =	vst v52  }
0x183: {  	v56 =	vld [tilespmem:s8+$0x14E0];
	[tilespmem:s8+$0x10E0] =	vst v3;
	v3 =	vadd.f32 v39, v24  }
0x184: {  	v55 =	vadd.f32 v7, v6;
	[tilespmem:s8+$0x10B0] =	vst v61;
	v52 =	vld [tilespmem:s8+$0x98F0]  }
0x185: {  	v43 =	vadd.f32 v48, v47;
	v47 =	vld [tilespmem:s8+$0x18E0];
	[tilespmem:s8+$0x1480] =	vst v3;
	v3 =	vadd.f32 v45, v44  }
0x186: {  	[tilespmem:s8+$0xCF0] =	vst v55;
	v63 =	vld [tilespmem:s8+$0x9880]  }
0x187: {  	v59 =	vld [tilespmem:s8+$0x14F0];
	[tilespmem:s8+$0x14A0] =	vst v3;
	v3 =	vadd.f32 v51, v50  }
0x188: {  	[tilespmem:s8+$0x14B0] =	vst v43;
	v4 =	vadd.f32 v54, v53;
	v39 =	vld [tilespmem:s8+$0x98A0]  }
0x189: {  	v60 =	vld [tilespmem:s8+$0x94F0];
	[tilespmem:s8+$0x14C0] =	vst v3;
	v3 =	vadd.f32 v57, v56  }
0x18a: {  	v54 =	vadd.f32 v42, v41;
	[tilespmem:s8+$0x14D0] =	vst v4;
	v45 =	vld [tilespmem:s8+$0x18D0]  }
0x18b: {  	v53 =	vld [tilespmem:s8+$0x98C0];
	[tilespmem:s8+$0x14E0] =	vst v3;
	v3 =	vadd.f32 v63, v62  }
0x18c: {  	[tilespmem:s8+$0x18B0] =	vst v54;
	v55 =	vadd.f32 v49, v47;
	v50 =	vld [tilespmem:s8+$0x18F0]  }
0x18d: {  	v44 =	vld [tilespmem:s8+$0x18C0];
	[tilespmem:s8+$0x1880] =	vst v3;
	v3 =	vadd.f32 v39, v38  }
0x18e: {  	v48 =	vadd.f32 v60, v59;
	[tilespmem:s8+$0x18E0] =	vst v55  }
0x18f: {  	[tilespmem:s8+$0x18A0] =	vst v3;
	v3 =	vadd.f32 v46, v45  }
0x190: {  	s19 =	sand.u32 $0x7, s4;
	[tilespmem:s8+$0x14F0] =	vst v48;
	v51 =	vadd.f32 v36, v35  }
0x191: {  	s18 =	sshll.u32 s19, $0x7;
	[tilespmem:s8+$0x18D0] =	vst v3;
	v3 =	vadd.f32 v52, v50  }
0x192: {  	s18 =	sadd.s32 s18, s16;
	[tilespmem:s8+$0x1890] =	vst v51;
	v56 =	vadd.f32 v53, v44  }
0x193: {  	s19 =	sor.u32 $0x1C00, s18;
	[tilespmem:s8+$0x18F0] =	vst v3  }
0x194: {  	[tilespmem:s8+$0x18C0] =	vst v56;
	v3 =	vld [tilespmem:s19+$0x80]  }
0x195: {  	v4 =	vld [tilespmem:s19+$0x8080];
	_ =	sdelay $0x4  }
0x196: {  	v3 =	vadd.f32 v4, v3;
	_ =	sdelay $0x1  }
0x197: {  	[tilespmem:s19+$0x80] =	vst v3;
	s19 =	sor.u32 $0x1C10, s18  }
0x198: {  	v3 =	vld [tilespmem:s19+$0x80]  }
0x199: {  	v57 =	vld [tilespmem:s19+$0x8080];
	_ =	sdelay $0x4  }
0x19a: {  	v3 =	vadd.f32 v57, v3;
	_ =	sdelay $0x1  }
0x19b: {  	[tilespmem:s19+$0x80] =	vst v3;
	s19 =	sor.u32 $0x1C20, s18  }
0x19c: {  	v3 =	vld [tilespmem:s19+$0x80]  }
0x19d: {  	v58 =	vld [tilespmem:s19+$0x8080];
	_ =	sdelay $0x4  }
0x19e: {  	v3 =	vadd.f32 v58, v3;
	_ =	sdelay $0x1  }
0x19f: {  	[tilespmem:s19+$0x80] =	vst v3;
	s19 =	sor.u32 $0x1C30, s18  }
0x1a0: {  	v3 =	vld [tilespmem:s19+$0x80]  }
0x1a1: {  	v59 =	vld [tilespmem:s19+$0x8080];
	_ =	sdelay $0x4  }
0x1a2: {  	v3 =	vadd.f32 v59, v3;
	_ =	sdelay $0x1  }
0x1a3: {  	[tilespmem:s19+$0x80] =	vst v3;
	s19 =	sor.u32 $0x1C40, s18  }
0x1a4: {  	v3 =	vld [tilespmem:s19+$0x80]  }
0x1a5: {  	v60 =	vld [tilespmem:s19+$0x8080];
	_ =	sdelay $0x4  }
0x1a6: {  	v3 =	vadd.f32 v60, v3;
	_ =	sdelay $0x1  }
0x1a7: {  	[tilespmem:s19+$0x80] =	vst v3;
	s19 =	sor.u32 $0x1C50, s18  }
0x1a8: {  	v3 =	vld [tilespmem:s19+$0x80]  }
0x1a9: {  	v61 =	vld [tilespmem:s19+$0x8080];
	_ =	sdelay $0x4  }
0x1aa: {  	v3 =	vadd.f32 v61, v3;
	_ =	sdelay $0x1  }
0x1ab: {  	[tilespmem:s19+$0x80] =	vst v3;
	s19 =	sor.u32 $0x1C60, s18  }
0x1ac: {  	v3 =	vld [tilespmem:s19+$0x80]  }
0x1ad: {  	v62 =	vld [tilespmem:s19+$0x8080];
	_ =	sdelay $0x4  }
0x1ae: {  	v3 =	vadd.f32 v62, v3;
	_ =	sdelay $0x1  }
0x1af: {  	[tilespmem:s19+$0x80] =	vst v3;
	s19 =	sor.u32 $0x1C70, s18  }
0x1b0: {  	v3 =	vld [tilespmem:s19+$0x80]  }
0x1b1: {  	v63 =	vld [tilespmem:s19+$0x8080];
	_ =	sdelay $0x1  }
0x1b2: {  	p0 =	sne.s32 s17, $0xF80  }
.Ltmp1:
0x1b3: {  	_ = 	snop;
	(pc) =	sbr.rel @p0 .LBB2_4-.Ltmp1, $4  }
0x1b4: {  	_ = 	snop  }
0x1b5: {  	v3 =	vadd.f32 v63, v3  }
0x1b6: {  	s4 =	sadd.s32 $0x1, s4  }
0x1b7: {  	s15 =	sadd.s32 $0x400, s15;
	s17 =	sadd.s32 $0x80, s17;
	s16 =	sadd.s32 $0x400, s16;
	[tilespmem:s19+$0x80] =	vst v3  }
0x1b8: {  	s1 =	sadd.s32 $0x1, s1  }
0x1b9: {  	p0 =	sne.s32 s1, s12  }
.Ltmp2:
0x1ba: {  	_ = 	snop;
	(pc) =	sbr.rel @p0 .LBB2_1-.Ltmp2, $4  }
0x1bb: {  	[hbm4b:s11+s2] =	stream.linear.scatter [tilespmem:s14], [sflag:$0x2], $0x8000, $0x38;
	[tilespmem:$0x10080] =	vst v63  }
0x1bc: {  	_ =	swait.ge [sflag:s13], $0x8000  }
0x1bd: {  	[sflag:s13] =	ssyncset.done $0x0  }
0x1be: {  	[sflag:s13] =	ssyncadd.s32 $0xFFFF8000  }
0x1bf: {  	_ =	sfence.sel $0x180000  }
0x1c0: {  	[bflag:$0x0] =	sbarrier.arrive $0xFFFF  }
0x1c1: {  	_ =	strace $0x9000004A  }
0x1c2: {  	s0 =	stileid.u32;
	[bflag:$0x2] =	sbarrier.arrive $0xFFFF  }
0x1c3: {  	p0 =	sne.s32 s0, $0x0;
	s0 =	rddreg [dreg:$0x2]  }
0x1c4: {  	s0 =	sadd.s32 @!p0 $0x100000, s0  }
0x1c5: {  	[sflag:s0] =	ssyncadd.tile.s32 @!p0 $0x1;
	_ =	shalt  }
.Lfunc_end2:
_tile_overlayer_lowered:
.L_overlay_start_2:
0x1c6: {  	(tag) =	ssettag $0x2  }
0x1c7: {  	s0 =	rddreg [dreg:$0x0];
	s2 =	stileid.u32  }
0x1c8: {  	s1 =	rddreg [dreg:$0x1];
	p0 =	sne.s32 s2, $0x0  }
0x1c9: {  	s3 =	rddreg [dreg:$0x2];
	[bflag:$0x3] =	sbarrier.arrive $0xFFFF;
	s2 =	simm.s32 @!p0 $0x1C02  }
0x1ca: {  	[timem:s3], [sflag:s2] =	dma.local @!p0 [hbm:s0], s1  }
0x1cb: {  	s0 =	simm.s32 @!p0 $0x2  }
0x1cc: {  	_ =	swait.ge @!p0 [sflag:s0], s1  }
0x1cd: {  	s1 =	ssub.s32 @!p0 $0x0, s1;
	[sflag:s0] =	ssyncset.done @!p0 $0x0  }
0x1ce: {  	[sflag:s0] =	ssyncadd.s32 @!p0 s1  }
0x1cf: {  	[bflag:$0x3] =	sbarrier.arrive $0xFFFF  }
0x1d0: {  	_ =	shalt  }

// kernel: kernel.7.cloned.1.call-start
scs
__scs_entry_jumppad:
0x0: {  	(pc) =	sbr.rel $0x88, $3  }
0x1: {  	(tag) =	ssettag $0x0;
	lr =	simm.s32 $0x1  }
0x2: {  	[smem:$0x3F99] =	sst lr;
	_ =	strace $0xD0000000  }
0x3: {  	_ = 	snop  }
0x4: {  	_ = 	snop  }
0x5: {  	_ = 	snop  }
0x6: {  	_ = 	snop  }
0x7: {  	_ = 	snop  }
__scs_overlays_trampoline_lowered:
0x8: {  	[smem:$0x3FA8] =	sst s0  }
0x9: {  	[smem:$0x3FA9] =	sst s1  }
0xa: {  	[smem:$0x3FAA] =	sst s2  }
0xb: {  	[smem:$0x3FAB] =	sst s3  }
0xc: {  	[smem:$0x3FAC] =	sst s4  }
0xd: {  	[smem:$0x3FAD] =	sst s5  }
0xe: {  	[smem:$0x3FAE] =	sst s6  }
0xf: {  	[smem:$0x3FAF] =	sst s7  }
0x10: {  	[smem:$0x3FB0] =	sst s8  }
0x11: {  	[smem:$0x3FB1] =	sst s9;
	s0 =	simm.s32 @!p0 $0x0  }
0x12: {  	s1 =	sld [smem:$0x3F97];
	s0 =	simm.s32 @p0 $0x1  }
0x13: {  	[smem:$0x3FB2] =	sst s0;
	s0 =	simm.s32 @!p1 $0x0  }
0x14: {  	s2 =	sld [smem:$0x3F96];
	s0 =	simm.s32 @p1 $0x1  }
0x15: {  	[smem:$0x3FB3] =	sst s0;
	s0 =	simm.s32 @!p2 $0x0  }
0x16: {  	s3 =	sld [smem:$0x3FDB];
	s0 =	simm.s32 @p2 $0x1  }
0x17: {  	s4 =	simm.s32 $0x1BF5;
	[smem:$0x3FB5] =	sst s0  }
0x18: {  	s0 =	sld [smem:$0x3F98];
	_ =	swait.ge [sflag:s4], $0x0  }
0x19: {  	s7 =	sld [smem:$0x3F99]  }
0x1a: {  	s8 =	sadd.s32 $0xFFFFE003, lr  }
0x1b: {  	s9 =	sadd.s32 $0xFFFFFEF7, lr;
	s5 =	simm.s32 $0xFFFFFFFF;
	p2 =	slt.u32 s8, $0xFFFFF086  }
0x1c: {  	p1 =	slt.u32 s9, $0xF7A;
	s5 =	simm.s32 @!p2 $0x0  }
0x1d: {  	s5 =	simm.s32 @p1 $0x1;
	p0 =	seq.s32 s7, s2  }
0x1e: {  	s7 =	smul.u32 @!p0 $0xF7A, s2;
	p2 =	seq.s32 @!p0 s5, $0x0  }
0x1f: {  	s9 =	smul.u32 $0xF7A, s1;
	s8 =	simm.s32 @!p0 $0x1BF5;
	p2 =	por !p2, p0  }
0x20: {  	[sflag:s8] =	ssyncset.s32 @!p0 $0xFFFFF086;
	s6 =	sadd.s32 @!p0 s3, s7;
	s7 =	simm.s32 @!p0 $0x108  }
0x21: {  	s3 =	sadd.s32 s3, s9;
	s6 =	sadd.s32 @!p0 $0x88, s6;
	s7 =	simm.s32 @p2 $0x1082  }
0x22: {  	[simem:s7], [sflag:s8] =	dma.local @!p0 [hbm:s6], $0xF7A  }
0x23: {  	s9 =	sor.u32 $0xD0000000, s2;
	s6 =	simm.s32 $0x108;
	_ =	swait.ge @!p0 [sflag:s8], $0x0  }
0x24: {  	s3 =	sadd.s32 $0x88, s3;
	s6 =	simm.s32 @!p1 $0x1082;
	[sflag:s4] =	ssyncset.s32 $0xFFFFF086  }
0x25: {  	[simem:s6], [sflag:s4] =	dma.local [hbm:s3], $0xF7A  }
0x26: {  	[smem:$0x3F99] =	sst s1;
	(tag) =	ssettag s2;
	_ =	strace s9  }
0x27: {  	s1 =	sld [smem:$0x3FA9]  }
0x28: {  	s2 =	sld [smem:$0x3FAA]  }
0x29: {  	s4 =	sld [smem:$0x3FAC]  }
0x2a: {  	p0 =	seq.s32 s5, $0x0;
	s5 =	sld [smem:$0x3FAD]  }
0x2b: {  	s6 =	sld [smem:$0x3FAE]  }
0x2c: {  	s7 =	sld [smem:$0x3FAF]  }
0x2d: {  	s3 =	simm.s32 $0x108;
	s8 =	sld [smem:$0x3FB0]  }
0x2e: {  	s3 =	simm.s32 @!p0 $0x1082;
	s9 =	sld [smem:$0x3FB1]  }
0x2f: {  	lr =	sadd.s32 s0, s3;
	s0 =	sld [smem:$0x3FA8]  }
0x30: {  	s3 =	sld [smem:$0x3FAB]  }
0x31: {  	[smem:$0x3FB4] =	sst s10  }
0x32: {  	s10 =	sld [smem:$0x3FB2];
	_ =	sdelay $0x3  }
0x33: {  	p0 =	seq.s32 s10, $0x1;
	s10 =	sld [smem:$0x3FB4];
	_ =	sdelay $0x3  }
0x34: {  	[smem:$0x3FB4] =	sst s10  }
0x35: {  	s10 =	sld [smem:$0x3FB3];
	_ =	sdelay $0x3  }
0x36: {  	p1 =	seq.s32 s10, $0x1;
	s10 =	sld [smem:$0x3FB4];
	_ =	sdelay $0x3  }
0x37: {  	[smem:$0x3FB4] =	sst s10  }
0x38: {  	s10 =	sld [smem:$0x3FB5]  }
0x39: {  	_ = 	snop;
	(pc) =	sbr.ind lr, $3  }
0x3a: {  	_ = 	snop  }
0x3b: {  	_ = 	snop  }
0x3c: {  	p2 =	seq.s32 s10, $0x1;
	s10 =	sld [smem:$0x3FB4]  }
0x3d: {  	_ =	shalt  }
0x3e: {  	_ =	shalt  }
0x3f: {  	_ =	shalt  }
0x40: {  	_ =	shalt  }
0x41: {  	_ =	shalt  }
0x42: {  	_ =	shalt  }
0x43: {  	_ =	shalt  }
0x44: {  	_ =	shalt  }
0x45: {  	_ =	shalt  }
0x46: {  	_ =	shalt  }
0x47: {  	_ =	shalt  }
0x48: {  	_ =	shalt  }
0x49: {  	_ =	shalt  }
0x4a: {  	_ =	shalt  }
0x4b: {  	_ =	shalt  }
0x4c: {  	_ =	shalt  }
0x4d: {  	_ =	shalt  }
0x4e: {  	_ =	shalt  }
0x4f: {  	_ =	shalt  }
0x50: {  	_ =	shalt  }
0x51: {  	_ =	shalt  }
0x52: {  	_ =	shalt  }
0x53: {  	_ =	shalt  }
0x54: {  	_ =	shalt  }
0x55: {  	_ =	shalt  }
0x56: {  	_ =	shalt  }
0x57: {  	_ =	shalt  }
0x58: {  	_ =	shalt  }
0x59: {  	_ =	shalt  }
0x5a: {  	_ =	shalt  }
0x5b: {  	_ =	shalt  }
0x5c: {  	_ =	shalt  }
0x5d: {  	_ =	shalt  }
0x5e: {  	_ =	shalt  }
0x5f: {  	_ =	shalt  }
0x60: {  	_ =	shalt  }
0x61: {  	_ =	shalt  }
0x62: {  	_ =	shalt  }
0x63: {  	_ =	shalt  }
0x64: {  	_ =	shalt  }
0x65: {  	_ =	shalt  }
0x66: {  	_ =	shalt  }
0x67: {  	_ =	shalt  }
0x68: {  	_ =	shalt  }
0x69: {  	_ =	shalt  }
0x6a: {  	_ =	shalt  }
0x6b: {  	_ =	shalt  }
0x6c: {  	_ =	shalt  }
0x6d: {  	_ =	shalt  }
0x6e: {  	_ =	shalt  }
0x6f: {  	_ =	shalt  }
0x70: {  	_ =	shalt  }
0x71: {  	_ =	shalt  }
0x72: {  	_ =	shalt  }
0x73: {  	_ =	shalt  }
0x74: {  	_ =	shalt  }
0x75: {  	_ =	shalt  }
0x76: {  	_ =	shalt  }
0x77: {  	_ =	shalt  }
0x78: {  	_ =	shalt  }
0x79: {  	_ =	shalt  }
0x7a: {  	_ =	shalt  }
0x7b: {  	_ =	shalt  }
0x7c: {  	_ =	shalt  }
0x7d: {  	_ =	shalt  }
0x7e: {  	_ =	shalt  }
0x7f: {  	_ =	shalt  }
0x80: {  	_ =	shalt  }
0x81: {  	_ =	shalt  }
0x82: {  	_ =	shalt  }
0x83: {  	_ =	shalt  }
0x84: {  	_ =	shalt  }
0x85: {  	_ =	shalt  }
0x86: {  	_ =	shalt  }
0x87: {  	_ =	shalt  }
.Lfunc_end0:
.L_simem_size_0:
called_computation_lowered:
.L_overlay_start_0:
0x88: {  	s2 =	sld [smem:$0x3FD9]  }
0x89: {  	s3 =	sld [smem:$0x3FFE];
	_ =	sdelay $0x1  }
0x8a: {  	s1 =	srdreg.scid  }
0x8b: {  	s0 =	sand.u32 $0x1, s1  }
0x8c: {  	s14 =	sshll.u32 s0, $0xA;
	s2 =	sadd.s32 s3, s2  }
0x8d: {  	s2 =	sadd.s32 s2, s14  }
0x8e: {  	[smem:$0x3FC0] =	sst s2  }
0x8f: {  	_ = 	snop  }
0x90: {  	s2 =	sld [smem:$0x3FD0];
	_ =	sdelay $0x2  }
0x91: {  	s15 =	simm.s32 $0xA;
	s4 =	simm.s32 $0x10  }
0x92: {  	[smem:s4], [sflag:s15] =	dma.local [hbm:s2], $0x1  }
0x93: {  	_ =	swait.eq [sflag:s15], $0x1  }
0x94: {  	[sflag:s15] =	ssyncset.done $0x0  }
0x95: {  	s16 =	sld [smem:$0x10];
	[sflag:s15] =	ssyncadd.s32 $0xFFFFFFFF  }
0x96: {  	s17 =	sld [smem:$0x11];
	(tm) =	ssettm $0x1  }
0x97: {  	s18 =	sld [smem:$0x3FFB];
	_ =	sdelay $0x3  }
0x98: {  	_ =	strace s18  }
0x99: {  	s4 =	sld [smem:$0x3FFC];
	_ =	sdelay $0x3  }
0x9a: {  	_ =	strace s4  }
0x9b: {  	s4 =	sld [smem:$0x3FFD];
	_ =	sdelay $0x3  }
0x9c: {  	_ =	strace s4  }
0x9d: {  	_ =	strace $0x8FFFFFFF  }
0x9e: {  	s19 =	sld [smem:$0x3FDB];
	_ =	sdelay $0x1  }
0x9f: {  	s5 =	simm.s32 $_scs_section_size  }
0xa0: {  	s6 =	simm.s32 $_size__tile_overlayer_lowered;
	s7 =	simm.s32 $_tile_overlayer_lowered  }
0xa1: {  	s22 =	simm.s32 $0x1BFF;
	s21 =	sshll.u32 s7, $0x1;
	s4 =	sadd.s32 s5, s19  }
0xa2: {  	s8 =	simm.s32 $0x0;
	s20 =	sshll.u32 s6, $0x1;
	s6 =	sadd.s32 s21, s4  }
0xa3: {  	[timem:s8], [sflag:s22] =	dma.local [hbm:s6], s20  }
0xa4: {  	_ =	swait.ge [sflag:s22], s20  }
0xa5: {  	s5 =	ssub.s32 $0x0, s20;
	[sflag:s22] =	ssyncset.done $0x0  }
0xa6: {  	[sflag:s22] =	ssyncadd.s32 s5;
	_ =	sdelay $0x1  }
0xa7: {  	s23 =	simm.s32 $0x1B8B  }
0xa8: {  	_ =	swait.ge [sflag:s23], $0x1  }
0xa9: {  	[sflag:s23] =	ssyncset.done $0x0  }
0xaa: {  	s25 =	simm.s32 $0x1B8E;
	s24 =	sld [smem:$0x3FFE];
	[sflag:s23] =	ssyncadd.s32 $0xFFFFFFFF  }
0xab: {  	s26 =	simm.s32 $execute0_lowered;
	[smem:$0x3FD2] =	sst s25  }
0xac: {  	s6 =	sshll.u32 s26, $0x1;
	_ =	strace $0x80000046;
	[dreg:$0x1] =	wrdreg $0xFFFFFFFF  }
0xad: {  	s28 =	simm.s32 $_size_execute0_lowered;
	s4 =	sadd.s32 s4, s6;
	[dreg:$0x0] =	wrdreg $0x0  }
0xae: {  	s6 =	sshll.u32 s28, $0x1;
	[dreg:$0x2] =	wrdreg s4  }
0xaf: {  	[dreg:$0x3] =	wrdreg s6  }
0xb0: {  	[dreg:$0x4] =	wrdreg $0xC0  }
0xb1: {  	_ =	task [dreg:s8], $0x5FFFF  }
0xb2: {  	[dreg:$0x1] =	wrdreg $0xFFFFFFFF  }
0xb3: {  	[dreg:$0x0] =	wrdreg $0x60  }
0xb4: {  	[dreg:$0x2] =	wrdreg s16  }
0xb5: {  	[dreg:$0x3] =	wrdreg s24  }
0xb6: {  	[dreg:$0x4] =	wrdreg s17  }
0xb7: {  	[dreg:$0x5] =	wrdreg $0x9  }
0xb8: {  	_ =	task.clear_ibuf [dreg:s8], $0x6FFFF;
	_ =	strace $0x90000046  }
0xb9: {  	s29 =	simm.s32 $0x9;
	_ =	strace $0x80000048  }
0xba: {  	_ =	swait.ge [sflag:s29], $0x1  }
0xbb: {  	[sflag:s29] =	ssyncadd.s32 $0xFFFFFFFF  }
0xbc: {  	_ =	strace $0x90000048  }
0xbd: {  	_ =	sfence  }
0xbe: {  	s30 =	sld [smem:$0x0];
	_ =	sdelay $0x2  }
0xbf: {  	s31 =	sshll.u32 s1, $0xD;
	s1 =	sshrl.u32 s1, $0x2  }
0xc0: {  	s3 =	sand.u32 $0x4000, s31;
	s1 =	sadd.s32 s1, s30  }
0xc1: {  	s0 =	sor.u32 s3, s0;
	s1 =	sshll.u32 s1, $0x11  }
0xc2: {  	s0 =	sor.u32 s1, s0  }
0xc3: {  	s0 =	sadd.s32 $0x8F2B, s0  }
0xc4: {  	[sflag:s0] =	ssyncadd.remote.s32 $0x1  }
0xc5: {  	_ =	sfence.sel $0xFFFF  }
0xc6: {  	[dreg:$0x0] =	wrdreg $0xFFFFFFFF;
	(pc) =	sbr.abs _section_cstart, $3  }
0xc7: {  	[dreg:$0x1] =	wrdreg $0xFFFFFFFF  }
0xc8: {  	_ =	task.clear_ibuf [dreg:s8], $0x2FFFF;
	_ =	strace $0x9FFFFFFF  }
0xc9: {  	(tm) =	ssettm $0x7FFFFFFF  }
tec
execute0_lowered:
.L_overlay_start_1:
0x0: {  	(tag) =	ssettag $0x1  }
0x1: {  	s1 =	rddreg [dreg:$0x0]  }
0x2: {  	s2 =	srdreg.scid;
	s6 =	rddreg [dreg:$0x1]  }
0x3: {  	s3 =	rddreg [dreg:$0x2];
	s4 =	sand.u32 $0x1, s2;
	s2 =	simm.s32 $0x0  }
0x4: {  	s8 =	sadd.s32 $0x1600, s6;
	[smem:$0x7FF] =	sst s2  }
0x5: {  	s12 =	simm.s32 $0x80;
	_ =	strace $0x80000047;
	[dreg:$0x4] =	wrdreg s8  }
0x6: {  	s13 =	simm.s32 $0x180;
	[dreg:$0x9] =	wrdreg s12  }
0x7: {  	s0 =	stileid.u32;
	s14 =	simm.s32 $0x100;
	[dreg:$0xa] =	wrdreg s13  }
0x8: {  	s15 =	simm.s32 $0xA80;
	s16 =	simm.s32 $0x1280;
	[dreg:$0xb] =	wrdreg s14  }
0x9: {  	s17 =	simm.s32 $0x1A80;
	s19 =	simm.s32 $0x2280;
	[dreg:$0xc] =	wrdreg s15  }
0xa: {  	s21 =	simm.s32 $0x2A80;
	s22 =	simm.s32 $0x3280;
	[dreg:$0xd] =	wrdreg s16  }
0xb: {  	s23 =	simm.s32 $0x3A80;
	s24 =	simm.s32 $0x4280;
	[dreg:$0xe] =	wrdreg s17  }
0xc: {  	s25 =	simm.s32 $0x4A80;
	s26 =	simm.s32 $0x5280;
	[dreg:$0xf] =	wrdreg s19  }
0xd: {  	s28 =	simm.s32 $0xDA80;
	s29 =	simm.s32 $0xE280;
	[dreg:$0x10] =	wrdreg s21  }
0xe: {  	s30 =	simm.s32 $0xEA80;
	s31 =	simm.s32 $0xF280;
	[dreg:$0x11] =	wrdreg s22  }
0xf: {  	s5 =	sshll.u32 s0, $0x7;
	s7 =	sshll.u32 s4, $0x6;
	[dreg:$0x12] =	wrdreg s23  }
0x10: {  	s4 =	ssub.s32 $0x2, s4;
	s5 =	sor.u32 s7, s5;
	[dreg:$0x13] =	wrdreg s24  }
0x11: {  	s18 =	sshrl.u32 s4, $0x1;
	s8 =	simm.s32 $0x1;
	[dreg:$0x14] =	wrdreg s25  }
0x12: {  	[dreg:$0x15] =	wrdreg s26;
	s12 =	simm.s32 $0x6280;
	s13 =	simm.s32 $0x6A80  }
0x13: {  	s14 =	simm.s32 $0x7280;
	s15 =	simm.s32 $0x7A80;
	s16 =	simm.s32 $0x8280  }
0x14: {  	s17 =	simm.s32 $0x8A80;
	s19 =	simm.s32 $0x9A80;
	s21 =	simm.s32 $0xAA80  }
0x15: {  	s22 =	simm.s32 $0xB280;
	s23 =	simm.s32 $0xBA80;
	s24 =	simm.s32 $0xC280  }
0x16: {  	s25 =	simm.s32 $0xCA80;
	s26 =	simm.s32 $0xD280;
	s7 =	sshrl.u32 s5, $0x3  }
0x17: {  	s5 =	sshll.u32 s5, $0x7;
	s20 =	ssub.s32 s4, s18;
	s4 =	sadd.s32 $0x1B00, s6  }
0x18: {  	s18 =	simm.s32 $0x9280;
	s9 =	sadd.s32 s7, s6;
	s3 =	sadd.s32 s3, s7  }
0x19: {  	s1 =	sadd.s32 s1, s5;
	s5 =	sadd.s32 $0x1C00, s6;
	s7 =	smax.u32 s20, $0x1  }
0x1a: {  	s20 =	simm.s32 $0xA280;
	s10 =	sadd.s32 $0x1800, s9;
	[dreg:$0x6] =	wrdreg s3  }
0x1b: {  	v2 =	vlaneseq.u32;
	s11 =	sadd.s32 $0x81A00, s9;
	[dreg:$0x8] =	wrdreg s1;
	s3 =	sadd.s32 $0x1A00, s6  }
0x1c: {  	vm0 =	vmmov $0xffff;
	v1 =	vshrl.u32 v2, $0x3;
	s6 =	sadd.s32 $0x1D00, s6;
	s9 =	simm.s32 $0x200;
	[dreg:$0x5] =	wrdreg s10  }
0x1d: {  	v0 =	vand.u32 $0x7, v2;
	v2 =	vor.u32 $0x8, v2;
	v1 =	vmul.u32 $0x8, v1;
	s1 =	simm.s32 $0xFA80;
	[dreg:$0x7] =	wrdreg s11;
	s10 =	simm.s32 $0x280  }
.LBB2_1:
0x1e: {  	s0 =	rddreg [dreg:$0x5]  }
0x1f: {  	[tilespmem:s2], [sflag:$0x1] =	stream.linear.gather [hbm4b:s0+s2], $0x40, $0x38;
	[tilespmem:$0x10280] =	vst v63  }
0x20: {  	_ =	swait.ge [sflag:s8], $0x40  }
0x21: {  	s0 =	rddreg [dreg:$0x6];
	[sflag:s8] =	ssyncset.done $0x0  }
0x22: {  	s11 =	rddreg [dreg:$0x9];
	[sflag:s8] =	ssyncadd.s32 $0xFFFFFFC0  }
0x23: {  	[tilespmem:s11], [sflag:$0x1] =	stream.linear.gather [hbm4b:s0+s2], $0x40, $0x38;
	[tilespmem:$0x10280] =	vst v63  }
0x24: {  	_ =	swait.ge [sflag:s8], $0x40  }
0x25: {  	s0 =	rddreg [dreg:$0x4];
	[sflag:s8] =	ssyncset.done $0x0  }
0x26: {  	s11 =	rddreg [dreg:$0xa];
	[sflag:s8] =	ssyncadd.s32 $0xFFFFFFC0  }
0x27: {  	[tilespmem:s11], [sflag:$0x1] =	stream.linear.gather [hbm4b:s0+s2], $0x80, $0x38;
	[tilespmem:$0x10280] =	vst v63  }
0x28: {  	_ =	swait.ge [sflag:s8], $0x80  }
0x29: {  	[sflag:s8] =	ssyncset.done $0x0  }
0x2a: {  	[sflag:s8] =	ssyncadd.s32 $0xFFFFFF80  }
0x2b: {  	v3 =	vld [tilespmem:$0x180];
	_ =	sdelay $0x4  }
0x2c: {  	v3 =	vadd.s32 $0xFF, v3  }
0x2d: {  	v3 =	vand.u32 $0xFFFFFF00, v3  }
0x2e: {  	(xrf0) =	vadd.scan.msk.s32 $0xffff, v3  }
0x2f: {  	v4 =	vld [tilespmem:$0x0];
	_ =	sdelay $0x4  }
0x30: {  	v5, _, _ =	vpop (xrf0)  }
0x31: {  	v55 =	vld [tilespmem:$0x80];
	v3 =	vsub.s32 v5, v3  }
0x32: {  	[tilespmem:$0x200] =	vst v3;
	v3 =	vld [tilespmem:$0x10]  }
0x33: {  	v4 =	vld.idx.msk [tilespmem:v4+s9+$0x0], $0xffff;
	_ =	sdelay $0x4  }
0x34: {  	v56 =	vld [tilespmem:$0x90];
	v4 =	vadd.s32 v55, v4  }
0x35: {  	v57 =	vld [tilespmem:$0x20];
	[tilespmem:$0x100] =	vst v4  }
0x36: {  	v3 =	vld.idx.msk [tilespmem:v3+s9+$0x0], $0xffff;
	_ =	sdelay $0x4  }
0x37: {  	v58 =	vld [tilespmem:$0xA0];
	v3 =	vadd.s32 v56, v3  }
0x38: {  	[tilespmem:$0x110] =	vst v3;
	v3 =	vld [tilespmem:$0x30]  }
0x39: {  	v4 =	vld.idx.msk [tilespmem:v57+s9+$0x0], $0xffff;
	_ =	sdelay $0x4  }
0x3a: {  	v4 =	vadd.s32 v58, v4  }
0x3b: {  	v59 =	vld [tilespmem:$0xB0];
	[tilespmem:$0x120] =	vst v4  }
0x3c: {  	v3 =	vld.idx.msk [tilespmem:v3+s9+$0x0], $0xffff;
	_ =	sdelay $0x4  }
0x3d: {  	s0 =	rddreg [dreg:$0x7];
	v3 =	vadd.s32 v59, v3  }
0x3e: {  	s11 =	rddreg [dreg:$0xb];
	[tilespmem:$0x130] =	vst v3  }
0x3f: {  	[hbm4b:s0+s2] =	stream.linear.scatter [tilespmem:s11], [sflag:$0x1], $0x40, $0x38;
	[tilespmem:$0x10280] =	vst v63  }
0x40: {  	_ =	swait.ge [sflag:s8], $0x40  }
0x41: {  	[sflag:s8] =	ssyncset.done $0x0  }
0x42: {  	s11 =	rddreg [dreg:$0x8];
	[sflag:s8] =	ssyncadd.s32 $0xFFFFFFC0  }
0x43: {  	[tilespmem:s10], [sflag:$0x1] =	stream.linear.gather [hbm4b:s11+s2], $0x10000, $0x38;
	[tilespmem:$0x10280] =	vst v63  }
0x44: {  	_ =	swait.ge [sflag:s8], $0x10000  }
0x45: {  	[sflag:s8] =	ssyncset.done $0x0  }
0x46: {  	[sflag:s8] =	ssyncadd.s32 $0xFFFF0000  }
0x47: {  	v3 =	vld [tilespmem:$0x100];
	_ =	sdelay $0x4  }
0x48: {  	v60 =	vshll.u32 v3, $0x3  }
0x49: {  	v3 =	vand.u32 $0x7, v3;
	v4 =	vand.u32 $0xFFFFFFC0, v60  }
0x4a: {  	v3 =	vor.u32 v3, v4  }
0x4b: {  	v4 =	vperm.xlane v3, v0;
	_ =	sdelay $0x1  }
0x4c: {  	v4 =	vadd.s32 v1, v4;
	_ =	sdelay $0x4  }
0x4d: {  	[hbm4b:s3+s2] =	stream.indirect_vreg.scatter [tilespmem:s10], [sflag:$0x1], $0x80, v4, vm0, $0xb8;
	[tilespmem:$0x10280] =	vst v63  }
0x4e: {  	s0 =	rddreg [dreg:$0xc];
	v3 =	vperm.xlane v3, v2  }
0x4f: {  	[hbm4b:s4+s2] =	stream.indirect_vreg.scatter [tilespmem:s0], [sflag:$0x1], $0x80, v4, vm0, $0xb8;
	[tilespmem:$0x10280] =	vst v63  }
0x50: {  	s11 =	rddreg [dreg:$0xd];
	v3 =	vadd.s32 v1, v3  }
0x51: {  	[hbm4b:s5+s2] =	stream.indirect_vreg.scatter [tilespmem:s11], [sflag:$0x1], $0x80, v4, vm0, $0xb8;
	[tilespmem:$0x10280] =	vst v63  }
0x52: {  	s0 =	rddreg [dreg:$0xe]  }
0x53: {  	[hbm4b:s6+s2] =	stream.indirect_vreg.scatter [tilespmem:s0], [sflag:$0x1], $0x80, v4, vm0, $0xb8;
	[tilespmem:$0x10280] =	vst v63  }
0x54: {  	s11 =	rddreg [dreg:$0xf]  }
0x55: {  	[hbm4b:s3+s2] =	stream.indirect_vreg.scatter [tilespmem:s11], [sflag:$0x1], $0x80, v3, vm0, $0xb8;
	[tilespmem:$0x10280] =	vst v63  }
0x56: {  	s0 =	rddreg [dreg:$0x10]  }
0x57: {  	[hbm4b:s4+s2] =	stream.indirect_vreg.scatter [tilespmem:s0], [sflag:$0x1], $0x80, v3, vm0, $0xb8;
	[tilespmem:$0x10280] =	vst v63  }
0x58: {  	s11 =	rddreg [dreg:$0x11]  }
0x59: {  	[hbm4b:s5+s2] =	stream.indirect_vreg.scatter [tilespmem:s11], [sflag:$0x1], $0x80, v3, vm0, $0xb8;
	[tilespmem:$0x10280] =	vst v63  }
0x5a: {  	s0 =	rddreg [dreg:$0x12]  }
0x5b: {  	[hbm4b:s6+s2] =	stream.indirect_vreg.scatter [tilespmem:s0], [sflag:$0x1], $0x80, v3, vm0, $0xb8;
	[tilespmem:$0x10280] =	vst v63  }
0x5c: {  	v3 =	vld [tilespmem:$0x110];
	_ =	sdelay $0x4  }
0x5d: {  	v61 =	vshll.u32 v3, $0x3  }
0x5e: {  	v3 =	vand.u32 $0x7, v3;
	v4 =	vand.u32 $0xFFFFFFC0, v61  }
0x5f: {  	v3 =	vor.u32 v3, v4  }
0x60: {  	v4 =	vperm.xlane v3, v0;
	_ =	sdelay $0x1  }
0x61: {  	v4 =	vadd.s32 v1, v4;
	_ =	sdelay $0x3  }
0x62: {  	s0 =	rddreg [dreg:$0x13]  }
0x63: {  	[hbm4b:s3+s2] =	stream.indirect_vreg.scatter [tilespmem:s0], [sflag:$0x1], $0x80, v4, vm0, $0xb8;
	[tilespmem:$0x10280] =	vst v63  }
0x64: {  	s11 =	rddreg [dreg:$0x14];
	v3 =	vperm.xlane v3, v2  }
0x65: {  	[hbm4b:s4+s2] =	stream.indirect_vreg.scatter [tilespmem:s11], [sflag:$0x1], $0x80, v4, vm0, $0xb8;
	[tilespmem:$0x10280] =	vst v63  }
0x66: {  	v3 =	vadd.s32 v1, v3;
	s0 =	rddreg [dreg:$0x15]  }
0x67: {  	[hbm4b:s5+s2] =	stream.indirect_vreg.scatter [tilespmem:s0], [sflag:$0x1], $0x80, v4, vm0, $0xb8;
	[tilespmem:$0x10280] =	vst v63  }
0x68: {  	s11 =	simm.s32 $0x5A80  }
0x69: {  	[hbm4b:s6+s2] =	stream.indirect_vreg.scatter [tilespmem:s11], [sflag:$0x1], $0x80, v4, vm0, $0xb8;
	[tilespmem:$0x10280] =	vst v63  }
0x6a: {  	_ = 	snop  }
0x6b: {  	[hbm4b:s3+s2] =	stream.indirect_vreg.scatter [tilespmem:s12], [sflag:$0x1], $0x80, v3, vm0, $0xb8;
	[tilespmem:$0x10280] =	vst v63  }
0x6c: {  	_ = 	snop  }
0x6d: {  	[hbm4b:s4+s2] =	stream.indirect_vreg.scatter [tilespmem:s13], [sflag:$0x1], $0x80, v3, vm0, $0xb8;
	[tilespmem:$0x10280] =	vst v63  }
0x6e: {  	_ = 	snop  }
0x6f: {  	[hbm4b:s5+s2] =	stream.indirect_vreg.scatter [tilespmem:s14], [sflag:$0x1], $0x80, v3, vm0, $0xb8;
	[tilespmem:$0x10280] =	vst v63  }
0x70: {  	_ = 	snop  }
0x71: {  	[hbm4b:s6+s2] =	stream.indirect_vreg.scatter [tilespmem:s15], [sflag:$0x1], $0x80, v3, vm0, $0xb8;
	[tilespmem:$0x10280] =	vst v63  }
0x72: {  	v3 =	vld [tilespmem:$0x120];
	_ =	sdelay $0x4  }
0x73: {  	v62 =	vshll.u32 v3, $0x3  }
0x74: {  	v3 =	vand.u32 $0x7, v3;
	v4 =	vand.u32 $0xFFFFFFC0, v62  }
0x75: {  	v3 =	vor.u32 v3, v4  }
0x76: {  	v4 =	vperm.xlane v3, v0;
	_ =	sdelay $0x1  }
0x77: {  	v4 =	vadd.s32 v1, v4;
	_ =	sdelay $0x4  }
0x78: {  	[hbm4b:s3+s2] =	stream.indirect_vreg.scatter [tilespmem:s16], [sflag:$0x1], $0x80, v4, vm0, $0xb8;
	[tilespmem:$0x10280] =	vst v63  }
0x79: {  	v3 =	vperm.xlane v3, v2  }
0x7a: {  	[hbm4b:s4+s2] =	stream.indirect_vreg.scatter [tilespmem:s17], [sflag:$0x1], $0x80, v4, vm0, $0xb8;
	[tilespmem:$0x10280] =	vst v63  }
0x7b: {  	v3 =	vadd.s32 v1, v3  }
0x7c: {  	[hbm4b:s5+s2] =	stream.indirect_vreg.scatter [tilespmem:s18], [sflag:$0x1], $0x80, v4, vm0, $0xb8;
	[tilespmem:$0x10280] =	vst v63  }
0x7d: {  	_ = 	snop  }
0x7e: {  	[hbm4b:s6+s2] =	stream.indirect_vreg.scatter [tilespmem:s19], [sflag:$0x1], $0x80, v4, vm0, $0xb8;
	[tilespmem:$0x10280] =	vst v63  }
0x7f: {  	_ = 	snop  }
0x80: {  	[hbm4b:s3+s2] =	stream.indirect_vreg.scatter [tilespmem:s20], [sflag:$0x1], $0x80, v3, vm0, $0xb8;
	[tilespmem:$0x10280] =	vst v63  }
0x81: {  	_ = 	snop  }
0x82: {  	[hbm4b:s4+s2] =	stream.indirect_vreg.scatter [tilespmem:s21], [sflag:$0x1], $0x80, v3, vm0, $0xb8;
	[tilespmem:$0x10280] =	vst v63  }
0x83: {  	_ = 	snop  }
0x84: {  	[hbm4b:s5+s2] =	stream.indirect_vreg.scatter [tilespmem:s22], [sflag:$0x1], $0x80, v3, vm0, $0xb8;
	[tilespmem:$0x10280] =	vst v63  }
0x85: {  	_ = 	snop  }
0x86: {  	[hbm4b:s6+s2] =	stream.indirect_vreg.scatter [tilespmem:s23], [sflag:$0x1], $0x80, v3, vm0, $0xb8;
	[tilespmem:$0x10280] =	vst v63  }
0x87: {  	v3 =	vld [tilespmem:$0x130];
	_ =	sdelay $0x4  }
0x88: {  	v63 =	vshll.u32 v3, $0x3  }
0x89: {  	v3 =	vand.u32 $0x7, v3;
	v4 =	vand.u32 $0xFFFFFFC0, v63  }
0x8a: {  	v3 =	vor.u32 v3, v4  }
0x8b: {  	v4 =	vperm.xlane v3, v0;
	_ =	sdelay $0x1  }
0x8c: {  	v4 =	vadd.s32 v1, v4;
	_ =	sdelay $0x4  }
0x8d: {  	[hbm4b:s3+s2] =	stream.indirect_vreg.scatter [tilespmem:s24], [sflag:$0x1], $0x80, v4, vm0, $0xb8;
	[tilespmem:$0x10280] =	vst v63  }
0x8e: {  	v3 =	vperm.xlane v3, v2  }
0x8f: {  	[hbm4b:s4+s2] =	stream.indirect_vreg.scatter [tilespmem:s25], [sflag:$0x1], $0x80, v4, vm0, $0xb8;
	[tilespmem:$0x10280] =	vst v63  }
0x90: {  	v3 =	vadd.s32 v1, v3  }
0x91: {  	[hbm4b:s5+s2] =	stream.indirect_vreg.scatter [tilespmem:s26], [sflag:$0x1], $0x80, v4, vm0, $0xb8;
	[tilespmem:$0x10280] =	vst v63  }
0x92: {  	_ = 	snop  }
0x93: {  	[hbm4b:s6+s2] =	stream.indirect_vreg.scatter [tilespmem:s28], [sflag:$0x1], $0x80, v4, vm0, $0xb8;
	[tilespmem:$0x10280] =	vst v63  }
0x94: {  	_ = 	snop  }
0x95: {  	[hbm4b:s3+s2] =	stream.indirect_vreg.scatter [tilespmem:s29], [sflag:$0x1], $0x80, v3, vm0, $0xb8;
	[tilespmem:$0x10280] =	vst v63  }
0x96: {  	_ = 	snop  }
0x97: {  	[hbm4b:s4+s2] =	stream.indirect_vreg.scatter [tilespmem:s30], [sflag:$0x1], $0x80, v3, vm0, $0xb8;
	[tilespmem:$0x10280] =	vst v63  }
0x98: {  	p0 =	sne.s32 s7, $0x1  }
0x99: {  	[hbm4b:s5+s2] =	stream.indirect_vreg.scatter [tilespmem:s31], [sflag:$0x1], $0x80, v3, vm0, $0xb8;
	[tilespmem:$0x10280] =	vst v63  }
.Ltmp0:
0x9a: {  	_ = 	snop;
	(pc) =	sbr.rel @p0 .LBB2_1-.Ltmp0, $4  }
0x9b: {  	[hbm4b:s6+s2] =	stream.indirect_vreg.scatter [tilespmem:s1], [sflag:$0x1], $0x80, v3, vm0, $0xb8;
	[tilespmem:$0x10280] =	vst v63  }
0x9c: {  	_ =	swait.ge [sflag:s8], $0x10000  }
0x9d: {  	[sflag:s8] =	ssyncset.done $0x0  }
0x9e: {  	s7 =	sadd.s32 $0xFFFFFFFF, s7;
	[sflag:s8] =	ssyncadd.s32 $0xFFFF0000  }
0x9f: {  	_ =	sfence.sel $0x180000  }
0xa0: {  	[bflag:$0x0] =	sbarrier.arrive $0xFFFF  }
0xa1: {  	_ =	strace $0x90000047  }
0xa2: {  	s0 =	stileid.u32;
	[bflag:$0x2] =	sbarrier.arrive $0xFFFF  }
0xa3: {  	p0 =	sne.s32 s0, $0x0;
	s0 =	rddreg [dreg:$0x3]  }
0xa4: {  	s0 =	sadd.s32 @!p0 $0x100000, s0  }
0xa5: {  	[sflag:s0] =	ssyncadd.tile.s32 @!p0 $0x1;
	_ =	shalt  }
.Lfunc_end2:
_tile_overlayer_lowered:
.L_overlay_start_2:
0xa6: {  	(tag) =	ssettag $0x2  }
0xa7: {  	s0 =	rddreg [dreg:$0x0];
	s2 =	stileid.u32  }
0xa8: {  	s1 =	rddreg [dreg:$0x1];
	p0 =	sne.s32 s2, $0x0  }
0xa9: {  	s3 =	rddreg [dreg:$0x2];
	[bflag:$0x3] =	sbarrier.arrive $0xFFFF;
	s2 =	simm.s32 @!p0 $0x1C01  }
0xaa: {  	[timem:s3], [sflag:s2] =	dma.local @!p0 [hbm:s0], s1  }
0xab: {  	s0 =	simm.s32 @!p0 $0x1  }
0xac: {  	_ =	swait.ge @!p0 [sflag:s0], s1  }
0xad: {  	s1 =	ssub.s32 @!p0 $0x0, s1;
	[sflag:s0] =	ssyncset.done @!p0 $0x0  }
0xae: {  	[sflag:s0] =	ssyncadd.s32 @!p0 s1  }
0xaf: {  	[bflag:$0x3] =	sbarrier.arrive $0xFFFF  }
0xb0: {  	_ =	shalt  }

</sc_bundles>
